<compile_context>
chip_gen: v7x
topology: tpu7x:2x2x1
jax: 0.10.2.dev20260603
libtpu: 0.0.44.dev20260713+nightly
codegen_flags: <defaults>
</compile_context>

<pallas_src>
import functools

import jax
import jax.numpy as jnp
from jax import lax
from jax.experimental import pallas as pl
from jax.experimental.pallas import tpu as pltpu
from jax.experimental.pallas import tpu_sc as plsc

D_MODEL = 64
LANE = 128
NUM_CORES = 2
NUM_SUBCORES = 16
NUM_WORKERS = NUM_CORES * NUM_SUBCORES



@functools.cache
def _build_trans(vocab):
    full_tiles = vocab // LANE - (1 if vocab % LANE else 0)
    tail_rows = vocab - full_tiles * LANE

    mesh = plsc.VectorSubcoreMesh(core_axis_name="c", subcore_axis_name="s")

    @functools.partial(
        pl.kernel,
        mesh=mesh,
        compiler_params=pltpu.CompilerParams(needs_layout_passes=False),
        out_type=jax.ShapeDtypeStruct((vocab, LANE), jnp.float32),
        scratch_types=[
            pltpu.VMEM((D_MODEL, LANE), jnp.float32),
            pltpu.VMEM((D_MODEL, LANE), jnp.float32),
            pltpu.VMEM((LANE, LANE), jnp.float32),
            pltpu.VMEM((LANE, LANE), jnp.float32),
            pltpu.SemaphoreType.DMA,
            pltpu.SemaphoreType.DMA,
            pltpu.SemaphoreType.DMA,
            pltpu.SemaphoreType.DMA,
        ],
    )
    def trans_kernel(tabt_hbm, tail_hbm, out_hbm,
                     gi0, gi1, go0, go1, si0, si1, so0, so1):
        w = lax.axis_index("s") * NUM_CORES + lax.axis_index("c")
        gis, gos = (gi0, gi1), (go0, go1)
        sis, sos = (si0, si1), (so0, so1)
        my_jobs = (full_tiles - w + NUM_WORKERS - 1) // NUM_WORKERS

        iota = lax.iota(jnp.int32, 16)

        def fire_in(k, b):
            t = w + k * NUM_WORKERS
            for a in range(8):
                pltpu.async_copy(
                    tabt_hbm.at[pl.ds(8 * a, 8), pl.ds(t * LANE, LANE)],
                    gis[b].at[pl.ds(8 * a, 8)], sis[b])

        def wait_in(b):
            for a in range(8):
                pltpu.make_async_copy(
                    tabt_hbm.at[pl.ds(8 * a, 8), pl.ds(0, LANE)],
                    gis[b].at[pl.ds(8 * a, 8)], sis[b]).wait()

        def fire_out(k, b):
            t = w + k * NUM_WORKERS
            pltpu.async_copy(gos[b], out_hbm.at[pl.ds(t * LANE, LANE)],
                             sos[b])

        def wait_out(b):
            pltpu.make_async_copy(gos[b], out_hbm.at[pl.ds(0, LANE)],
                                  sos[b]).wait()

        @pl.when(w == 0)
        def _():
            pltpu.sync_copy(tail_hbm,
                            out_hbm.at[pl.ds(full_tiles * LANE, tail_rows)])

        fire_in(0, 0)

        n_iters = (full_tiles // NUM_WORKERS + 2) // 2 * 2

        @pl.loop(0, n_iters, step=2)
        def _(k0):
            for b in (0, 1):
                k = k0 + b
                nb = 1 - b

                @pl.when(k < my_jobs)
                def _():
                    wait_in(b)

                    @pl.when(k + 1 < my_jobs)
                    def _():
                        fire_in(k + 1, nb)

                    @pl.when(k >= 2)
                    def _():
                        wait_out(b)

                    @plsc.parallel_loop(0, 512, unroll=8)
                    def _(i):
                        viota = iota + ((i >> 2) & 0x70)
                        dperm = ((iota + (i & 15)) & 15) | (i & 0x30)
                        v = plsc.load_gather(gis[b], [dperm, viota])
                        plsc.store_scatter(gos[b], [viota, dperm], v)
                    fire_out(k, b)

        for b in (0, 1):
            pending = (((my_jobs >= 1) & (((my_jobs - 1) % 2) == b))
                       | ((my_jobs >= 2) & ((my_jobs % 2) == b)))

            @pl.when(pending)
            def _(b=b):
                wait_out(b)

    return trans_kernel


@functools.cache
def _build(seq, batch, vocab):
    assert batch == LANE * NUM_WORKERS and seq % 2 == 0
    n_bt = batch // LANE

    mesh = plsc.VectorSubcoreMesh(core_axis_name="c", subcore_axis_name="s")

    @functools.partial(
        pl.kernel,
        mesh=mesh,
        compiler_params=pltpu.CompilerParams(needs_layout_passes=False),
        out_type=jax.ShapeDtypeStruct((seq, 8, n_bt, 8, LANE), jnp.float32),
        scratch_types=[
            pltpu.VMEM((seq, LANE), jnp.int32),
            pltpu.VMEM((LANE, LANE), jnp.float32),
            pltpu.VMEM((LANE, LANE), jnp.float32),
            pltpu.VMEM((D_MODEL, LANE), jnp.float32),
            pltpu.VMEM((D_MODEL, LANE), jnp.float32),
            pltpu.SemaphoreType.DMA,
            pltpu.SemaphoreType.DMA,
            pltpu.SemaphoreType.DMA,
            pltpu.SemaphoreType.DMA,
        ],
    )
    def gather_kernel(tokt_hbm, table_hbm, out_hbm,
                      idxall, g0, g1, ob0, ob1, sg0, sg1, so0, so1):
        bt = lax.axis_index("s") * NUM_CORES + lax.axis_index("c")
        gs, obs, sgs, sos = (g0, g1), (ob0, ob1), (sg0, sg1), (so0, so1)

        def fire_gather(s, b):
            pltpu.async_copy(table_hbm.at[idxall.at[s]], gs[b], sgs[b])

        def wait_gather(b):
            pltpu.make_async_copy(table_hbm.at[idxall.at[0]], gs[b],
                                  sgs[b]).wait()

        def fire_out(s, b):
            for ad in range(8):
                pltpu.async_copy(obs[b].at[pl.ds(8 * ad, 8)],
                                 out_hbm.at[s, ad, bt], sos[b])

        def wait_out(b):
            for ad in range(8):
                pltpu.make_async_copy(obs[b].at[pl.ds(0, 8)],
                                      out_hbm.at[0, 0, bt], sos[b]).wait()

        pltpu.sync_copy(tokt_hbm.at[:, pl.ds(bt * LANE, LANE)], idxall)

        iota = lax.iota(jnp.int32, 16)
        rows_vs = [iota + 16 * rb for rb in range(8)]
        perms = [(iota + d) % 16 for d in range(16)]

        fire_gather(0, 0)

        @pl.loop(0, seq, step=2)
        def _(s0):
            for b in (0, 1):
                s = s0 + b
                nb = 1 - b
                wait_gather(b)

                @pl.when(s + 1 < seq)
                def _():
                    fire_gather(s + 1, nb)

                @pl.when(s >= 2)
                def _():
                    wait_out(b)

                @plsc.parallel_loop(0, 512, unroll=8)
                def _(i):
                    rows_v = iota + ((i >> 2) & 0x70)
                    cols_v = ((iota + (i & 15)) & 15) | (i & 0x30)
                    v = plsc.load_gather(gs[b], [rows_v, cols_v])
                    plsc.store_scatter(obs[b], [cols_v, rows_v], v)
                fire_out(s, b)

        wait_out(0)
        wait_out(1)

    return gather_kernel


def kernel(token_ids, embedding_weight):
    batch, seq = token_ids.shape
    vocab, d = embedding_weight.shape
    tokt = token_ids.T.astype(jnp.int32)
    full = (vocab // LANE - (1 if vocab % LANE else 0)) * LANE
    tail128 = jnp.pad(embedding_weight[full:], ((0, 0), (0, LANE - d)))
    table128 = _build_trans(vocab)(embedding_weight.T, tail128)
    out5 = _build(seq, batch, vocab)(tokt, table128)
    return out5.transpose(2, 4, 0, 1, 3).reshape(batch, seq, d)

# --- scband reference (transcript-rebuilt; emitter-appended) ---
"""Pipeline reference for scband-ghost-phase-embedding-78039555769041 (READ-ONLY COPY).

The authoritative reference and input builder live on the scoring server;
editing this copy changes nothing except your own understanding.
"""

import jax, jax.numpy as jnp
import numpy as np

VOCAB_SIZE = 1000000
D_MODEL = 64
MAX_VOCAB_SIZE = 1000000
BATCH = 4096
SEQ_LEN = 200


def setup_inputs(seed: int = 0) -> dict:
    key = jax.random.key(seed)
    k_idx, k_tab = jax.random.split(key)
    token_ids = jax.random.randint(k_idx, (BATCH, SEQ_LEN), 0, VOCAB_SIZE, dtype=jnp.int64 if jax.config.jax_enable_x64 else jnp.int32)
    embedding_weight = jax.random.normal(k_tab, (MAX_VOCAB_SIZE, D_MODEL), dtype=jnp.float32)
    return {"token_ids": token_ids, "embedding_weight": embedding_weight}


def reference(token_ids, embedding_weight):
    # GhostPhaseEmbedding.forward with ghost_tokens == {} (state at construction):
    # embeds = self.embedding(token_ids); early return since no ghost tokens.
    embeds = jnp.take(embedding_weight, token_ids, axis=0)
    return embeds

if __name__ == "__main__":
    import jax
    _d = setup_inputs()
    print(jax.jit(kernel)(*tuple(_d.values())))

</pallas_src>

<mosaic_0001>
#map = affine_map<(d0, d1) -> (0, 0)>
#map1 = affine_map<(d0, d1) -> (0, 0, 0, 0, 0)>
module attributes {stable_mosaic.version = 14 : i64} {
  func.func @gather_kernel(%arg0: i32, %arg1: i32, %arg2: memref<200x4096xi32, #tpu.memory_space<hbm>>, %arg3: memref<1000000x128xf32, #tpu.memory_space<hbm>>, %arg4: memref<200x8x32x8x128xf32, #tpu.memory_space<hbm>>, %arg5: memref<200x128xi32, #tpu.memory_space<vmem>>, %arg6: memref<128x128xf32, #tpu.memory_space<vmem>>, %arg7: memref<128x128xf32, #tpu.memory_space<vmem>>, %arg8: memref<64x128xf32, #tpu.memory_space<vmem>>, %arg9: memref<64x128xf32, #tpu.memory_space<vmem>>, %arg10: memref<!tpu.dma_semaphore, #tpu.memory_space<semaphore_mem>>, %arg11: memref<!tpu.dma_semaphore, #tpu.memory_space<semaphore_mem>>, %arg12: memref<!tpu.dma_semaphore, #tpu.memory_space<semaphore_mem>>, %arg13: memref<!tpu.dma_semaphore, #tpu.memory_space<semaphore_mem>>) attributes {dimension_semantics = [#tpu.dimension_semantics<core_parallel>, #tpu.dimension_semantics<subcore_parallel>], iteration_bounds = array<i64: 2, 16>, scalar_prefetch = 0 : i64, scratch_operands = 9 : i64, tpu.core_type = #tpu.core_type<sc_vector_subcore>, window_params = [{transform_indices = #map}, {transform_indices = #map}, {transform_indices = #map1}]} {
    %mul3A = arith.constant 2 : i32
    %mul3A_0 = arith.muli %arg1, %mul3A : i32
    %add3A = arith.addi %mul3A_0, %arg0 : i32
    %mul3A_1 = arith.constant 128 : i32
    %mul3A_2 = arith.muli %add3A, %mul3A_1 : i32
    "tpu.region"() ({
      %run_scoped3A = tpu.sem_alloc : memref<!tpu.dma_semaphore, #tpu.memory_space<semaphore_mem>>
      %dma_start3A_685 = arith.constant 0 : i32
      %dma_start3A_686 = tpu.memref_slice %arg2[%dma_start3A_685, %mul3A_2] : memref<200x4096xi32, #tpu.memory_space<hbm>> -> memref<200x128xi32, #tpu.memory_space<hbm>>
      %dma_start3A_687 = arith.constant 0 : i32
      %dma_start3A_688 = tpu.memref_slice %arg2[%dma_start3A_687, %mul3A_2] : memref<200x4096xi32, #tpu.memory_space<hbm>> -> memref<200x128xi32, #tpu.memory_space<hbm>>
      tpu.enqueue_dma source(%dma_start3A_688 : memref<200x128xi32, #tpu.memory_space<hbm>>) target(%arg5 : memref<200x128xi32, #tpu.memory_space<vmem>>) target_semaphore(%run_scoped3A : memref<!tpu.dma_semaphore, #tpu.memory_space<semaphore_mem>>)
      %dma_wait3A_689 = arith.constant 0 : i32
      %dma_wait3A_690 = tpu.memref_slice %arg2[%dma_wait3A_689, %mul3A_2] : memref<200x4096xi32, #tpu.memory_space<hbm>> -> memref<200x128xi32, #tpu.memory_space<hbm>>
      %dma_wait3A_691 = arith.constant 0 : i32
      %dma_wait3A_692 = tpu.memref_slice %arg2[%dma_wait3A_691, %mul3A_2] : memref<200x4096xi32, #tpu.memory_space<hbm>> -> memref<200x128xi32, #tpu.memory_space<hbm>>
      tpu.wait_dma2 semaphore(%run_scoped3A : memref<!tpu.dma_semaphore, #tpu.memory_space<semaphore_mem>>) src(%dma_wait3A_692 : memref<200x128xi32, #tpu.memory_space<hbm>>) dst(%arg5 : memref<200x128xi32, #tpu.memory_space<vmem>>)
      tpu.yield
    }) : () -> ()
    %iota3A = tpu.iota {dimensions = array<i32: 0>} : vector<16xi32>
    %add3A_3 = arith.constant 0 : i32
    %add3A_4 = vector.broadcast %add3A_3 : i32 to vector<16xi32>
    %add3A_5 = arith.addi %iota3A, %add3A_4 : vector<16xi32>
    %add3A_6 = arith.constant 16 : i32
    %add3A_7 = vector.broadcast %add3A_6 : i32 to vector<16xi32>
    %add3A_8 = arith.addi %iota3A, %add3A_7 : vector<16xi32>
    %add3A_9 = arith.constant 32 : i32
    %add3A_10 = vector.broadcast %add3A_9 : i32 to vector<16xi32>
    %add3A_11 = arith.addi %iota3A, %add3A_10 : vector<16xi32>
    %add3A_12 = arith.constant 48 : i32
    %add3A_13 = vector.broadcast %add3A_12 : i32 to vector<16xi32>
    %add3A_14 = arith.addi %iota3A, %add3A_13 : vector<16xi32>
    %add3A_15 = arith.constant 64 : i32
    %add3A_16 = vector.broadcast %add3A_15 : i32 to vector<16xi32>
    %add3A_17 = arith.addi %iota3A, %add3A_16 : vector<16xi32>
    %add3A_18 = arith.constant 80 : i32
    %add3A_19 = vector.broadcast %add3A_18 : i32 to vector<16xi32>
    %add3A_20 = arith.addi %iota3A, %add3A_19 : vector<16xi32>
    %add3A_21 = arith.constant 96 : i32
    %add3A_22 = vector.broadcast %add3A_21 : i32 to vector<16xi32>
    %add3A_23 = arith.addi %iota3A, %add3A_22 : vector<16xi32>
    %add3A_24 = arith.constant 112 : i32
    %add3A_25 = vector.broadcast %add3A_24 : i32 to vector<16xi32>
    %add3A_26 = arith.addi %iota3A, %add3A_25 : vector<16xi32>
    %add3A_27 = arith.constant 0 : i32
    %add3A_28 = vector.broadcast %add3A_27 : i32 to vector<16xi32>
    %add3A_29 = arith.addi %iota3A, %add3A_28 : vector<16xi32>
    %jit3A = arith.constant 16 : i32
    %eq3A = arith.constant 0 : i32
    %eq3A_30 = arith.cmpi eq, %jit3A, %eq3A : i32
    %jit3A_31 = arith.constant 1 : i32
    %select_n3A = arith.select %eq3A_30, %jit3A_31, %jit3A : i32
    %rem3A = vector.broadcast %select_n3A : i32 to vector<16xi32>
    %rem3A_32 = arith.remsi %add3A_29, %rem3A : vector<16xi32>
    %ne3A = arith.constant 0 : i32
    %ne3A_33 = vector.broadcast %ne3A : i32 to vector<16xi32>
    %ne3A_34 = arith.cmpi ne, %rem3A_32, %ne3A_33 : vector<16xi32>
    %lt3A = arith.constant 0 : i32
    %lt3A_35 = vector.broadcast %lt3A : i32 to vector<16xi32>
    %lt3A_36 = arith.cmpi slt, %rem3A_32, %lt3A_35 : vector<16xi32>
    %lt3A_37 = arith.constant 0 : i32
    %lt3A_38 = arith.cmpi slt, %select_n3A, %lt3A_37 : i32
    %ne3A_39 = vector.broadcast %lt3A_38 : i1 to vector<16xi1>
    %ne3A_40 = vector.broadcast %ne3A_39 : vector<16xi1> to vector<16xi1>
    %ne3A_41 = arith.xori %lt3A_36, %ne3A_40 : vector<16xi1>
    %and3A = arith.andi %ne3A_41, %ne3A_34 : vector<16xi1>
    %add3A_42 = vector.broadcast %select_n3A : i32 to vector<16xi32>
    %add3A_43 = arith.addi %rem3A_32, %add3A_42 : vector<16xi32>
    %select_n3A_44 = arith.select %and3A, %add3A_43, %rem3A_32 : vector<16xi1>, vector<16xi32>
    %add3A_45 = arith.constant 1 : i32
    %add3A_46 = vector.broadcast %add3A_45 : i32 to vector<16xi32>
    %add3A_47 = arith.addi %iota3A, %add3A_46 : vector<16xi32>
    %jit3A_48 = arith.constant 16 : i32
    %eq3A_49 = arith.constant 0 : i32
    %eq3A_50 = arith.cmpi eq, %jit3A_48, %eq3A_49 : i32
    %jit3A_51 = arith.constant 1 : i32
    %select_n3A_52 = arith.select %eq3A_50, %jit3A_51, %jit3A_48 : i32
    %rem3A_53 = vector.broadcast %select_n3A_52 : i32 to vector<16xi32>
    %rem3A_54 = arith.remsi %add3A_47, %rem3A_53 : vector<16xi32>
    %ne3A_55 = arith.constant 0 : i32
    %ne3A_56 = vector.broadcast %ne3A_55 : i32 to vector<16xi32>
    %ne3A_57 = arith.cmpi ne, %rem3A_54, %ne3A_56 : vector<16xi32>
    %lt3A_58 = arith.constant 0 : i32
    %lt3A_59 = vector.broadcast %lt3A_58 : i32 to vector<16xi32>
    %lt3A_60 = arith.cmpi slt, %rem3A_54, %lt3A_59 : vector<16xi32>
    %lt3A_61 = arith.constant 0 : i32
    %lt3A_62 = arith.cmpi slt, %select_n3A_52, %lt3A_61 : i32
    %ne3A_63 = vector.broadcast %lt3A_62 : i1 to vector<16xi1>
    %ne3A_64 = vector.broadcast %ne3A_63 : vector<16xi1> to vector<16xi1>
    %ne3A_65 = arith.xori %lt3A_60, %ne3A_64 : vector<16xi1>
    %and3A_66 = arith.andi %ne3A_65, %ne3A_57 : vector<16xi1>
    %add3A_67 = vector.broadcast %select_n3A_52 : i32 to vector<16xi32>
    %add3A_68 = arith.addi %rem3A_54, %add3A_67 : vector<16xi32>
    %select_n3A_69 = arith.select %and3A_66, %add3A_68, %rem3A_54 : vector<16xi1>, vector<16xi32>
    %add3A_70 = arith.constant 2 : i32
    %add3A_71 = vector.broadcast %add3A_70 : i32 to vector<16xi32>
    %add3A_72 = arith.addi %iota3A, %add3A_71 : vector<16xi32>
    %jit3A_73 = arith.constant 16 : i32
    %eq3A_74 = arith.constant 0 : i32
    %eq3A_75 = arith.cmpi eq, %jit3A_73, %eq3A_74 : i32
    %jit3A_76 = arith.constant 1 : i32
    %select_n3A_77 = arith.select %eq3A_75, %jit3A_76, %jit3A_73 : i32
    %rem3A_78 = vector.broadcast %select_n3A_77 : i32 to vector<16xi32>
    %rem3A_79 = arith.remsi %add3A_72, %rem3A_78 : vector<16xi32>
    %ne3A_80 = arith.constant 0 : i32
    %ne3A_81 = vector.broadcast %ne3A_80 : i32 to vector<16xi32>
    %ne3A_82 = arith.cmpi ne, %rem3A_79, %ne3A_81 : vector<16xi32>
    %lt3A_83 = arith.constant 0 : i32
    %lt3A_84 = vector.broadcast %lt3A_83 : i32 to vector<16xi32>
    %lt3A_85 = arith.cmpi slt, %rem3A_79, %lt3A_84 : vector<16xi32>
    %lt3A_86 = arith.constant 0 : i32
    %lt3A_87 = arith.cmpi slt, %select_n3A_77, %lt3A_86 : i32
    %ne3A_88 = vector.broadcast %lt3A_87 : i1 to vector<16xi1>
    %ne3A_89 = vector.broadcast %ne3A_88 : vector<16xi1> to vector<16xi1>
    %ne3A_90 = arith.xori %lt3A_85, %ne3A_89 : vector<16xi1>
    %and3A_91 = arith.andi %ne3A_90, %ne3A_82 : vector<16xi1>
    %add3A_92 = vector.broadcast %select_n3A_77 : i32 to vector<16xi32>
    %add3A_93 = arith.addi %rem3A_79, %add3A_92 : vector<16xi32>
    %select_n3A_94 = arith.select %and3A_91, %add3A_93, %rem3A_79 : vector<16xi1>, vector<16xi32>
    %add3A_95 = arith.constant 3 : i32
    %add3A_96 = vector.broadcast %add3A_95 : i32 to vector<16xi32>
    %add3A_97 = arith.addi %iota3A, %add3A_96 : vector<16xi32>
    %jit3A_98 = arith.constant 16 : i32
    %eq3A_99 = arith.constant 0 : i32
    %eq3A_100 = arith.cmpi eq, %jit3A_98, %eq3A_99 : i32
    %jit3A_101 = arith.constant 1 : i32
    %select_n3A_102 = arith.select %eq3A_100, %jit3A_101, %jit3A_98 : i32
    %rem3A_103 = vector.broadcast %select_n3A_102 : i32 to vector<16xi32>
    %rem3A_104 = arith.remsi %add3A_97, %rem3A_103 : vector<16xi32>
    %ne3A_105 = arith.constant 0 : i32
    %ne3A_106 = vector.broadcast %ne3A_105 : i32 to vector<16xi32>
    %ne3A_107 = arith.cmpi ne, %rem3A_104, %ne3A_106 : vector<16xi32>
    %lt3A_108 = arith.constant 0 : i32
    %lt3A_109 = vector.broadcast %lt3A_108 : i32 to vector<16xi32>
    %lt3A_110 = arith.cmpi slt, %rem3A_104, %lt3A_109 : vector<16xi32>
    %lt3A_111 = arith.constant 0 : i32
    %lt3A_112 = arith.cmpi slt, %select_n3A_102, %lt3A_111 : i32
    %ne3A_113 = vector.broadcast %lt3A_112 : i1 to vector<16xi1>
    %ne3A_114 = vector.broadcast %ne3A_113 : vector<16xi1> to vector<16xi1>
    %ne3A_115 = arith.xori %lt3A_110, %ne3A_114 : vector<16xi1>
    %and3A_116 = arith.andi %ne3A_115, %ne3A_107 : vector<16xi1>
    %add3A_117 = vector.broadcast %select_n3A_102 : i32 to vector<16xi32>
    %add3A_118 = arith.addi %rem3A_104, %add3A_117 : vector<16xi32>
    %select_n3A_119 = arith.select %and3A_116, %add3A_118, %rem3A_104 : vector<16xi1>, vector<16xi32>
    %add3A_120 = arith.constant 4 : i32
    %add3A_121 = vector.broadcast %add3A_120 : i32 to vector<16xi32>
    %add3A_122 = arith.addi %iota3A, %add3A_121 : vector<16xi32>
    %jit3A_123 = arith.constant 16 : i32
    %eq3A_124 = arith.constant 0 : i32
    %eq3A_125 = arith.cmpi eq, %jit3A_123, %eq3A_124 : i32
    %jit3A_126 = arith.constant 1 : i32
    %select_n3A_127 = arith.select %eq3A_125, %jit3A_126, %jit3A_123 : i32
    %rem3A_128 = vector.broadcast %select_n3A_127 : i32 to vector<16xi32>
    %rem3A_129 = arith.remsi %add3A_122, %rem3A_128 : vector<16xi32>
    %ne3A_130 = arith.constant 0 : i32
    %ne3A_131 = vector.broadcast %ne3A_130 : i32 to vector<16xi32>
    %ne3A_132 = arith.cmpi ne, %rem3A_129, %ne3A_131 : vector<16xi32>
    %lt3A_133 = arith.constant 0 : i32
    %lt3A_134 = vector.broadcast %lt3A_133 : i32 to vector<16xi32>
    %lt3A_135 = arith.cmpi slt, %rem3A_129, %lt3A_134 : vector<16xi32>
    %lt3A_136 = arith.constant 0 : i32
    %lt3A_137 = arith.cmpi slt, %select_n3A_127, %lt3A_136 : i32
    %ne3A_138 = vector.broadcast %lt3A_137 : i1 to vector<16xi1>
    %ne3A_139 = vector.broadcast %ne3A_138 : vector<16xi1> to vector<16xi1>
    %ne3A_140 = arith.xori %lt3A_135, %ne3A_139 : vector<16xi1>
    %and3A_141 = arith.andi %ne3A_140, %ne3A_132 : vector<16xi1>
    %add3A_142 = vector.broadcast %select_n3A_127 : i32 to vector<16xi32>
    %add3A_143 = arith.addi %rem3A_129, %add3A_142 : vector<16xi32>
    %select_n3A_144 = arith.select %and3A_141, %add3A_143, %rem3A_129 : vector<16xi1>, vector<16xi32>
    %add3A_145 = arith.constant 5 : i32
    %add3A_146 = vector.broadcast %add3A_145 : i32 to vector<16xi32>
    %add3A_147 = arith.addi %iota3A, %add3A_146 : vector<16xi32>
    %jit3A_148 = arith.constant 16 : i32
    %eq3A_149 = arith.constant 0 : i32
    %eq3A_150 = arith.cmpi eq, %jit3A_148, %eq3A_149 : i32
    %jit3A_151 = arith.constant 1 : i32
    %select_n3A_152 = arith.select %eq3A_150, %jit3A_151, %jit3A_148 : i32
    %rem3A_153 = vector.broadcast %select_n3A_152 : i32 to vector<16xi32>
    %rem3A_154 = arith.remsi %add3A_147, %rem3A_153 : vector<16xi32>
    %ne3A_155 = arith.constant 0 : i32
    %ne3A_156 = vector.broadcast %ne3A_155 : i32 to vector<16xi32>
    %ne3A_157 = arith.cmpi ne, %rem3A_154, %ne3A_156 : vector<16xi32>
    %lt3A_158 = arith.constant 0 : i32
    %lt3A_159 = vector.broadcast %lt3A_158 : i32 to vector<16xi32>
    %lt3A_160 = arith.cmpi slt, %rem3A_154, %lt3A_159 : vector<16xi32>
    %lt3A_161 = arith.constant 0 : i32
    %lt3A_162 = arith.cmpi slt, %select_n3A_152, %lt3A_161 : i32
    %ne3A_163 = vector.broadcast %lt3A_162 : i1 to vector<16xi1>
    %ne3A_164 = vector.broadcast %ne3A_163 : vector<16xi1> to vector<16xi1>
    %ne3A_165 = arith.xori %lt3A_160, %ne3A_164 : vector<16xi1>
    %and3A_166 = arith.andi %ne3A_165, %ne3A_157 : vector<16xi1>
    %add3A_167 = vector.broadcast %select_n3A_152 : i32 to vector<16xi32>
    %add3A_168 = arith.addi %rem3A_154, %add3A_167 : vector<16xi32>
    %select_n3A_169 = arith.select %and3A_166, %add3A_168, %rem3A_154 : vector<16xi1>, vector<16xi32>
    %add3A_170 = arith.constant 6 : i32
    %add3A_171 = vector.broadcast %add3A_170 : i32 to vector<16xi32>
    %add3A_172 = arith.addi %iota3A, %add3A_171 : vector<16xi32>
    %jit3A_173 = arith.constant 16 : i32
    %eq3A_174 = arith.constant 0 : i32
    %eq3A_175 = arith.cmpi eq, %jit3A_173, %eq3A_174 : i32
    %jit3A_176 = arith.constant 1 : i32
    %select_n3A_177 = arith.select %eq3A_175, %jit3A_176, %jit3A_173 : i32
    %rem3A_178 = vector.broadcast %select_n3A_177 : i32 to vector<16xi32>
    %rem3A_179 = arith.remsi %add3A_172, %rem3A_178 : vector<16xi32>
    %ne3A_180 = arith.constant 0 : i32
    %ne3A_181 = vector.broadcast %ne3A_180 : i32 to vector<16xi32>
    %ne3A_182 = arith.cmpi ne, %rem3A_179, %ne3A_181 : vector<16xi32>
    %lt3A_183 = arith.constant 0 : i32
    %lt3A_184 = vector.broadcast %lt3A_183 : i32 to vector<16xi32>
    %lt3A_185 = arith.cmpi slt, %rem3A_179, %lt3A_184 : vector<16xi32>
    %lt3A_186 = arith.constant 0 : i32
    %lt3A_187 = arith.cmpi slt, %select_n3A_177, %lt3A_186 : i32
    %ne3A_188 = vector.broadcast %lt3A_187 : i1 to vector<16xi1>
    %ne3A_189 = vector.broadcast %ne3A_188 : vector<16xi1> to vector<16xi1>
    %ne3A_190 = arith.xori %lt3A_185, %ne3A_189 : vector<16xi1>
    %and3A_191 = arith.andi %ne3A_190, %ne3A_182 : vector<16xi1>
    %add3A_192 = vector.broadcast %select_n3A_177 : i32 to vector<16xi32>
    %add3A_193 = arith.addi %rem3A_179, %add3A_192 : vector<16xi32>
    %select_n3A_194 = arith.select %and3A_191, %add3A_193, %rem3A_179 : vector<16xi1>, vector<16xi32>
    %add3A_195 = arith.constant 7 : i32
    %add3A_196 = vector.broadcast %add3A_195 : i32 to vector<16xi32>
    %add3A_197 = arith.addi %iota3A, %add3A_196 : vector<16xi32>
    %jit3A_198 = arith.constant 16 : i32
    %eq3A_199 = arith.constant 0 : i32
    %eq3A_200 = arith.cmpi eq, %jit3A_198, %eq3A_199 : i32
    %jit3A_201 = arith.constant 1 : i32
    %select_n3A_202 = arith.select %eq3A_200, %jit3A_201, %jit3A_198 : i32
    %rem3A_203 = vector.broadcast %select_n3A_202 : i32 to vector<16xi32>
    %rem3A_204 = arith.remsi %add3A_197, %rem3A_203 : vector<16xi32>
    %ne3A_205 = arith.constant 0 : i32
    %ne3A_206 = vector.broadcast %ne3A_205 : i32 to vector<16xi32>
    %ne3A_207 = arith.cmpi ne, %rem3A_204, %ne3A_206 : vector<16xi32>
    %lt3A_208 = arith.constant 0 : i32
    %lt3A_209 = vector.broadcast %lt3A_208 : i32 to vector<16xi32>
    %lt3A_210 = arith.cmpi slt, %rem3A_204, %lt3A_209 : vector<16xi32>
    %lt3A_211 = arith.constant 0 : i32
    %lt3A_212 = arith.cmpi slt, %select_n3A_202, %lt3A_211 : i32
    %ne3A_213 = vector.broadcast %lt3A_212 : i1 to vector<16xi1>
    %ne3A_214 = vector.broadcast %ne3A_213 : vector<16xi1> to vector<16xi1>
    %ne3A_215 = arith.xori %lt3A_210, %ne3A_214 : vector<16xi1>
    %and3A_216 = arith.andi %ne3A_215, %ne3A_207 : vector<16xi1>
    %add3A_217 = vector.broadcast %select_n3A_202 : i32 to vector<16xi32>
    %add3A_218 = arith.addi %rem3A_204, %add3A_217 : vector<16xi32>
    %select_n3A_219 = arith.select %and3A_216, %add3A_218, %rem3A_204 : vector<16xi1>, vector<16xi32>
    %add3A_220 = arith.constant 8 : i32
    %add3A_221 = vector.broadcast %add3A_220 : i32 to vector<16xi32>
    %add3A_222 = arith.addi %iota3A, %add3A_221 : vector<16xi32>
    %jit3A_223 = arith.constant 16 : i32
    %eq3A_224 = arith.constant 0 : i32
    %eq3A_225 = arith.cmpi eq, %jit3A_223, %eq3A_224 : i32
    %jit3A_226 = arith.constant 1 : i32
    %select_n3A_227 = arith.select %eq3A_225, %jit3A_226, %jit3A_223 : i32
    %rem3A_228 = vector.broadcast %select_n3A_227 : i32 to vector<16xi32>
    %rem3A_229 = arith.remsi %add3A_222, %rem3A_228 : vector<16xi32>
    %ne3A_230 = arith.constant 0 : i32
    %ne3A_231 = vector.broadcast %ne3A_230 : i32 to vector<16xi32>
    %ne3A_232 = arith.cmpi ne, %rem3A_229, %ne3A_231 : vector<16xi32>
    %lt3A_233 = arith.constant 0 : i32
    %lt3A_234 = vector.broadcast %lt3A_233 : i32 to vector<16xi32>
    %lt3A_235 = arith.cmpi slt, %rem3A_229, %lt3A_234 : vector<16xi32>
    %lt3A_236 = arith.constant 0 : i32
    %lt3A_237 = arith.cmpi slt, %select_n3A_227, %lt3A_236 : i32
    %ne3A_238 = vector.broadcast %lt3A_237 : i1 to vector<16xi1>
    %ne3A_239 = vector.broadcast %ne3A_238 : vector<16xi1> to vector<16xi1>
    %ne3A_240 = arith.xori %lt3A_235, %ne3A_239 : vector<16xi1>
    %and3A_241 = arith.andi %ne3A_240, %ne3A_232 : vector<16xi1>
    %add3A_242 = vector.broadcast %select_n3A_227 : i32 to vector<16xi32>
    %add3A_243 = arith.addi %rem3A_229, %add3A_242 : vector<16xi32>
    %select_n3A_244 = arith.select %and3A_241, %add3A_243, %rem3A_229 : vector<16xi1>, vector<16xi32>
    %add3A_245 = arith.constant 9 : i32
    %add3A_246 = vector.broadcast %add3A_245 : i32 to vector<16xi32>
    %add3A_247 = arith.addi %iota3A, %add3A_246 : vector<16xi32>
    %jit3A_248 = arith.constant 16 : i32
    %eq3A_249 = arith.constant 0 : i32
    %eq3A_250 = arith.cmpi eq, %jit3A_248, %eq3A_249 : i32
    %jit3A_251 = arith.constant 1 : i32
    %select_n3A_252 = arith.select %eq3A_250, %jit3A_251, %jit3A_248 : i32
    %rem3A_253 = vector.broadcast %select_n3A_252 : i32 to vector<16xi32>
    %rem3A_254 = arith.remsi %add3A_247, %rem3A_253 : vector<16xi32>
    %ne3A_255 = arith.constant 0 : i32
    %ne3A_256 = vector.broadcast %ne3A_255 : i32 to vector<16xi32>
    %ne3A_257 = arith.cmpi ne, %rem3A_254, %ne3A_256 : vector<16xi32>
    %lt3A_258 = arith.constant 0 : i32
    %lt3A_259 = vector.broadcast %lt3A_258 : i32 to vector<16xi32>
    %lt3A_260 = arith.cmpi slt, %rem3A_254, %lt3A_259 : vector<16xi32>
    %lt3A_261 = arith.constant 0 : i32
    %lt3A_262 = arith.cmpi slt, %select_n3A_252, %lt3A_261 : i32
    %ne3A_263 = vector.broadcast %lt3A_262 : i1 to vector<16xi1>
    %ne3A_264 = vector.broadcast %ne3A_263 : vector<16xi1> to vector<16xi1>
    %ne3A_265 = arith.xori %lt3A_260, %ne3A_264 : vector<16xi1>
    %and3A_266 = arith.andi %ne3A_265, %ne3A_257 : vector<16xi1>
    %add3A_267 = vector.broadcast %select_n3A_252 : i32 to vector<16xi32>
    %add3A_268 = arith.addi %rem3A_254, %add3A_267 : vector<16xi32>
    %select_n3A_269 = arith.select %and3A_266, %add3A_268, %rem3A_254 : vector<16xi1>, vector<16xi32>
    %add3A_270 = arith.constant 10 : i32
    %add3A_271 = vector.broadcast %add3A_270 : i32 to vector<16xi32>
    %add3A_272 = arith.addi %iota3A, %add3A_271 : vector<16xi32>
    %jit3A_273 = arith.constant 16 : i32
    %eq3A_274 = arith.constant 0 : i32
    %eq3A_275 = arith.cmpi eq, %jit3A_273, %eq3A_274 : i32
    %jit3A_276 = arith.constant 1 : i32
    %select_n3A_277 = arith.select %eq3A_275, %jit3A_276, %jit3A_273 : i32
    %rem3A_278 = vector.broadcast %select_n3A_277 : i32 to vector<16xi32>
    %rem3A_279 = arith.remsi %add3A_272, %rem3A_278 : vector<16xi32>
    %ne3A_280 = arith.constant 0 : i32
    %ne3A_281 = vector.broadcast %ne3A_280 : i32 to vector<16xi32>
    %ne3A_282 = arith.cmpi ne, %rem3A_279, %ne3A_281 : vector<16xi32>
    %lt3A_283 = arith.constant 0 : i32
    %lt3A_284 = vector.broadcast %lt3A_283 : i32 to vector<16xi32>
    %lt3A_285 = arith.cmpi slt, %rem3A_279, %lt3A_284 : vector<16xi32>
    %lt3A_286 = arith.constant 0 : i32
    %lt3A_287 = arith.cmpi slt, %select_n3A_277, %lt3A_286 : i32
    %ne3A_288 = vector.broadcast %lt3A_287 : i1 to vector<16xi1>
    %ne3A_289 = vector.broadcast %ne3A_288 : vector<16xi1> to vector<16xi1>
    %ne3A_290 = arith.xori %lt3A_285, %ne3A_289 : vector<16xi1>
    %and3A_291 = arith.andi %ne3A_290, %ne3A_282 : vector<16xi1>
    %add3A_292 = vector.broadcast %select_n3A_277 : i32 to vector<16xi32>
    %add3A_293 = arith.addi %rem3A_279, %add3A_292 : vector<16xi32>
    %select_n3A_294 = arith.select %and3A_291, %add3A_293, %rem3A_279 : vector<16xi1>, vector<16xi32>
    %add3A_295 = arith.constant 11 : i32
    %add3A_296 = vector.broadcast %add3A_295 : i32 to vector<16xi32>
    %add3A_297 = arith.addi %iota3A, %add3A_296 : vector<16xi32>
    %jit3A_298 = arith.constant 16 : i32
    %eq3A_299 = arith.constant 0 : i32
    %eq3A_300 = arith.cmpi eq, %jit3A_298, %eq3A_299 : i32
    %jit3A_301 = arith.constant 1 : i32
    %select_n3A_302 = arith.select %eq3A_300, %jit3A_301, %jit3A_298 : i32
    %rem3A_303 = vector.broadcast %select_n3A_302 : i32 to vector<16xi32>
    %rem3A_304 = arith.remsi %add3A_297, %rem3A_303 : vector<16xi32>
    %ne3A_305 = arith.constant 0 : i32
    %ne3A_306 = vector.broadcast %ne3A_305 : i32 to vector<16xi32>
    %ne3A_307 = arith.cmpi ne, %rem3A_304, %ne3A_306 : vector<16xi32>
    %lt3A_308 = arith.constant 0 : i32
    %lt3A_309 = vector.broadcast %lt3A_308 : i32 to vector<16xi32>
    %lt3A_310 = arith.cmpi slt, %rem3A_304, %lt3A_309 : vector<16xi32>
    %lt3A_311 = arith.constant 0 : i32
    %lt3A_312 = arith.cmpi slt, %select_n3A_302, %lt3A_311 : i32
    %ne3A_313 = vector.broadcast %lt3A_312 : i1 to vector<16xi1>
    %ne3A_314 = vector.broadcast %ne3A_313 : vector<16xi1> to vector<16xi1>
    %ne3A_315 = arith.xori %lt3A_310, %ne3A_314 : vector<16xi1>
    %and3A_316 = arith.andi %ne3A_315, %ne3A_307 : vector<16xi1>
    %add3A_317 = vector.broadcast %select_n3A_302 : i32 to vector<16xi32>
    %add3A_318 = arith.addi %rem3A_304, %add3A_317 : vector<16xi32>
    %select_n3A_319 = arith.select %and3A_316, %add3A_318, %rem3A_304 : vector<16xi1>, vector<16xi32>
    %add3A_320 = arith.constant 12 : i32
    %add3A_321 = vector.broadcast %add3A_320 : i32 to vector<16xi32>
    %add3A_322 = arith.addi %iota3A, %add3A_321 : vector<16xi32>
    %jit3A_323 = arith.constant 16 : i32
    %eq3A_324 = arith.constant 0 : i32
    %eq3A_325 = arith.cmpi eq, %jit3A_323, %eq3A_324 : i32
    %jit3A_326 = arith.constant 1 : i32
    %select_n3A_327 = arith.select %eq3A_325, %jit3A_326, %jit3A_323 : i32
    %rem3A_328 = vector.broadcast %select_n3A_327 : i32 to vector<16xi32>
    %rem3A_329 = arith.remsi %add3A_322, %rem3A_328 : vector<16xi32>
    %ne3A_330 = arith.constant 0 : i32
    %ne3A_331 = vector.broadcast %ne3A_330 : i32 to vector<16xi32>
    %ne3A_332 = arith.cmpi ne, %rem3A_329, %ne3A_331 : vector<16xi32>
    %lt3A_333 = arith.constant 0 : i32
    %lt3A_334 = vector.broadcast %lt3A_333 : i32 to vector<16xi32>
    %lt3A_335 = arith.cmpi slt, %rem3A_329, %lt3A_334 : vector<16xi32>
    %lt3A_336 = arith.constant 0 : i32
    %lt3A_337 = arith.cmpi slt, %select_n3A_327, %lt3A_336 : i32
    %ne3A_338 = vector.broadcast %lt3A_337 : i1 to vector<16xi1>
    %ne3A_339 = vector.broadcast %ne3A_338 : vector<16xi1> to vector<16xi1>
    %ne3A_340 = arith.xori %lt3A_335, %ne3A_339 : vector<16xi1>
    %and3A_341 = arith.andi %ne3A_340, %ne3A_332 : vector<16xi1>
    %add3A_342 = vector.broadcast %select_n3A_327 : i32 to vector<16xi32>
    %add3A_343 = arith.addi %rem3A_329, %add3A_342 : vector<16xi32>
    %select_n3A_344 = arith.select %and3A_341, %add3A_343, %rem3A_329 : vector<16xi1>, vector<16xi32>
    %add3A_345 = arith.constant 13 : i32
    %add3A_346 = vector.broadcast %add3A_345 : i32 to vector<16xi32>
    %add3A_347 = arith.addi %iota3A, %add3A_346 : vector<16xi32>
    %jit3A_348 = arith.constant 16 : i32
    %eq3A_349 = arith.constant 0 : i32
    %eq3A_350 = arith.cmpi eq, %jit3A_348, %eq3A_349 : i32
    %jit3A_351 = arith.constant 1 : i32
    %select_n3A_352 = arith.select %eq3A_350, %jit3A_351, %jit3A_348 : i32
    %rem3A_353 = vector.broadcast %select_n3A_352 : i32 to vector<16xi32>
    %rem3A_354 = arith.remsi %add3A_347, %rem3A_353 : vector<16xi32>
    %ne3A_355 = arith.constant 0 : i32
    %ne3A_356 = vector.broadcast %ne3A_355 : i32 to vector<16xi32>
    %ne3A_357 = arith.cmpi ne, %rem3A_354, %ne3A_356 : vector<16xi32>
    %lt3A_358 = arith.constant 0 : i32
    %lt3A_359 = vector.broadcast %lt3A_358 : i32 to vector<16xi32>
    %lt3A_360 = arith.cmpi slt, %rem3A_354, %lt3A_359 : vector<16xi32>
    %lt3A_361 = arith.constant 0 : i32
    %lt3A_362 = arith.cmpi slt, %select_n3A_352, %lt3A_361 : i32
    %ne3A_363 = vector.broadcast %lt3A_362 : i1 to vector<16xi1>
    %ne3A_364 = vector.broadcast %ne3A_363 : vector<16xi1> to vector<16xi1>
    %ne3A_365 = arith.xori %lt3A_360, %ne3A_364 : vector<16xi1>
    %and3A_366 = arith.andi %ne3A_365, %ne3A_357 : vector<16xi1>
    %add3A_367 = vector.broadcast %select_n3A_352 : i32 to vector<16xi32>
    %add3A_368 = arith.addi %rem3A_354, %add3A_367 : vector<16xi32>
    %select_n3A_369 = arith.select %and3A_366, %add3A_368, %rem3A_354 : vector<16xi1>, vector<16xi32>
    %add3A_370 = arith.constant 14 : i32
    %add3A_371 = vector.broadcast %add3A_370 : i32 to vector<16xi32>
    %add3A_372 = arith.addi %iota3A, %add3A_371 : vector<16xi32>
    %jit3A_373 = arith.constant 16 : i32
    %eq3A_374 = arith.constant 0 : i32
    %eq3A_375 = arith.cmpi eq, %jit3A_373, %eq3A_374 : i32
    %jit3A_376 = arith.constant 1 : i32
    %select_n3A_377 = arith.select %eq3A_375, %jit3A_376, %jit3A_373 : i32
    %rem3A_378 = vector.broadcast %select_n3A_377 : i32 to vector<16xi32>
    %rem3A_379 = arith.remsi %add3A_372, %rem3A_378 : vector<16xi32>
    %ne3A_380 = arith.constant 0 : i32
    %ne3A_381 = vector.broadcast %ne3A_380 : i32 to vector<16xi32>
    %ne3A_382 = arith.cmpi ne, %rem3A_379, %ne3A_381 : vector<16xi32>
    %lt3A_383 = arith.constant 0 : i32
    %lt3A_384 = vector.broadcast %lt3A_383 : i32 to vector<16xi32>
    %lt3A_385 = arith.cmpi slt, %rem3A_379, %lt3A_384 : vector<16xi32>
    %lt3A_386 = arith.constant 0 : i32
    %lt3A_387 = arith.cmpi slt, %select_n3A_377, %lt3A_386 : i32
    %ne3A_388 = vector.broadcast %lt3A_387 : i1 to vector<16xi1>
    %ne3A_389 = vector.broadcast %ne3A_388 : vector<16xi1> to vector<16xi1>
    %ne3A_390 = arith.xori %lt3A_385, %ne3A_389 : vector<16xi1>
    %and3A_391 = arith.andi %ne3A_390, %ne3A_382 : vector<16xi1>
    %add3A_392 = vector.broadcast %select_n3A_377 : i32 to vector<16xi32>
    %add3A_393 = arith.addi %rem3A_379, %add3A_392 : vector<16xi32>
    %select_n3A_394 = arith.select %and3A_391, %add3A_393, %rem3A_379 : vector<16xi1>, vector<16xi32>
    %add3A_395 = arith.constant 15 : i32
    %add3A_396 = vector.broadcast %add3A_395 : i32 to vector<16xi32>
    %add3A_397 = arith.addi %iota3A, %add3A_396 : vector<16xi32>
    %jit3A_398 = arith.constant 16 : i32
    %eq3A_399 = arith.constant 0 : i32
    %eq3A_400 = arith.cmpi eq, %jit3A_398, %eq3A_399 : i32
    %jit3A_401 = arith.constant 1 : i32
    %select_n3A_402 = arith.select %eq3A_400, %jit3A_401, %jit3A_398 : i32
    %rem3A_403 = vector.broadcast %select_n3A_402 : i32 to vector<16xi32>
    %rem3A_404 = arith.remsi %add3A_397, %rem3A_403 : vector<16xi32>
    %ne3A_405 = arith.constant 0 : i32
    %ne3A_406 = vector.broadcast %ne3A_405 : i32 to vector<16xi32>
    %ne3A_407 = arith.cmpi ne, %rem3A_404, %ne3A_406 : vector<16xi32>
    %lt3A_408 = arith.constant 0 : i32
    %lt3A_409 = vector.broadcast %lt3A_408 : i32 to vector<16xi32>
    %lt3A_410 = arith.cmpi slt, %rem3A_404, %lt3A_409 : vector<16xi32>
    %lt3A_411 = arith.constant 0 : i32
    %lt3A_412 = arith.cmpi slt, %select_n3A_402, %lt3A_411 : i32
    %ne3A_413 = vector.broadcast %lt3A_412 : i1 to vector<16xi1>
    %ne3A_414 = vector.broadcast %ne3A_413 : vector<16xi1> to vector<16xi1>
    %ne3A_415 = arith.xori %lt3A_410, %ne3A_414 : vector<16xi1>
    %and3A_416 = arith.andi %ne3A_415, %ne3A_407 : vector<16xi1>
    %add3A_417 = vector.broadcast %select_n3A_402 : i32 to vector<16xi32>
    %add3A_418 = arith.addi %rem3A_404, %add3A_417 : vector<16xi32>
    %select_n3A_419 = arith.select %and3A_416, %add3A_418, %rem3A_404 : vector<16xi1>, vector<16xi32>
    %dma_start3A = arith.constant 0 : i32
    %dma_start3A_420 = arith.constant 0 : i32
    %dma_start3A_421 = tpu.memref_slice %arg5[%dma_start3A, %dma_start3A_420] : memref<200x128xi32, #tpu.memory_space<vmem>> -> memref<1x128xi32, #tpu.memory_space<vmem>>
    %dma_start3A_422 = tpu.memref_squeeze %dma_start3A_421 : memref<1x128xi32, #tpu.memory_space<vmem>> -> memref<128xi32, #tpu.memory_space<vmem>>
    %dma_start3A_423 = arith.constant 0 : i32
    %dma_start3A_424 = arith.constant 0 : i32
    %dma_start3A_425 = tpu.memref_slice %arg3[%dma_start3A_423, %dma_start3A_424] : memref<1000000x128xf32, #tpu.memory_space<hbm>> -> memref<1000000x128xf32, #tpu.memory_space<hbm>>
    tpu.enqueue_indirect_dma source(%dma_start3A_425 : memref<1000000x128xf32, #tpu.memory_space<hbm>>) target(%arg6 : memref<128x128xf32, #tpu.memory_space<vmem>>) offsets(%dma_start3A_422 : memref<128xi32, #tpu.memory_space<vmem>>) semaphore(%arg10 : memref<!tpu.dma_semaphore, #tpu.memory_space<semaphore_mem>>)
    %scan3A = arith.constant 0 : i32
    %scan3A_426 = arith.constant 100 : i32
    %scan3A_427 = arith.addi %scan3A, %scan3A_426 : i32
    %scan3A_428 = arith.constant 1 : i32
    scf.for %scan3A_685 = %scan3A to %scan3A_427 step %scan3A_428  : i32 {
      %mul3A_686 = arith.constant 2 : i32
      %mul3A_687 = arith.muli %scan3A_685, %mul3A_686 : i32
      %add3A_688 = arith.constant 0 : i32
      %add3A_689 = arith.addi %add3A_688, %mul3A_687 : i32
      %add3A_690 = arith.constant 0 : i32
      %add3A_691 = arith.addi %add3A_689, %add3A_690 : i32
      %dma_wait3A_692 = arith.constant 0 : i32
      %dma_wait3A_693 = arith.constant 0 : i32
      %dma_wait3A_694 = tpu.memref_slice %arg5[%dma_wait3A_692, %dma_wait3A_693] : memref<200x128xi32, #tpu.memory_space<vmem>> -> memref<1x128xi32, #tpu.memory_space<vmem>>
      %dma_wait3A_695 = tpu.memref_squeeze %dma_wait3A_694 : memref<1x128xi32, #tpu.memory_space<vmem>> -> memref<128xi32, #tpu.memory_space<vmem>>
      %dma_wait3A_696 = arith.constant 0 : i32
      %dma_wait3A_697 = arith.constant 0 : i32
      %dma_wait3A_698 = tpu.memref_slice %arg3[%dma_wait3A_696, %dma_wait3A_697] : memref<1000000x128xf32, #tpu.memory_space<hbm>> -> memref<1000000x128xf32, #tpu.memory_space<hbm>>
      tpu.wait_indirect_dma semaphore(%arg10 : memref<!tpu.dma_semaphore, #tpu.memory_space<semaphore_mem>>) src(%dma_wait3A_698 : memref<1000000x128xf32, #tpu.memory_space<hbm>>) dst(%arg6 : memref<128x128xf32, #tpu.memory_space<vmem>>)
      %add3A_699 = arith.constant 1 : i32
      %add3A_700 = arith.addi %add3A_691, %add3A_699 : i32
      %lt3A_701 = arith.constant 200 : i32
      %lt3A_702 = arith.cmpi slt, %add3A_700, %lt3A_701 : i32
      %convert_element_type3A = arith.extui %lt3A_702 : i1 to i32
      %cond3A = arith.constant 0 : i32
      %cond3A_703 = arith.cmpi ne, %convert_element_type3A, %cond3A : i32
      scf.if %cond3A_703 {
        %add3A_974 = arith.constant 1 : i32
        %add3A_975 = arith.addi %add3A_691, %add3A_974 : i32
        %dma_start3A_976 = arith.constant 0 : i32
        %dma_start3A_977 = tpu.memref_slice %arg5[%add3A_975, %dma_start3A_976] : memref<200x128xi32, #tpu.memory_space<vmem>> -> memref<1x128xi32, #tpu.memory_space<vmem>>
        %dma_start3A_978 = tpu.memref_squeeze %dma_start3A_977 : memref<1x128xi32, #tpu.memory_space<vmem>> -> memref<128xi32, #tpu.memory_space<vmem>>
        %dma_start3A_979 = arith.constant 0 : i32
        %dma_start3A_980 = arith.constant 0 : i32
        %dma_start3A_981 = tpu.memref_slice %arg3[%dma_start3A_979, %dma_start3A_980] : memref<1000000x128xf32, #tpu.memory_space<hbm>> -> memref<1000000x128xf32, #tpu.memory_space<hbm>>
        tpu.enqueue_indirect_dma source(%dma_start3A_981 : memref<1000000x128xf32, #tpu.memory_space<hbm>>) target(%arg7 : memref<128x128xf32, #tpu.memory_space<vmem>>) offsets(%dma_start3A_978 : memref<128xi32, #tpu.memory_space<vmem>>) semaphore(%arg11 : memref<!tpu.dma_semaphore, #tpu.memory_space<semaphore_mem>>)
      } else {
      }
      %ge3A = arith.constant 2 : i32
      %ge3A_704 = arith.cmpi sge, %add3A_691, %ge3A : i32
      %convert_element_type3A_705 = arith.extui %ge3A_704 : i1 to i32
      %cond3A_706 = arith.constant 0 : i32
      %cond3A_707 = arith.cmpi ne, %convert_element_type3A_705, %cond3A_706 : i32
      scf.if %cond3A_707 {
        %dma_wait3A_974 = arith.constant 0 : i32
        %dma_wait3A_975 = arith.constant 0 : i32
        %dma_wait3A_976 = arith.constant 0 : i32
        %dma_wait3A_977 = arith.constant 0 : i32
        %dma_wait3A_978 = tpu.memref_slice %arg8[%dma_wait3A_976, %dma_wait3A_977] : memref<64x128xf32, #tpu.memory_space<vmem>> -> memref<8x128xf32, #tpu.memory_space<vmem>>
        %dma_wait3A_979 = arith.constant 0 : i32
        %dma_wait3A_980 = arith.constant 0 : i32
        %dma_wait3A_981 = tpu.memref_slice %arg4[%dma_wait3A_974, %dma_wait3A_975, %add3A, %dma_wait3A_979, %dma_wait3A_980] : memref<200x8x32x8x128xf32, #tpu.memory_space<hbm>> -> memref<1x1x1x8x128xf32, #tpu.memory_space<hbm>>
        %dma_wait3A_982 = tpu.memref_squeeze %dma_wait3A_981 : memref<1x1x1x8x128xf32, #tpu.memory_space<hbm>> -> memref<8x128xf32, #tpu.memory_space<hbm>>
        %dma_wait3A_983 = arith.constant 0 : i32
        %dma_wait3A_984 = arith.constant 0 : i32
        %dma_wait3A_985 = tpu.memref_slice %arg4[%dma_wait3A_974, %dma_wait3A_975, %add3A, %dma_wait3A_983, %dma_wait3A_984] : memref<200x8x32x8x128xf32, #tpu.memory_space<hbm>> -> memref<1x1x1x8x128xf32, #tpu.memory_space<hbm>>
        %dma_wait3A_986 = tpu.memref_squeeze %dma_wait3A_985 : memref<1x1x1x8x128xf32, #tpu.memory_space<hbm>> -> memref<8x128xf32, #tpu.memory_space<hbm>>
        %dma_wait3A_987 = arith.constant 0 : i32
        %dma_wait3A_988 = arith.constant 0 : i32
        %dma_wait3A_989 = tpu.memref_slice %arg8[%dma_wait3A_987, %dma_wait3A_988] : memref<64x128xf32, #tpu.memory_space<vmem>> -> memref<8x128xf32, #tpu.memory_space<vmem>>
        tpu.wait_dma2 semaphore(%arg12 : memref<!tpu.dma_semaphore, #tpu.memory_space<semaphore_mem>>) src(%dma_wait3A_989 : memref<8x128xf32, #tpu.memory_space<vmem>>) dst(%dma_wait3A_986 : memref<8x128xf32, #tpu.memory_space<hbm>>)
        %dma_wait3A_990 = arith.constant 0 : i32
        %dma_wait3A_991 = arith.constant 0 : i32
        %dma_wait3A_992 = arith.constant 0 : i32
        %dma_wait3A_993 = arith.constant 0 : i32
        %dma_wait3A_994 = tpu.memref_slice %arg8[%dma_wait3A_992, %dma_wait3A_993] : memref<64x128xf32, #tpu.memory_space<vmem>> -> memref<8x128xf32, #tpu.memory_space<vmem>>
        %dma_wait3A_995 = arith.constant 0 : i32
        %dma_wait3A_996 = arith.constant 0 : i32
        %dma_wait3A_997 = tpu.memref_slice %arg4[%dma_wait3A_990, %dma_wait3A_991, %add3A, %dma_wait3A_995, %dma_wait3A_996] : memref<200x8x32x8x128xf32, #tpu.memory_space<hbm>> -> memref<1x1x1x8x128xf32, #tpu.memory_space<hbm>>
        %dma_wait3A_998 = tpu.memref_squeeze %dma_wait3A_997 : memref<1x1x1x8x128xf32, #tpu.memory_space<hbm>> -> memref<8x128xf32, #tpu.memory_space<hbm>>
        %dma_wait3A_999 = arith.constant 0 : i32
        %dma_wait3A_1000 = arith.constant 0 : i32
        %dma_wait3A_1001 = tpu.memref_slice %arg4[%dma_wait3A_990, %dma_wait3A_991, %add3A, %dma_wait3A_999, %dma_wait3A_1000] : memref<200x8x32x8x128xf32, #tpu.memory_space<hbm>> -> memref<1x1x1x8x128xf32, #tpu.memory_space<hbm>>
        %dma_wait3A_1002 = tpu.memref_squeeze %dma_wait3A_1001 : memref<1x1x1x8x128xf32, #tpu.memory_space<hbm>> -> memref<8x128xf32, #tpu.memory_space<hbm>>
        %dma_wait3A_1003 = arith.constant 0 : i32
        %dma_wait3A_1004 = arith.constant 0 : i32
        %dma_wait3A_1005 = tpu.memref_slice %arg8[%dma_wait3A_1003, %dma_wait3A_1004] : memref<64x128xf32, #tpu.memory_space<vmem>> -> memref<8x128xf32, #tpu.memory_space<vmem>>
        tpu.wait_dma2 semaphore(%arg12 : memref<!tpu.dma_semaphore, #tpu.memory_space<semaphore_mem>>) src(%dma_wait3A_1005 : memref<8x128xf32, #tpu.memory_space<vmem>>) dst(%dma_wait3A_1002 : memref<8x128xf32, #tpu.memory_space<hbm>>)
        %dma_wait3A_1006 = arith.constant 0 : i32
        %dma_wait3A_1007 = arith.constant 0 : i32
        %dma_wait3A_1008 = arith.constant 0 : i32
        %dma_wait3A_1009 = arith.constant 0 : i32
        %dma_wait3A_1010 = tpu.memref_slice %arg8[%dma_wait3A_1008, %dma_wait3A_1009] : memref<64x128xf32, #tpu.memory_space<vmem>> -> memref<8x128xf32, #tpu.memory_space<vmem>>
        %dma_wait3A_1011 = arith.constant 0 : i32
        %dma_wait3A_1012 = arith.constant 0 : i32
        %dma_wait3A_1013 = tpu.memref_slice %arg4[%dma_wait3A_1006, %dma_wait3A_1007, %add3A, %dma_wait3A_1011, %dma_wait3A_1012] : memref<200x8x32x8x128xf32, #tpu.memory_space<hbm>> -> memref<1x1x1x8x128xf32, #tpu.memory_space<hbm>>
        %dma_wait3A_1014 = tpu.memref_squeeze %dma_wait3A_1013 : memref<1x1x1x8x128xf32, #tpu.memory_space<hbm>> -> memref<8x128xf32, #tpu.memory_space<hbm>>
        %dma_wait3A_1015 = arith.constant 0 : i32
        %dma_wait3A_1016 = arith.constant 0 : i32
        %dma_wait3A_1017 = tpu.memref_slice %arg4[%dma_wait3A_1006, %dma_wait3A_1007, %add3A, %dma_wait3A_1015, %dma_wait3A_1016] : memref<200x8x32x8x128xf32, #tpu.memory_space<hbm>> -> memref<1x1x1x8x128xf32, #tpu.memory_space<hbm>>
        %dma_wait3A_1018 = tpu.memref_squeeze %dma_wait3A_1017 : memref<1x1x1x8x128xf32, #tpu.memory_space<hbm>> -> memref<8x128xf32, #tpu.memory_space<hbm>>
        %dma_wait3A_1019 = arith.constant 0 : i32
        %dma_wait3A_1020 = arith.constant 0 : i32
        %dma_wait3A_1021 = tpu.memref_slice %arg8[%dma_wait3A_1019, %dma_wait3A_1020] : memref<64x128xf32, #tpu.memory_space<vmem>> -> memref<8x128xf32, #tpu.memory_space<vmem>>
        tpu.wait_dma2 semaphore(%arg12 : memref<!tpu.dma_semaphore, #tpu.memory_space<semaphore_mem>>) src(%dma_wait3A_1021 : memref<8x128xf32, #tpu.memory_space<vmem>>) dst(%dma_wait3A_1018 : memref<8x128xf32, #tpu.memory_space<hbm>>)
        %dma_wait3A_1022 = arith.constant 0 : i32
        %dma_wait3A_1023 = arith.constant 0 : i32
        %dma_wait3A_1024 = arith.constant 0 : i32
        %dma_wait3A_1025 = arith.constant 0 : i32
        %dma_wait3A_1026 = tpu.memref_slice %arg8[%dma_wait3A_1024, %dma_wait3A_1025] : memref<64x128xf32, #tpu.memory_space<vmem>> -> memref<8x128xf32, #tpu.memory_space<vmem>>
        %dma_wait3A_1027 = arith.constant 0 : i32
        %dma_wait3A_1028 = arith.constant 0 : i32
        %dma_wait3A_1029 = tpu.memref_slice %arg4[%dma_wait3A_1022, %dma_wait3A_1023, %add3A, %dma_wait3A_1027, %dma_wait3A_1028] : memref<200x8x32x8x128xf32, #tpu.memory_space<hbm>> -> memref<1x1x1x8x128xf32, #tpu.memory_space<hbm>>
        %dma_wait3A_1030 = tpu.memref_squeeze %dma_wait3A_1029 : memref<1x1x1x8x128xf32, #tpu.memory_space<hbm>> -> memref<8x128xf32, #tpu.memory_space<hbm>>
        %dma_wait3A_1031 = arith.constant 0 : i32
        %dma_wait3A_1032 = arith.constant 0 : i32
        %dma_wait3A_1033 = tpu.memref_slice %arg4[%dma_wait3A_1022, %dma_wait3A_1023, %add3A, %dma_wait3A_1031, %dma_wait3A_1032] : memref<200x8x32x8x128xf32, #tpu.memory_space<hbm>> -> memref<1x1x1x8x128xf32, #tpu.memory_space<hbm>>
        %dma_wait3A_1034 = tpu.memref_squeeze %dma_wait3A_1033 : memref<1x1x1x8x128xf32, #tpu.memory_space<hbm>> -> memref<8x128xf32, #tpu.memory_space<hbm>>
        %dma_wait3A_1035 = arith.constant 0 : i32
        %dma_wait3A_1036 = arith.constant 0 : i32
        %dma_wait3A_1037 = tpu.memref_slice %arg8[%dma_wait3A_1035, %dma_wait3A_1036] : memref<64x128xf32, #tpu.memory_space<vmem>> -> memref<8x128xf32, #tpu.memory_space<vmem>>
        tpu.wait_dma2 semaphore(%arg12 : memref<!tpu.dma_semaphore, #tpu.memory_space<semaphore_mem>>) src(%dma_wait3A_1037 : memref<8x128xf32, #tpu.memory_space<vmem>>) dst(%dma_wait3A_1034 : memref<8x128xf32, #tpu.memory_space<hbm>>)
        %dma_wait3A_1038 = arith.constant 0 : i32
        %dma_wait3A_1039 = arith.constant 0 : i32
        %dma_wait3A_1040 = arith.constant 0 : i32
        %dma_wait3A_1041 = arith.constant 0 : i32
        %dma_wait3A_1042 = tpu.memref_slice %arg8[%dma_wait3A_1040, %dma_wait3A_1041] : memref<64x128xf32, #tpu.memory_space<vmem>> -> memref<8x128xf32, #tpu.memory_space<vmem>>
        %dma_wait3A_1043 = arith.constant 0 : i32
        %dma_wait3A_1044 = arith.constant 0 : i32
        %dma_wait3A_1045 = tpu.memref_slice %arg4[%dma_wait3A_1038, %dma_wait3A_1039, %add3A, %dma_wait3A_1043, %dma_wait3A_1044] : memref<200x8x32x8x128xf32, #tpu.memory_space<hbm>> -> memref<1x1x1x8x128xf32, #tpu.memory_space<hbm>>
        %dma_wait3A_1046 = tpu.memref_squeeze %dma_wait3A_1045 : memref<1x1x1x8x128xf32, #tpu.memory_space<hbm>> -> memref<8x128xf32, #tpu.memory_space<hbm>>
        %dma_wait3A_1047 = arith.constant 0 : i32
        %dma_wait3A_1048 = arith.constant 0 : i32
        %dma_wait3A_1049 = tpu.memref_slice %arg4[%dma_wait3A_1038, %dma_wait3A_1039, %add3A, %dma_wait3A_1047, %dma_wait3A_1048] : memref<200x8x32x8x128xf32, #tpu.memory_space<hbm>> -> memref<1x1x1x8x128xf32, #tpu.memory_space<hbm>>
        %dma_wait3A_1050 = tpu.memref_squeeze %dma_wait3A_1049 : memref<1x1x1x8x128xf32, #tpu.memory_space<hbm>> -> memref<8x128xf32, #tpu.memory_space<hbm>>
        %dma_wait3A_1051 = arith.constant 0 : i32
        %dma_wait3A_1052 = arith.constant 0 : i32
        %dma_wait3A_1053 = tpu.memref_slice %arg8[%dma_wait3A_1051, %dma_wait3A_1052] : memref<64x128xf32, #tpu.memory_space<vmem>> -> memref<8x128xf32, #tpu.memory_space<vmem>>
        tpu.wait_dma2 semaphore(%arg12 : memref<!tpu.dma_semaphore, #tpu.memory_space<semaphore_mem>>) src(%dma_wait3A_1053 : memref<8x128xf32, #tpu.memory_space<vmem>>) dst(%dma_wait3A_1050 : memref<8x128xf32, #tpu.memory_space<hbm>>)
        %dma_wait3A_1054 = arith.constant 0 : i32
        %dma_wait3A_1055 = arith.constant 0 : i32
        %dma_wait3A_1056 = arith.constant 0 : i32
        %dma_wait3A_1057 = arith.constant 0 : i32
        %dma_wait3A_1058 = tpu.memref_slice %arg8[%dma_wait3A_1056, %dma_wait3A_1057] : memref<64x128xf32, #tpu.memory_space<vmem>> -> memref<8x128xf32, #tpu.memory_space<vmem>>
        %dma_wait3A_1059 = arith.constant 0 : i32
        %dma_wait3A_1060 = arith.constant 0 : i32
        %dma_wait3A_1061 = tpu.memref_slice %arg4[%dma_wait3A_1054, %dma_wait3A_1055, %add3A, %dma_wait3A_1059, %dma_wait3A_1060] : memref<200x8x32x8x128xf32, #tpu.memory_space<hbm>> -> memref<1x1x1x8x128xf32, #tpu.memory_space<hbm>>
        %dma_wait3A_1062 = tpu.memref_squeeze %dma_wait3A_1061 : memref<1x1x1x8x128xf32, #tpu.memory_space<hbm>> -> memref<8x128xf32, #tpu.memory_space<hbm>>
        %dma_wait3A_1063 = arith.constant 0 : i32
        %dma_wait3A_1064 = arith.constant 0 : i32
        %dma_wait3A_1065 = tpu.memref_slice %arg4[%dma_wait3A_1054, %dma_wait3A_1055, %add3A, %dma_wait3A_1063, %dma_wait3A_1064] : memref<200x8x32x8x128xf32, #tpu.memory_space<hbm>> -> memref<1x1x1x8x128xf32, #tpu.memory_space<hbm>>
        %dma_wait3A_1066 = tpu.memref_squeeze %dma_wait3A_1065 : memref<1x1x1x8x128xf32, #tpu.memory_space<hbm>> -> memref<8x128xf32, #tpu.memory_space<hbm>>
        %dma_wait3A_1067 = arith.constant 0 : i32
        %dma_wait3A_1068 = arith.constant 0 : i32
        %dma_wait3A_1069 = tpu.memref_slice %arg8[%dma_wait3A_1067, %dma_wait3A_1068] : memref<64x128xf32, #tpu.memory_space<vmem>> -> memref<8x128xf32, #tpu.memory_space<vmem>>
        tpu.wait_dma2 semaphore(%arg12 : memref<!tpu.dma_semaphore, #tpu.memory_space<semaphore_mem>>) src(%dma_wait3A_1069 : memref<8x128xf32, #tpu.memory_space<vmem>>) dst(%dma_wait3A_1066 : memref<8x128xf32, #tpu.memory_space<hbm>>)
        %dma_wait3A_1070 = arith.constant 0 : i32
        %dma_wait3A_1071 = arith.constant 0 : i32
        %dma_wait3A_1072 = arith.constant 0 : i32
        %dma_wait3A_1073 = arith.constant 0 : i32
        %dma_wait3A_1074 = tpu.memref_slice %arg8[%dma_wait3A_1072, %dma_wait3A_1073] : memref<64x128xf32, #tpu.memory_space<vmem>> -> memref<8x128xf32, #tpu.memory_space<vmem>>
        %dma_wait3A_1075 = arith.constant 0 : i32
        %dma_wait3A_1076 = arith.constant 0 : i32
        %dma_wait3A_1077 = tpu.memref_slice %arg4[%dma_wait3A_1070, %dma_wait3A_1071, %add3A, %dma_wait3A_1075, %dma_wait3A_1076] : memref<200x8x32x8x128xf32, #tpu.memory_space<hbm>> -> memref<1x1x1x8x128xf32, #tpu.memory_space<hbm>>
        %dma_wait3A_1078 = tpu.memref_squeeze %dma_wait3A_1077 : memref<1x1x1x8x128xf32, #tpu.memory_space<hbm>> -> memref<8x128xf32, #tpu.memory_space<hbm>>
        %dma_wait3A_1079 = arith.constant 0 : i32
        %dma_wait3A_1080 = arith.constant 0 : i32
        %dma_wait3A_1081 = tpu.memref_slice %arg4[%dma_wait3A_1070, %dma_wait3A_1071, %add3A, %dma_wait3A_1079, %dma_wait3A_1080] : memref<200x8x32x8x128xf32, #tpu.memory_space<hbm>> -> memref<1x1x1x8x128xf32, #tpu.memory_space<hbm>>
        %dma_wait3A_1082 = tpu.memref_squeeze %dma_wait3A_1081 : memref<1x1x1x8x128xf32, #tpu.memory_space<hbm>> -> memref<8x128xf32, #tpu.memory_space<hbm>>
        %dma_wait3A_1083 = arith.constant 0 : i32
        %dma_wait3A_1084 = arith.constant 0 : i32
        %dma_wait3A_1085 = tpu.memref_slice %arg8[%dma_wait3A_1083, %dma_wait3A_1084] : memref<64x128xf32, #tpu.memory_space<vmem>> -> memref<8x128xf32, #tpu.memory_space<vmem>>
        tpu.wait_dma2 semaphore(%arg12 : memref<!tpu.dma_semaphore, #tpu.memory_space<semaphore_mem>>) src(%dma_wait3A_1085 : memref<8x128xf32, #tpu.memory_space<vmem>>) dst(%dma_wait3A_1082 : memref<8x128xf32, #tpu.memory_space<hbm>>)
        %dma_wait3A_1086 = arith.constant 0 : i32
        %dma_wait3A_1087 = arith.constant 0 : i32
        %dma_wait3A_1088 = arith.constant 0 : i32
        %dma_wait3A_1089 = arith.constant 0 : i32
        %dma_wait3A_1090 = tpu.memref_slice %arg8[%dma_wait3A_1088, %dma_wait3A_1089] : memref<64x128xf32, #tpu.memory_space<vmem>> -> memref<8x128xf32, #tpu.memory_space<vmem>>
        %dma_wait3A_1091 = arith.constant 0 : i32
        %dma_wait3A_1092 = arith.constant 0 : i32
        %dma_wait3A_1093 = tpu.memref_slice %arg4[%dma_wait3A_1086, %dma_wait3A_1087, %add3A, %dma_wait3A_1091, %dma_wait3A_1092] : memref<200x8x32x8x128xf32, #tpu.memory_space<hbm>> -> memref<1x1x1x8x128xf32, #tpu.memory_space<hbm>>
        %dma_wait3A_1094 = tpu.memref_squeeze %dma_wait3A_1093 : memref<1x1x1x8x128xf32, #tpu.memory_space<hbm>> -> memref<8x128xf32, #tpu.memory_space<hbm>>
        %dma_wait3A_1095 = arith.constant 0 : i32
        %dma_wait3A_1096 = arith.constant 0 : i32
        %dma_wait3A_1097 = tpu.memref_slice %arg4[%dma_wait3A_1086, %dma_wait3A_1087, %add3A, %dma_wait3A_1095, %dma_wait3A_1096] : memref<200x8x32x8x128xf32, #tpu.memory_space<hbm>> -> memref<1x1x1x8x128xf32, #tpu.memory_space<hbm>>
        %dma_wait3A_1098 = tpu.memref_squeeze %dma_wait3A_1097 : memref<1x1x1x8x128xf32, #tpu.memory_space<hbm>> -> memref<8x128xf32, #tpu.memory_space<hbm>>
        %dma_wait3A_1099 = arith.constant 0 : i32
        %dma_wait3A_1100 = arith.constant 0 : i32
        %dma_wait3A_1101 = tpu.memref_slice %arg8[%dma_wait3A_1099, %dma_wait3A_1100] : memref<64x128xf32, #tpu.memory_space<vmem>> -> memref<8x128xf32, #tpu.memory_space<vmem>>
        tpu.wait_dma2 semaphore(%arg12 : memref<!tpu.dma_semaphore, #tpu.memory_space<semaphore_mem>>) src(%dma_wait3A_1101 : memref<8x128xf32, #tpu.memory_space<vmem>>) dst(%dma_wait3A_1098 : memref<8x128xf32, #tpu.memory_space<hbm>>)
      } else {
      }
      %parallel_loop3A = arith.constant 0 : i32
      %parallel_loop3A_708 = arith.constant 512 : i32
      %parallel_loop3A_709 = arith.constant 1 : i32
      scf.for %parallel_loop3A_974 = %parallel_loop3A to %parallel_loop3A_708 step %parallel_loop3A_709  : i32 {
        %parallel_loop3A_975 = arith.constant 2 : i32
        %parallel_loop3A_976 = arith.shrsi %parallel_loop3A_974, %parallel_loop3A_975 : i32
        %parallel_loop3A_977 = arith.constant 112 : i32
        %parallel_loop3A_978 = arith.andi %parallel_loop3A_976, %parallel_loop3A_977 : i32
        %parallel_loop3A_979 = vector.broadcast %parallel_loop3A_978 : i32 to vector<16xi32>
        %parallel_loop3A_980 = arith.addi %iota3A, %parallel_loop3A_979 : vector<16xi32>
        %parallel_loop3A_981 = arith.constant 15 : i32
        %parallel_loop3A_982 = arith.andi %parallel_loop3A_974, %parallel_loop3A_981 : i32
        %parallel_loop3A_983 = vector.broadcast %parallel_loop3A_982 : i32 to vector<16xi32>
        %parallel_loop3A_984 = arith.addi %iota3A, %parallel_loop3A_983 : vector<16xi32>
        %parallel_loop3A_985 = arith.constant 15 : i32
        %parallel_loop3A_986 = vector.broadcast %parallel_loop3A_985 : i32 to vector<16xi32>
        %parallel_loop3A_987 = arith.andi %parallel_loop3A_984, %parallel_loop3A_986 : vector<16xi32>
        %parallel_loop3A_988 = arith.constant 48 : i32
        %parallel_loop3A_989 = arith.andi %parallel_loop3A_974, %parallel_loop3A_988 : i32
        %parallel_loop3A_990 = vector.broadcast %parallel_loop3A_989 : i32 to vector<16xi32>
        %parallel_loop3A_991 = arith.ori %parallel_loop3A_987, %parallel_loop3A_990 : vector<16xi32>
        %parallel_loop3A_992 = tpu.vector_load_idx %arg6[%parallel_loop3A_980, %parallel_loop3A_991] : memref<128x128xf32, #tpu.memory_space<vmem>>[vector<16xi32>, vector<16xi32>], vector<16xf32>,
        tpu.vector_store_idx %arg8[%parallel_loop3A_991, %parallel_loop3A_980], %parallel_loop3A_992 : memref<64x128xf32, #tpu.memory_space<vmem>>[vector<16xi32>, vector<16xi32>], vector<16xf32>,
      } {sc.loop_unroll_factor = 8 : i64, sc.parallel_access}
      %dma_start3A_710 = arith.constant 0 : i32
      %dma_start3A_711 = arith.constant 0 : i32
      %dma_start3A_712 = arith.constant 0 : i32
      %dma_start3A_713 = tpu.memref_slice %arg8[%dma_start3A_711, %dma_start3A_712] : memref<64x128xf32, #tpu.memory_space<vmem>> -> memref<8x128xf32, #tpu.memory_space<vmem>>
      %dma_start3A_714 = arith.constant 0 : i32
      %dma_start3A_715 = arith.constant 0 : i32
      %dma_start3A_716 = tpu.memref_slice %arg4[%add3A_691, %dma_start3A_710, %add3A, %dma_start3A_714, %dma_start3A_715] : memref<200x8x32x8x128xf32, #tpu.memory_space<hbm>> -> memref<1x1x1x8x128xf32, #tpu.memory_space<hbm>>
      %dma_start3A_717 = tpu.memref_squeeze %dma_start3A_716 : memref<1x1x1x8x128xf32, #tpu.memory_space<hbm>> -> memref<8x128xf32, #tpu.memory_space<hbm>>
      %dma_start3A_718 = arith.constant 0 : i32
      %dma_start3A_719 = arith.constant 0 : i32
      %dma_start3A_720 = tpu.memref_slice %arg4[%add3A_691, %dma_start3A_710, %add3A, %dma_start3A_718, %dma_start3A_719] : memref<200x8x32x8x128xf32, #tpu.memory_space<hbm>> -> memref<1x1x1x8x128xf32, #tpu.memory_space<hbm>>
      %dma_start3A_721 = tpu.memref_squeeze %dma_start3A_720 : memref<1x1x1x8x128xf32, #tpu.memory_space<hbm>> -> memref<8x128xf32, #tpu.memory_space<hbm>>
      %dma_start3A_722 = arith.constant 0 : i32
      %dma_start3A_723 = arith.constant 0 : i32
      %dma_start3A_724 = tpu.memref_slice %arg8[%dma_start3A_722, %dma_start3A_723] : memref<64x128xf32, #tpu.memory_space<vmem>> -> memref<8x128xf32, #tpu.memory_space<vmem>>
      tpu.enqueue_dma source(%dma_start3A_724 : memref<8x128xf32, #tpu.memory_space<vmem>>) target(%dma_start3A_721 : memref<8x128xf32, #tpu.memory_space<hbm>>) target_semaphore(%arg12 : memref<!tpu.dma_semaphore, #tpu.memory_space<semaphore_mem>>)
      %dma_start3A_725 = arith.constant 1 : i32
      %dma_start3A_726 = arith.constant 8 : i32
      %dma_start3A_727 = arith.constant 0 : i32
      %dma_start3A_728 = tpu.memref_slice %arg8[%dma_start3A_726, %dma_start3A_727] : memref<64x128xf32, #tpu.memory_space<vmem>> -> memref<8x128xf32, #tpu.memory_space<vmem>>
      %dma_start3A_729 = arith.constant 0 : i32
      %dma_start3A_730 = arith.constant 0 : i32
      %dma_start3A_731 = tpu.memref_slice %arg4[%add3A_691, %dma_start3A_725, %add3A, %dma_start3A_729, %dma_start3A_730] : memref<200x8x32x8x128xf32, #tpu.memory_space<hbm>> -> memref<1x1x1x8x128xf32, #tpu.memory_space<hbm>>
      %dma_start3A_732 = tpu.memref_squeeze %dma_start3A_731 : memref<1x1x1x8x128xf32, #tpu.memory_space<hbm>> -> memref<8x128xf32, #tpu.memory_space<hbm>>
      %dma_start3A_733 = arith.constant 0 : i32
      %dma_start3A_734 = arith.constant 0 : i32
      %dma_start3A_735 = tpu.memref_slice %arg4[%add3A_691, %dma_start3A_725, %add3A, %dma_start3A_733, %dma_start3A_734] : memref<200x8x32x8x128xf32, #tpu.memory_space<hbm>> -> memref<1x1x1x8x128xf32, #tpu.memory_space<hbm>>
      %dma_start3A_736 = tpu.memref_squeeze %dma_start3A_735 : memref<1x1x1x8x128xf32, #tpu.memory_space<hbm>> -> memref<8x128xf32, #tpu.memory_space<hbm>>
      %dma_start3A_737 = arith.constant 8 : i32
      %dma_start3A_738 = arith.constant 0 : i32
      %dma_start3A_739 = tpu.memref_slice %arg8[%dma_start3A_737, %dma_start3A_738] : memref<64x128xf32, #tpu.memory_space<vmem>> -> memref<8x128xf32, #tpu.memory_space<vmem>>
      tpu.enqueue_dma source(%dma_start3A_739 : memref<8x128xf32, #tpu.memory_space<vmem>>) target(%dma_start3A_736 : memref<8x128xf32, #tpu.memory_space<hbm>>) target_semaphore(%arg12 : memref<!tpu.dma_semaphore, #tpu.memory_space<semaphore_mem>>)
      %dma_start3A_740 = arith.constant 2 : i32
      %dma_start3A_741 = arith.constant 16 : i32
      %dma_start3A_742 = arith.constant 0 : i32
      %dma_start3A_743 = tpu.memref_slice %arg8[%dma_start3A_741, %dma_start3A_742] : memref<64x128xf32, #tpu.memory_space<vmem>> -> memref<8x128xf32, #tpu.memory_space<vmem>>
      %dma_start3A_744 = arith.constant 0 : i32
      %dma_start3A_745 = arith.constant 0 : i32
      %dma_start3A_746 = tpu.memref_slice %arg4[%add3A_691, %dma_start3A_740, %add3A, %dma_start3A_744, %dma_start3A_745] : memref<200x8x32x8x128xf32, #tpu.memory_space<hbm>> -> memref<1x1x1x8x128xf32, #tpu.memory_space<hbm>>
      %dma_start3A_747 = tpu.memref_squeeze %dma_start3A_746 : memref<1x1x1x8x128xf32, #tpu.memory_space<hbm>> -> memref<8x128xf32, #tpu.memory_space<hbm>>
      %dma_start3A_748 = arith.constant 0 : i32
      %dma_start3A_749 = arith.constant 0 : i32
      %dma_start3A_750 = tpu.memref_slice %arg4[%add3A_691, %dma_start3A_740, %add3A, %dma_start3A_748, %dma_start3A_749] : memref<200x8x32x8x128xf32, #tpu.memory_space<hbm>> -> memref<1x1x1x8x128xf32, #tpu.memory_space<hbm>>
      %dma_start3A_751 = tpu.memref_squeeze %dma_start3A_750 : memref<1x1x1x8x128xf32, #tpu.memory_space<hbm>> -> memref<8x128xf32, #tpu.memory_space<hbm>>
      %dma_start3A_752 = arith.constant 16 : i32
      %dma_start3A_753 = arith.constant 0 : i32
      %dma_start3A_754 = tpu.memref_slice %arg8[%dma_start3A_752, %dma_start3A_753] : memref<64x128xf32, #tpu.memory_space<vmem>> -> memref<8x128xf32, #tpu.memory_space<vmem>>
      tpu.enqueue_dma source(%dma_start3A_754 : memref<8x128xf32, #tpu.memory_space<vmem>>) target(%dma_start3A_751 : memref<8x128xf32, #tpu.memory_space<hbm>>) target_semaphore(%arg12 : memref<!tpu.dma_semaphore, #tpu.memory_space<semaphore_mem>>)
      %dma_start3A_755 = arith.constant 3 : i32
      %dma_start3A_756 = arith.constant 24 : i32
      %dma_start3A_757 = arith.constant 0 : i32
      %dma_start3A_758 = tpu.memref_slice %arg8[%dma_start3A_756, %dma_start3A_757] : memref<64x128xf32, #tpu.memory_space<vmem>> -> memref<8x128xf32, #tpu.memory_space<vmem>>
      %dma_start3A_759 = arith.constant 0 : i32
      %dma_start3A_760 = arith.constant 0 : i32
      %dma_start3A_761 = tpu.memref_slice %arg4[%add3A_691, %dma_start3A_755, %add3A, %dma_start3A_759, %dma_start3A_760] : memref<200x8x32x8x128xf32, #tpu.memory_space<hbm>> -> memref<1x1x1x8x128xf32, #tpu.memory_space<hbm>>
      %dma_start3A_762 = tpu.memref_squeeze %dma_start3A_761 : memref<1x1x1x8x128xf32, #tpu.memory_space<hbm>> -> memref<8x128xf32, #tpu.memory_space<hbm>>
      %dma_start3A_763 = arith.constant 0 : i32
      %dma_start3A_764 = arith.constant 0 : i32
      %dma_start3A_765 = tpu.memref_slice %arg4[%add3A_691, %dma_start3A_755, %add3A, %dma_start3A_763, %dma_start3A_764] : memref<200x8x32x8x128xf32, #tpu.memory_space<hbm>> -> memref<1x1x1x8x128xf32, #tpu.memory_space<hbm>>
      %dma_start3A_766 = tpu.memref_squeeze %dma_start3A_765 : memref<1x1x1x8x128xf32, #tpu.memory_space<hbm>> -> memref<8x128xf32, #tpu.memory_space<hbm>>
      %dma_start3A_767 = arith.constant 24 : i32
      %dma_start3A_768 = arith.constant 0 : i32
      %dma_start3A_769 = tpu.memref_slice %arg8[%dma_start3A_767, %dma_start3A_768] : memref<64x128xf32, #tpu.memory_space<vmem>> -> memref<8x128xf32, #tpu.memory_space<vmem>>
      tpu.enqueue_dma source(%dma_start3A_769 : memref<8x128xf32, #tpu.memory_space<vmem>>) target(%dma_start3A_766 : memref<8x128xf32, #tpu.memory_space<hbm>>) target_semaphore(%arg12 : memref<!tpu.dma_semaphore, #tpu.memory_space<semaphore_mem>>)
      %dma_start3A_770 = arith.constant 4 : i32
      %dma_start3A_771 = arith.constant 32 : i32
      %dma_start3A_772 = arith.constant 0 : i32
      %dma_start3A_773 = tpu.memref_slice %arg8[%dma_start3A_771, %dma_start3A_772] : memref<64x128xf32, #tpu.memory_space<vmem>> -> memref<8x128xf32, #tpu.memory_space<vmem>>
      %dma_start3A_774 = arith.constant 0 : i32
      %dma_start3A_775 = arith.constant 0 : i32
      %dma_start3A_776 = tpu.memref_slice %arg4[%add3A_691, %dma_start3A_770, %add3A, %dma_start3A_774, %dma_start3A_775] : memref<200x8x32x8x128xf32, #tpu.memory_space<hbm>> -> memref<1x1x1x8x128xf32, #tpu.memory_space<hbm>>
      %dma_start3A_777 = tpu.memref_squeeze %dma_start3A_776 : memref<1x1x1x8x128xf32, #tpu.memory_space<hbm>> -> memref<8x128xf32, #tpu.memory_space<hbm>>
      %dma_start3A_778 = arith.constant 0 : i32
      %dma_start3A_779 = arith.constant 0 : i32
      %dma_start3A_780 = tpu.memref_slice %arg4[%add3A_691, %dma_start3A_770, %add3A, %dma_start3A_778, %dma_start3A_779] : memref<200x8x32x8x128xf32, #tpu.memory_space<hbm>> -> memref<1x1x1x8x128xf32, #tpu.memory_space<hbm>>
      %dma_start3A_781 = tpu.memref_squeeze %dma_start3A_780 : memref<1x1x1x8x128xf32, #tpu.memory_space<hbm>> -> memref<8x128xf32, #tpu.memory_space<hbm>>
      %dma_start3A_782 = arith.constant 32 : i32
      %dma_start3A_783 = arith.constant 0 : i32
      %dma_start3A_784 = tpu.memref_slice %arg8[%dma_start3A_782, %dma_start3A_783] : memref<64x128xf32, #tpu.memory_space<vmem>> -> memref<8x128xf32, #tpu.memory_space<vmem>>
      tpu.enqueue_dma source(%dma_start3A_784 : memref<8x128xf32, #tpu.memory_space<vmem>>) target(%dma_start3A_781 : memref<8x128xf32, #tpu.memory_space<hbm>>) target_semaphore(%arg12 : memref<!tpu.dma_semaphore, #tpu.memory_space<semaphore_mem>>)
      %dma_start3A_785 = arith.constant 5 : i32
      %dma_start3A_786 = arith.constant 40 : i32
      %dma_start3A_787 = arith.constant 0 : i32
      %dma_start3A_788 = tpu.memref_slice %arg8[%dma_start3A_786, %dma_start3A_787] : memref<64x128xf32, #tpu.memory_space<vmem>> -> memref<8x128xf32, #tpu.memory_space<vmem>>
      %dma_start3A_789 = arith.constant 0 : i32
      %dma_start3A_790 = arith.constant 0 : i32
      %dma_start3A_791 = tpu.memref_slice %arg4[%add3A_691, %dma_start3A_785, %add3A, %dma_start3A_789, %dma_start3A_790] : memref<200x8x32x8x128xf32, #tpu.memory_space<hbm>> -> memref<1x1x1x8x128xf32, #tpu.memory_space<hbm>>
      %dma_start3A_792 = tpu.memref_squeeze %dma_start3A_791 : memref<1x1x1x8x128xf32, #tpu.memory_space<hbm>> -> memref<8x128xf32, #tpu.memory_space<hbm>>
      %dma_start3A_793 = arith.constant 0 : i32
      %dma_start3A_794 = arith.constant 0 : i32
      %dma_start3A_795 = tpu.memref_slice %arg4[%add3A_691, %dma_start3A_785, %add3A, %dma_start3A_793, %dma_start3A_794] : memref<200x8x32x8x128xf32, #tpu.memory_space<hbm>> -> memref<1x1x1x8x128xf32, #tpu.memory_space<hbm>>
      %dma_start3A_796 = tpu.memref_squeeze %dma_start3A_795 : memref<1x1x1x8x128xf32, #tpu.memory_space<hbm>> -> memref<8x128xf32, #tpu.memory_space<hbm>>
      %dma_start3A_797 = arith.constant 40 : i32
      %dma_start3A_798 = arith.constant 0 : i32
      %dma_start3A_799 = tpu.memref_slice %arg8[%dma_start3A_797, %dma_start3A_798] : memref<64x128xf32, #tpu.memory_space<vmem>> -> memref<8x128xf32, #tpu.memory_space<vmem>>
      tpu.enqueue_dma source(%dma_start3A_799 : memref<8x128xf32, #tpu.memory_space<vmem>>) target(%dma_start3A_796 : memref<8x128xf32, #tpu.memory_space<hbm>>) target_semaphore(%arg12 : memref<!tpu.dma_semaphore, #tpu.memory_space<semaphore_mem>>)
      %dma_start3A_800 = arith.constant 6 : i32
      %dma_start3A_801 = arith.constant 48 : i32
      %dma_start3A_802 = arith.constant 0 : i32
      %dma_start3A_803 = tpu.memref_slice %arg8[%dma_start3A_801, %dma_start3A_802] : memref<64x128xf32, #tpu.memory_space<vmem>> -> memref<8x128xf32, #tpu.memory_space<vmem>>
      %dma_start3A_804 = arith.constant 0 : i32
      %dma_start3A_805 = arith.constant 0 : i32
      %dma_start3A_806 = tpu.memref_slice %arg4[%add3A_691, %dma_start3A_800, %add3A, %dma_start3A_804, %dma_start3A_805] : memref<200x8x32x8x128xf32, #tpu.memory_space<hbm>> -> memref<1x1x1x8x128xf32, #tpu.memory_space<hbm>>
      %dma_start3A_807 = tpu.memref_squeeze %dma_start3A_806 : memref<1x1x1x8x128xf32, #tpu.memory_space<hbm>> -> memref<8x128xf32, #tpu.memory_space<hbm>>
      %dma_start3A_808 = arith.constant 0 : i32
      %dma_start3A_809 = arith.constant 0 : i32
      %dma_start3A_810 = tpu.memref_slice %arg4[%add3A_691, %dma_start3A_800, %add3A, %dma_start3A_808, %dma_start3A_809] : memref<200x8x32x8x128xf32, #tpu.memory_space<hbm>> -> memref<1x1x1x8x128xf32, #tpu.memory_space<hbm>>
      %dma_start3A_811 = tpu.memref_squeeze %dma_start3A_810 : memref<1x1x1x8x128xf32, #tpu.memory_space<hbm>> -> memref<8x128xf32, #tpu.memory_space<hbm>>
      %dma_start3A_812 = arith.constant 48 : i32
      %dma_start3A_813 = arith.constant 0 : i32
      %dma_start3A_814 = tpu.memref_slice %arg8[%dma_start3A_812, %dma_start3A_813] : memref<64x128xf32, #tpu.memory_space<vmem>> -> memref<8x128xf32, #tpu.memory_space<vmem>>
      tpu.enqueue_dma source(%dma_start3A_814 : memref<8x128xf32, #tpu.memory_space<vmem>>) target(%dma_start3A_811 : memref<8x128xf32, #tpu.memory_space<hbm>>) target_semaphore(%arg12 : memref<!tpu.dma_semaphore, #tpu.memory_space<semaphore_mem>>)
      %dma_start3A_815 = arith.constant 7 : i32
      %dma_start3A_816 = arith.constant 56 : i32
      %dma_start3A_817 = arith.constant 0 : i32
      %dma_start3A_818 = tpu.memref_slice %arg8[%dma_start3A_816, %dma_start3A_817] : memref<64x128xf32, #tpu.memory_space<vmem>> -> memref<8x128xf32, #tpu.memory_space<vmem>>
      %dma_start3A_819 = arith.constant 0 : i32
      %dma_start3A_820 = arith.constant 0 : i32
      %dma_start3A_821 = tpu.memref_slice %arg4[%add3A_691, %dma_start3A_815, %add3A, %dma_start3A_819, %dma_start3A_820] : memref<200x8x32x8x128xf32, #tpu.memory_space<hbm>> -> memref<1x1x1x8x128xf32, #tpu.memory_space<hbm>>
      %dma_start3A_822 = tpu.memref_squeeze %dma_start3A_821 : memref<1x1x1x8x128xf32, #tpu.memory_space<hbm>> -> memref<8x128xf32, #tpu.memory_space<hbm>>
      %dma_start3A_823 = arith.constant 0 : i32
      %dma_start3A_824 = arith.constant 0 : i32
      %dma_start3A_825 = tpu.memref_slice %arg4[%add3A_691, %dma_start3A_815, %add3A, %dma_start3A_823, %dma_start3A_824] : memref<200x8x32x8x128xf32, #tpu.memory_space<hbm>> -> memref<1x1x1x8x128xf32, #tpu.memory_space<hbm>>
      %dma_start3A_826 = tpu.memref_squeeze %dma_start3A_825 : memref<1x1x1x8x128xf32, #tpu.memory_space<hbm>> -> memref<8x128xf32, #tpu.memory_space<hbm>>
      %dma_start3A_827 = arith.constant 56 : i32
      %dma_start3A_828 = arith.constant 0 : i32
      %dma_start3A_829 = tpu.memref_slice %arg8[%dma_start3A_827, %dma_start3A_828] : memref<64x128xf32, #tpu.memory_space<vmem>> -> memref<8x128xf32, #tpu.memory_space<vmem>>
      tpu.enqueue_dma source(%dma_start3A_829 : memref<8x128xf32, #tpu.memory_space<vmem>>) target(%dma_start3A_826 : memref<8x128xf32, #tpu.memory_space<hbm>>) target_semaphore(%arg12 : memref<!tpu.dma_semaphore, #tpu.memory_space<semaphore_mem>>)
      %add3A_830 = arith.constant 1 : i32
      %add3A_831 = arith.addi %add3A_689, %add3A_830 : i32
      %dma_wait3A_832 = arith.constant 0 : i32
      %dma_wait3A_833 = arith.constant 0 : i32
      %dma_wait3A_834 = tpu.memref_slice %arg5[%dma_wait3A_832, %dma_wait3A_833] : memref<200x128xi32, #tpu.memory_space<vmem>> -> memref<1x128xi32, #tpu.memory_space<vmem>>
      %dma_wait3A_835 = tpu.memref_squeeze %dma_wait3A_834 : memref<1x128xi32, #tpu.memory_space<vmem>> -> memref<128xi32, #tpu.memory_space<vmem>>
      %dma_wait3A_836 = arith.constant 0 : i32
      %dma_wait3A_837 = arith.constant 0 : i32
      %dma_wait3A_838 = tpu.memref_slice %arg3[%dma_wait3A_836, %dma_wait3A_837] : memref<1000000x128xf32, #tpu.memory_space<hbm>> -> memref<1000000x128xf32, #tpu.memory_space<hbm>>
      tpu.wait_indirect_dma semaphore(%arg11 : memref<!tpu.dma_semaphore, #tpu.memory_space<semaphore_mem>>) src(%dma_wait3A_838 : memref<1000000x128xf32, #tpu.memory_space<hbm>>) dst(%arg7 : memref<128x128xf32, #tpu.memory_space<vmem>>)
      %add3A_839 = arith.constant 1 : i32
      %add3A_840 = arith.addi %add3A_831, %add3A_839 : i32
      %lt3A_841 = arith.constant 200 : i32
      %lt3A_842 = arith.cmpi slt, %add3A_840, %lt3A_841 : i32
      %convert_element_type3A_843 = arith.extui %lt3A_842 : i1 to i32
      %cond3A_844 = arith.constant 0 : i32
      %cond3A_845 = arith.cmpi ne, %convert_element_type3A_843, %cond3A_844 : i32
      scf.if %cond3A_845 {
        %add3A_974 = arith.constant 1 : i32
        %add3A_975 = arith.addi %add3A_831, %add3A_974 : i32
        %dma_start3A_976 = arith.constant 0 : i32
        %dma_start3A_977 = tpu.memref_slice %arg5[%add3A_975, %dma_start3A_976] : memref<200x128xi32, #tpu.memory_space<vmem>> -> memref<1x128xi32, #tpu.memory_space<vmem>>
        %dma_start3A_978 = tpu.memref_squeeze %dma_start3A_977 : memref<1x128xi32, #tpu.memory_space<vmem>> -> memref<128xi32, #tpu.memory_space<vmem>>
        %dma_start3A_979 = arith.constant 0 : i32
        %dma_start3A_980 = arith.constant 0 : i32
        %dma_start3A_981 = tpu.memref_slice %arg3[%dma_start3A_979, %dma_start3A_980] : memref<1000000x128xf32, #tpu.memory_space<hbm>> -> memref<1000000x128xf32, #tpu.memory_space<hbm>>
        tpu.enqueue_indirect_dma source(%dma_start3A_981 : memref<1000000x128xf32, #tpu.memory_space<hbm>>) target(%arg6 : memref<128x128xf32, #tpu.memory_space<vmem>>) offsets(%dma_start3A_978 : memref<128xi32, #tpu.memory_space<vmem>>) semaphore(%arg10 : memref<!tpu.dma_semaphore, #tpu.memory_space<semaphore_mem>>)
      } else {
      }
      %ge3A_846 = arith.constant 2 : i32
      %ge3A_847 = arith.cmpi sge, %add3A_831, %ge3A_846 : i32
      %convert_element_type3A_848 = arith.extui %ge3A_847 : i1 to i32
      %cond3A_849 = arith.constant 0 : i32
      %cond3A_850 = arith.cmpi ne, %convert_element_type3A_848, %cond3A_849 : i32
      scf.if %cond3A_850 {
        %dma_wait3A_974 = arith.constant 0 : i32
        %dma_wait3A_975 = arith.constant 0 : i32
        %dma_wait3A_976 = arith.constant 0 : i32
        %dma_wait3A_977 = arith.constant 0 : i32
        %dma_wait3A_978 = tpu.memref_slice %arg9[%dma_wait3A_976, %dma_wait3A_977] : memref<64x128xf32, #tpu.memory_space<vmem>> -> memref<8x128xf32, #tpu.memory_space<vmem>>
        %dma_wait3A_979 = arith.constant 0 : i32
        %dma_wait3A_980 = arith.constant 0 : i32
        %dma_wait3A_981 = tpu.memref_slice %arg4[%dma_wait3A_974, %dma_wait3A_975, %add3A, %dma_wait3A_979, %dma_wait3A_980] : memref<200x8x32x8x128xf32, #tpu.memory_space<hbm>> -> memref<1x1x1x8x128xf32, #tpu.memory_space<hbm>>
        %dma_wait3A_982 = tpu.memref_squeeze %dma_wait3A_981 : memref<1x1x1x8x128xf32, #tpu.memory_space<hbm>> -> memref<8x128xf32, #tpu.memory_space<hbm>>
        %dma_wait3A_983 = arith.constant 0 : i32
        %dma_wait3A_984 = arith.constant 0 : i32
        %dma_wait3A_985 = tpu.memref_slice %arg4[%dma_wait3A_974, %dma_wait3A_975, %add3A, %dma_wait3A_983, %dma_wait3A_984] : memref<200x8x32x8x128xf32, #tpu.memory_space<hbm>> -> memref<1x1x1x8x128xf32, #tpu.memory_space<hbm>>
        %dma_wait3A_986 = tpu.memref_squeeze %dma_wait3A_985 : memref<1x1x1x8x128xf32, #tpu.memory_space<hbm>> -> memref<8x128xf32, #tpu.memory_space<hbm>>
        %dma_wait3A_987 = arith.constant 0 : i32
        %dma_wait3A_988 = arith.constant 0 : i32
        %dma_wait3A_989 = tpu.memref_slice %arg9[%dma_wait3A_987, %dma_wait3A_988] : memref<64x128xf32, #tpu.memory_space<vmem>> -> memref<8x128xf32, #tpu.memory_space<vmem>>
        tpu.wait_dma2 semaphore(%arg13 : memref<!tpu.dma_semaphore, #tpu.memory_space<semaphore_mem>>) src(%dma_wait3A_989 : memref<8x128xf32, #tpu.memory_space<vmem>>) dst(%dma_wait3A_986 : memref<8x128xf32, #tpu.memory_space<hbm>>)
        %dma_wait3A_990 = arith.constant 0 : i32
        %dma_wait3A_991 = arith.constant 0 : i32
        %dma_wait3A_992 = arith.constant 0 : i32
        %dma_wait3A_993 = arith.constant 0 : i32
        %dma_wait3A_994 = tpu.memref_slice %arg9[%dma_wait3A_992, %dma_wait3A_993] : memref<64x128xf32, #tpu.memory_space<vmem>> -> memref<8x128xf32, #tpu.memory_space<vmem>>
        %dma_wait3A_995 = arith.constant 0 : i32
        %dma_wait3A_996 = arith.constant 0 : i32
        %dma_wait3A_997 = tpu.memref_slice %arg4[%dma_wait3A_990, %dma_wait3A_991, %add3A, %dma_wait3A_995, %dma_wait3A_996] : memref<200x8x32x8x128xf32, #tpu.memory_space<hbm>> -> memref<1x1x1x8x128xf32, #tpu.memory_space<hbm>>
        %dma_wait3A_998 = tpu.memref_squeeze %dma_wait3A_997 : memref<1x1x1x8x128xf32, #tpu.memory_space<hbm>> -> memref<8x128xf32, #tpu.memory_space<hbm>>
        %dma_wait3A_999 = arith.constant 0 : i32
        %dma_wait3A_1000 = arith.constant 0 : i32
        %dma_wait3A_1001 = tpu.memref_slice %arg4[%dma_wait3A_990, %dma_wait3A_991, %add3A, %dma_wait3A_999, %dma_wait3A_1000] : memref<200x8x32x8x128xf32, #tpu.memory_space<hbm>> -> memref<1x1x1x8x128xf32, #tpu.memory_space<hbm>>
        %dma_wait3A_1002 = tpu.memref_squeeze %dma_wait3A_1001 : memref<1x1x1x8x128xf32, #tpu.memory_space<hbm>> -> memref<8x128xf32, #tpu.memory_space<hbm>>
        %dma_wait3A_1003 = arith.constant 0 : i32
        %dma_wait3A_1004 = arith.constant 0 : i32
        %dma_wait3A_1005 = tpu.memref_slice %arg9[%dma_wait3A_1003, %dma_wait3A_1004] : memref<64x128xf32, #tpu.memory_space<vmem>> -> memref<8x128xf32, #tpu.memory_space<vmem>>
        tpu.wait_dma2 semaphore(%arg13 : memref<!tpu.dma_semaphore, #tpu.memory_space<semaphore_mem>>) src(%dma_wait3A_1005 : memref<8x128xf32, #tpu.memory_space<vmem>>) dst(%dma_wait3A_1002 : memref<8x128xf32, #tpu.memory_space<hbm>>)
        %dma_wait3A_1006 = arith.constant 0 : i32
        %dma_wait3A_1007 = arith.constant 0 : i32
        %dma_wait3A_1008 = arith.constant 0 : i32
        %dma_wait3A_1009 = arith.constant 0 : i32
        %dma_wait3A_1010 = tpu.memref_slice %arg9[%dma_wait3A_1008, %dma_wait3A_1009] : memref<64x128xf32, #tpu.memory_space<vmem>> -> memref<8x128xf32, #tpu.memory_space<vmem>>
        %dma_wait3A_1011 = arith.constant 0 : i32
        %dma_wait3A_1012 = arith.constant 0 : i32
        %dma_wait3A_1013 = tpu.memref_slice %arg4[%dma_wait3A_1006, %dma_wait3A_1007, %add3A, %dma_wait3A_1011, %dma_wait3A_1012] : memref<200x8x32x8x128xf32, #tpu.memory_space<hbm>> -> memref<1x1x1x8x128xf32, #tpu.memory_space<hbm>>
        %dma_wait3A_1014 = tpu.memref_squeeze %dma_wait3A_1013 : memref<1x1x1x8x128xf32, #tpu.memory_space<hbm>> -> memref<8x128xf32, #tpu.memory_space<hbm>>
        %dma_wait3A_1015 = arith.constant 0 : i32
        %dma_wait3A_1016 = arith.constant 0 : i32
        %dma_wait3A_1017 = tpu.memref_slice %arg4[%dma_wait3A_1006, %dma_wait3A_1007, %add3A, %dma_wait3A_1015, %dma_wait3A_1016] : memref<200x8x32x8x128xf32, #tpu.memory_space<hbm>> -> memref<1x1x1x8x128xf32, #tpu.memory_space<hbm>>
        %dma_wait3A_1018 = tpu.memref_squeeze %dma_wait3A_1017 : memref<1x1x1x8x128xf32, #tpu.memory_space<hbm>> -> memref<8x128xf32, #tpu.memory_space<hbm>>
        %dma_wait3A_1019 = arith.constant 0 : i32
        %dma_wait3A_1020 = arith.constant 0 : i32
        %dma_wait3A_1021 = tpu.memref_slice %arg9[%dma_wait3A_1019, %dma_wait3A_1020] : memref<64x128xf32, #tpu.memory_space<vmem>> -> memref<8x128xf32, #tpu.memory_space<vmem>>
        tpu.wait_dma2 semaphore(%arg13 : memref<!tpu.dma_semaphore, #tpu.memory_space<semaphore_mem>>) src(%dma_wait3A_1021 : memref<8x128xf32, #tpu.memory_space<vmem>>) dst(%dma_wait3A_1018 : memref<8x128xf32, #tpu.memory_space<hbm>>)
        %dma_wait3A_1022 = arith.constant 0 : i32
        %dma_wait3A_1023 = arith.constant 0 : i32
        %dma_wait3A_1024 = arith.constant 0 : i32
        %dma_wait3A_1025 = arith.constant 0 : i32
        %dma_wait3A_1026 = tpu.memref_slice %arg9[%dma_wait3A_1024, %dma_wait3A_1025] : memref<64x128xf32, #tpu.memory_space<vmem>> -> memref<8x128xf32, #tpu.memory_space<vmem>>
        %dma_wait3A_1027 = arith.constant 0 : i32
        %dma_wait3A_1028 = arith.constant 0 : i32
        %dma_wait3A_1029 = tpu.memref_slice %arg4[%dma_wait3A_1022, %dma_wait3A_1023, %add3A, %dma_wait3A_1027, %dma_wait3A_1028] : memref<200x8x32x8x128xf32, #tpu.memory_space<hbm>> -> memref<1x1x1x8x128xf32, #tpu.memory_space<hbm>>
        %dma_wait3A_1030 = tpu.memref_squeeze %dma_wait3A_1029 : memref<1x1x1x8x128xf32, #tpu.memory_space<hbm>> -> memref<8x128xf32, #tpu.memory_space<hbm>>
        %dma_wait3A_1031 = arith.constant 0 : i32
        %dma_wait3A_1032 = arith.constant 0 : i32
        %dma_wait3A_1033 = tpu.memref_slice %arg4[%dma_wait3A_1022, %dma_wait3A_1023, %add3A, %dma_wait3A_1031, %dma_wait3A_1032] : memref<200x8x32x8x128xf32, #tpu.memory_space<hbm>> -> memref<1x1x1x8x128xf32, #tpu.memory_space<hbm>>
        %dma_wait3A_1034 = tpu.memref_squeeze %dma_wait3A_1033 : memref<1x1x1x8x128xf32, #tpu.memory_space<hbm>> -> memref<8x128xf32, #tpu.memory_space<hbm>>
        %dma_wait3A_1035 = arith.constant 0 : i32
        %dma_wait3A_1036 = arith.constant 0 : i32
        %dma_wait3A_1037 = tpu.memref_slice %arg9[%dma_wait3A_1035, %dma_wait3A_1036] : memref<64x128xf32, #tpu.memory_space<vmem>> -> memref<8x128xf32, #tpu.memory_space<vmem>>
        tpu.wait_dma2 semaphore(%arg13 : memref<!tpu.dma_semaphore, #tpu.memory_space<semaphore_mem>>) src(%dma_wait3A_1037 : memref<8x128xf32, #tpu.memory_space<vmem>>) dst(%dma_wait3A_1034 : memref<8x128xf32, #tpu.memory_space<hbm>>)
        %dma_wait3A_1038 = arith.constant 0 : i32
        %dma_wait3A_1039 = arith.constant 0 : i32
        %dma_wait3A_1040 = arith.constant 0 : i32
        %dma_wait3A_1041 = arith.constant 0 : i32
        %dma_wait3A_1042 = tpu.memref_slice %arg9[%dma_wait3A_1040, %dma_wait3A_1041] : memref<64x128xf32, #tpu.memory_space<vmem>> -> memref<8x128xf32, #tpu.memory_space<vmem>>
        %dma_wait3A_1043 = arith.constant 0 : i32
        %dma_wait3A_1044 = arith.constant 0 : i32
        %dma_wait3A_1045 = tpu.memref_slice %arg4[%dma_wait3A_1038, %dma_wait3A_1039, %add3A, %dma_wait3A_1043, %dma_wait3A_1044] : memref<200x8x32x8x128xf32, #tpu.memory_space<hbm>> -> memref<1x1x1x8x128xf32, #tpu.memory_space<hbm>>
        %dma_wait3A_1046 = tpu.memref_squeeze %dma_wait3A_1045 : memref<1x1x1x8x128xf32, #tpu.memory_space<hbm>> -> memref<8x128xf32, #tpu.memory_space<hbm>>
        %dma_wait3A_1047 = arith.constant 0 : i32
        %dma_wait3A_1048 = arith.constant 0 : i32
        %dma_wait3A_1049 = tpu.memref_slice %arg4[%dma_wait3A_1038, %dma_wait3A_1039, %add3A, %dma_wait3A_1047, %dma_wait3A_1048] : memref<200x8x32x8x128xf32, #tpu.memory_space<hbm>> -> memref<1x1x1x8x128xf32, #tpu.memory_space<hbm>>
        %dma_wait3A_1050 = tpu.memref_squeeze %dma_wait3A_1049 : memref<1x1x1x8x128xf32, #tpu.memory_space<hbm>> -> memref<8x128xf32, #tpu.memory_space<hbm>>
        %dma_wait3A_1051 = arith.constant 0 : i32
        %dma_wait3A_1052 = arith.constant 0 : i32
        %dma_wait3A_1053 = tpu.memref_slice %arg9[%dma_wait3A_1051, %dma_wait3A_1052] : memref<64x128xf32, #tpu.memory_space<vmem>> -> memref<8x128xf32, #tpu.memory_space<vmem>>
        tpu.wait_dma2 semaphore(%arg13 : memref<!tpu.dma_semaphore, #tpu.memory_space<semaphore_mem>>) src(%dma_wait3A_1053 : memref<8x128xf32, #tpu.memory_space<vmem>>) dst(%dma_wait3A_1050 : memref<8x128xf32, #tpu.memory_space<hbm>>)
        %dma_wait3A_1054 = arith.constant 0 : i32
        %dma_wait3A_1055 = arith.constant 0 : i32
        %dma_wait3A_1056 = arith.constant 0 : i32
        %dma_wait3A_1057 = arith.constant 0 : i32
        %dma_wait3A_1058 = tpu.memref_slice %arg9[%dma_wait3A_1056, %dma_wait3A_1057] : memref<64x128xf32, #tpu.memory_space<vmem>> -> memref<8x128xf32, #tpu.memory_space<vmem>>
        %dma_wait3A_1059 = arith.constant 0 : i32
        %dma_wait3A_1060 = arith.constant 0 : i32
        %dma_wait3A_1061 = tpu.memref_slice %arg4[%dma_wait3A_1054, %dma_wait3A_1055, %add3A, %dma_wait3A_1059, %dma_wait3A_1060] : memref<200x8x32x8x128xf32, #tpu.memory_space<hbm>> -> memref<1x1x1x8x128xf32, #tpu.memory_space<hbm>>
        %dma_wait3A_1062 = tpu.memref_squeeze %dma_wait3A_1061 : memref<1x1x1x8x128xf32, #tpu.memory_space<hbm>> -> memref<8x128xf32, #tpu.memory_space<hbm>>
        %dma_wait3A_1063 = arith.constant 0 : i32
        %dma_wait3A_1064 = arith.constant 0 : i32
        %dma_wait3A_1065 = tpu.memref_slice %arg4[%dma_wait3A_1054, %dma_wait3A_1055, %add3A, %dma_wait3A_1063, %dma_wait3A_1064] : memref<200x8x32x8x128xf32, #tpu.memory_space<hbm>> -> memref<1x1x1x8x128xf32, #tpu.memory_space<hbm>>
        %dma_wait3A_1066 = tpu.memref_squeeze %dma_wait3A_1065 : memref<1x1x1x8x128xf32, #tpu.memory_space<hbm>> -> memref<8x128xf32, #tpu.memory_space<hbm>>
        %dma_wait3A_1067 = arith.constant 0 : i32
        %dma_wait3A_1068 = arith.constant 0 : i32
        %dma_wait3A_1069 = tpu.memref_slice %arg9[%dma_wait3A_1067, %dma_wait3A_1068] : memref<64x128xf32, #tpu.memory_space<vmem>> -> memref<8x128xf32, #tpu.memory_space<vmem>>
        tpu.wait_dma2 semaphore(%arg13 : memref<!tpu.dma_semaphore, #tpu.memory_space<semaphore_mem>>) src(%dma_wait3A_1069 : memref<8x128xf32, #tpu.memory_space<vmem>>) dst(%dma_wait3A_1066 : memref<8x128xf32, #tpu.memory_space<hbm>>)
        %dma_wait3A_1070 = arith.constant 0 : i32
        %dma_wait3A_1071 = arith.constant 0 : i32
        %dma_wait3A_1072 = arith.constant 0 : i32
        %dma_wait3A_1073 = arith.constant 0 : i32
        %dma_wait3A_1074 = tpu.memref_slice %arg9[%dma_wait3A_1072, %dma_wait3A_1073] : memref<64x128xf32, #tpu.memory_space<vmem>> -> memref<8x128xf32, #tpu.memory_space<vmem>>
        %dma_wait3A_1075 = arith.constant 0 : i32
        %dma_wait3A_1076 = arith.constant 0 : i32
        %dma_wait3A_1077 = tpu.memref_slice %arg4[%dma_wait3A_1070, %dma_wait3A_1071, %add3A, %dma_wait3A_1075, %dma_wait3A_1076] : memref<200x8x32x8x128xf32, #tpu.memory_space<hbm>> -> memref<1x1x1x8x128xf32, #tpu.memory_space<hbm>>
        %dma_wait3A_1078 = tpu.memref_squeeze %dma_wait3A_1077 : memref<1x1x1x8x128xf32, #tpu.memory_space<hbm>> -> memref<8x128xf32, #tpu.memory_space<hbm>>
        %dma_wait3A_1079 = arith.constant 0 : i32
        %dma_wait3A_1080 = arith.constant 0 : i32
        %dma_wait3A_1081 = tpu.memref_slice %arg4[%dma_wait3A_1070, %dma_wait3A_1071, %add3A, %dma_wait3A_1079, %dma_wait3A_1080] : memref<200x8x32x8x128xf32, #tpu.memory_space<hbm>> -> memref<1x1x1x8x128xf32, #tpu.memory_space<hbm>>
        %dma_wait3A_1082 = tpu.memref_squeeze %dma_wait3A_1081 : memref<1x1x1x8x128xf32, #tpu.memory_space<hbm>> -> memref<8x128xf32, #tpu.memory_space<hbm>>
        %dma_wait3A_1083 = arith.constant 0 : i32
        %dma_wait3A_1084 = arith.constant 0 : i32
        %dma_wait3A_1085 = tpu.memref_slice %arg9[%dma_wait3A_1083, %dma_wait3A_1084] : memref<64x128xf32, #tpu.memory_space<vmem>> -> memref<8x128xf32, #tpu.memory_space<vmem>>
        tpu.wait_dma2 semaphore(%arg13 : memref<!tpu.dma_semaphore, #tpu.memory_space<semaphore_mem>>) src(%dma_wait3A_1085 : memref<8x128xf32, #tpu.memory_space<vmem>>) dst(%dma_wait3A_1082 : memref<8x128xf32, #tpu.memory_space<hbm>>)
        %dma_wait3A_1086 = arith.constant 0 : i32
        %dma_wait3A_1087 = arith.constant 0 : i32
        %dma_wait3A_1088 = arith.constant 0 : i32
        %dma_wait3A_1089 = arith.constant 0 : i32
        %dma_wait3A_1090 = tpu.memref_slice %arg9[%dma_wait3A_1088, %dma_wait3A_1089] : memref<64x128xf32, #tpu.memory_space<vmem>> -> memref<8x128xf32, #tpu.memory_space<vmem>>
        %dma_wait3A_1091 = arith.constant 0 : i32
        %dma_wait3A_1092 = arith.constant 0 : i32
        %dma_wait3A_1093 = tpu.memref_slice %arg4[%dma_wait3A_1086, %dma_wait3A_1087, %add3A, %dma_wait3A_1091, %dma_wait3A_1092] : memref<200x8x32x8x128xf32, #tpu.memory_space<hbm>> -> memref<1x1x1x8x128xf32, #tpu.memory_space<hbm>>
        %dma_wait3A_1094 = tpu.memref_squeeze %dma_wait3A_1093 : memref<1x1x1x8x128xf32, #tpu.memory_space<hbm>> -> memref<8x128xf32, #tpu.memory_space<hbm>>
        %dma_wait3A_1095 = arith.constant 0 : i32
        %dma_wait3A_1096 = arith.constant 0 : i32
        %dma_wait3A_1097 = tpu.memref_slice %arg4[%dma_wait3A_1086, %dma_wait3A_1087, %add3A, %dma_wait3A_1095, %dma_wait3A_1096] : memref<200x8x32x8x128xf32, #tpu.memory_space<hbm>> -> memref<1x1x1x8x128xf32, #tpu.memory_space<hbm>>
        %dma_wait3A_1098 = tpu.memref_squeeze %dma_wait3A_1097 : memref<1x1x1x8x128xf32, #tpu.memory_space<hbm>> -> memref<8x128xf32, #tpu.memory_space<hbm>>
        %dma_wait3A_1099 = arith.constant 0 : i32
        %dma_wait3A_1100 = arith.constant 0 : i32
        %dma_wait3A_1101 = tpu.memref_slice %arg9[%dma_wait3A_1099, %dma_wait3A_1100] : memref<64x128xf32, #tpu.memory_space<vmem>> -> memref<8x128xf32, #tpu.memory_space<vmem>>
        tpu.wait_dma2 semaphore(%arg13 : memref<!tpu.dma_semaphore, #tpu.memory_space<semaphore_mem>>) src(%dma_wait3A_1101 : memref<8x128xf32, #tpu.memory_space<vmem>>) dst(%dma_wait3A_1098 : memref<8x128xf32, #tpu.memory_space<hbm>>)
      } else {
      }
      %parallel_loop3A_851 = arith.constant 0 : i32
      %parallel_loop3A_852 = arith.constant 512 : i32
      %parallel_loop3A_853 = arith.constant 1 : i32
      scf.for %parallel_loop3A_974 = %parallel_loop3A_851 to %parallel_loop3A_852 step %parallel_loop3A_853  : i32 {
        %parallel_loop3A_975 = arith.constant 2 : i32
        %parallel_loop3A_976 = arith.shrsi %parallel_loop3A_974, %parallel_loop3A_975 : i32
        %parallel_loop3A_977 = arith.constant 112 : i32
        %parallel_loop3A_978 = arith.andi %parallel_loop3A_976, %parallel_loop3A_977 : i32
        %parallel_loop3A_979 = vector.broadcast %parallel_loop3A_978 : i32 to vector<16xi32>
        %parallel_loop3A_980 = arith.addi %iota3A, %parallel_loop3A_979 : vector<16xi32>
        %parallel_loop3A_981 = arith.constant 15 : i32
        %parallel_loop3A_982 = arith.andi %parallel_loop3A_974, %parallel_loop3A_981 : i32
        %parallel_loop3A_983 = vector.broadcast %parallel_loop3A_982 : i32 to vector<16xi32>
        %parallel_loop3A_984 = arith.addi %iota3A, %parallel_loop3A_983 : vector<16xi32>
        %parallel_loop3A_985 = arith.constant 15 : i32
        %parallel_loop3A_986 = vector.broadcast %parallel_loop3A_985 : i32 to vector<16xi32>
        %parallel_loop3A_987 = arith.andi %parallel_loop3A_984, %parallel_loop3A_986 : vector<16xi32>
        %parallel_loop3A_988 = arith.constant 48 : i32
        %parallel_loop3A_989 = arith.andi %parallel_loop3A_974, %parallel_loop3A_988 : i32
        %parallel_loop3A_990 = vector.broadcast %parallel_loop3A_989 : i32 to vector<16xi32>
        %parallel_loop3A_991 = arith.ori %parallel_loop3A_987, %parallel_loop3A_990 : vector<16xi32>
        %parallel_loop3A_992 = tpu.vector_load_idx %arg7[%parallel_loop3A_980, %parallel_loop3A_991] : memref<128x128xf32, #tpu.memory_space<vmem>>[vector<16xi32>, vector<16xi32>], vector<16xf32>,
        tpu.vector_store_idx %arg9[%parallel_loop3A_991, %parallel_loop3A_980], %parallel_loop3A_992 : memref<64x128xf32, #tpu.memory_space<vmem>>[vector<16xi32>, vector<16xi32>], vector<16xf32>,
      } {sc.loop_unroll_factor = 8 : i64, sc.parallel_access}
      %dma_start3A_854 = arith.constant 0 : i32
      %dma_start3A_855 = arith.constant 0 : i32
      %dma_start3A_856 = arith.constant 0 : i32
      %dma_start3A_857 = tpu.memref_slice %arg9[%dma_start3A_855, %dma_start3A_856] : memref<64x128xf32, #tpu.memory_space<vmem>> -> memref<8x128xf32, #tpu.memory_space<vmem>>
      %dma_start3A_858 = arith.constant 0 : i32
      %dma_start3A_859 = arith.constant 0 : i32
      %dma_start3A_860 = tpu.memref_slice %arg4[%add3A_831, %dma_start3A_854, %add3A, %dma_start3A_858, %dma_start3A_859] : memref<200x8x32x8x128xf32, #tpu.memory_space<hbm>> -> memref<1x1x1x8x128xf32, #tpu.memory_space<hbm>>
      %dma_start3A_861 = tpu.memref_squeeze %dma_start3A_860 : memref<1x1x1x8x128xf32, #tpu.memory_space<hbm>> -> memref<8x128xf32, #tpu.memory_space<hbm>>
      %dma_start3A_862 = arith.constant 0 : i32
      %dma_start3A_863 = arith.constant 0 : i32
      %dma_start3A_864 = tpu.memref_slice %arg4[%add3A_831, %dma_start3A_854, %add3A, %dma_start3A_862, %dma_start3A_863] : memref<200x8x32x8x128xf32, #tpu.memory_space<hbm>> -> memref<1x1x1x8x128xf32, #tpu.memory_space<hbm>>
      %dma_start3A_865 = tpu.memref_squeeze %dma_start3A_864 : memref<1x1x1x8x128xf32, #tpu.memory_space<hbm>> -> memref<8x128xf32, #tpu.memory_space<hbm>>
      %dma_start3A_866 = arith.constant 0 : i32
      %dma_start3A_867 = arith.constant 0 : i32
      %dma_start3A_868 = tpu.memref_slice %arg9[%dma_start3A_866, %dma_start3A_867] : memref<64x128xf32, #tpu.memory_space<vmem>> -> memref<8x128xf32, #tpu.memory_space<vmem>>
      tpu.enqueue_dma source(%dma_start3A_868 : memref<8x128xf32, #tpu.memory_space<vmem>>) target(%dma_start3A_865 : memref<8x128xf32, #tpu.memory_space<hbm>>) target_semaphore(%arg13 : memref<!tpu.dma_semaphore, #tpu.memory_space<semaphore_mem>>)
      %dma_start3A_869 = arith.constant 1 : i32
      %dma_start3A_870 = arith.constant 8 : i32
      %dma_start3A_871 = arith.constant 0 : i32
      %dma_start3A_872 = tpu.memref_slice %arg9[%dma_start3A_870, %dma_start3A_871] : memref<64x128xf32, #tpu.memory_space<vmem>> -> memref<8x128xf32, #tpu.memory_space<vmem>>
      %dma_start3A_873 = arith.constant 0 : i32
      %dma_start3A_874 = arith.constant 0 : i32
      %dma_start3A_875 = tpu.memref_slice %arg4[%add3A_831, %dma_start3A_869, %add3A, %dma_start3A_873, %dma_start3A_874] : memref<200x8x32x8x128xf32, #tpu.memory_space<hbm>> -> memref<1x1x1x8x128xf32, #tpu.memory_space<hbm>>
      %dma_start3A_876 = tpu.memref_squeeze %dma_start3A_875 : memref<1x1x1x8x128xf32, #tpu.memory_space<hbm>> -> memref<8x128xf32, #tpu.memory_space<hbm>>
      %dma_start3A_877 = arith.constant 0 : i32
      %dma_start3A_878 = arith.constant 0 : i32
      %dma_start3A_879 = tpu.memref_slice %arg4[%add3A_831, %dma_start3A_869, %add3A, %dma_start3A_877, %dma_start3A_878] : memref<200x8x32x8x128xf32, #tpu.memory_space<hbm>> -> memref<1x1x1x8x128xf32, #tpu.memory_space<hbm>>
      %dma_start3A_880 = tpu.memref_squeeze %dma_start3A_879 : memref<1x1x1x8x128xf32, #tpu.memory_space<hbm>> -> memref<8x128xf32, #tpu.memory_space<hbm>>
      %dma_start3A_881 = arith.constant 8 : i32
      %dma_start3A_882 = arith.constant 0 : i32
      %dma_start3A_883 = tpu.memref_slice %arg9[%dma_start3A_881, %dma_start3A_882] : memref<64x128xf32, #tpu.memory_space<vmem>> -> memref<8x128xf32, #tpu.memory_space<vmem>>
      tpu.enqueue_dma source(%dma_start3A_883 : memref<8x128xf32, #tpu.memory_space<vmem>>) target(%dma_start3A_880 : memref<8x128xf32, #tpu.memory_space<hbm>>) target_semaphore(%arg13 : memref<!tpu.dma_semaphore, #tpu.memory_space<semaphore_mem>>)
      %dma_start3A_884 = arith.constant 2 : i32
      %dma_start3A_885 = arith.constant 16 : i32
      %dma_start3A_886 = arith.constant 0 : i32
      %dma_start3A_887 = tpu.memref_slice %arg9[%dma_start3A_885, %dma_start3A_886] : memref<64x128xf32, #tpu.memory_space<vmem>> -> memref<8x128xf32, #tpu.memory_space<vmem>>
      %dma_start3A_888 = arith.constant 0 : i32
      %dma_start3A_889 = arith.constant 0 : i32
      %dma_start3A_890 = tpu.memref_slice %arg4[%add3A_831, %dma_start3A_884, %add3A, %dma_start3A_888, %dma_start3A_889] : memref<200x8x32x8x128xf32, #tpu.memory_space<hbm>> -> memref<1x1x1x8x128xf32, #tpu.memory_space<hbm>>
      %dma_start3A_891 = tpu.memref_squeeze %dma_start3A_890 : memref<1x1x1x8x128xf32, #tpu.memory_space<hbm>> -> memref<8x128xf32, #tpu.memory_space<hbm>>
      %dma_start3A_892 = arith.constant 0 : i32
      %dma_start3A_893 = arith.constant 0 : i32
      %dma_start3A_894 = tpu.memref_slice %arg4[%add3A_831, %dma_start3A_884, %add3A, %dma_start3A_892, %dma_start3A_893] : memref<200x8x32x8x128xf32, #tpu.memory_space<hbm>> -> memref<1x1x1x8x128xf32, #tpu.memory_space<hbm>>
      %dma_start3A_895 = tpu.memref_squeeze %dma_start3A_894 : memref<1x1x1x8x128xf32, #tpu.memory_space<hbm>> -> memref<8x128xf32, #tpu.memory_space<hbm>>
      %dma_start3A_896 = arith.constant 16 : i32
      %dma_start3A_897 = arith.constant 0 : i32
      %dma_start3A_898 = tpu.memref_slice %arg9[%dma_start3A_896, %dma_start3A_897] : memref<64x128xf32, #tpu.memory_space<vmem>> -> memref<8x128xf32, #tpu.memory_space<vmem>>
      tpu.enqueue_dma source(%dma_start3A_898 : memref<8x128xf32, #tpu.memory_space<vmem>>) target(%dma_start3A_895 : memref<8x128xf32, #tpu.memory_space<hbm>>) target_semaphore(%arg13 : memref<!tpu.dma_semaphore, #tpu.memory_space<semaphore_mem>>)
      %dma_start3A_899 = arith.constant 3 : i32
      %dma_start3A_900 = arith.constant 24 : i32
      %dma_start3A_901 = arith.constant 0 : i32
      %dma_start3A_902 = tpu.memref_slice %arg9[%dma_start3A_900, %dma_start3A_901] : memref<64x128xf32, #tpu.memory_space<vmem>> -> memref<8x128xf32, #tpu.memory_space<vmem>>
      %dma_start3A_903 = arith.constant 0 : i32
      %dma_start3A_904 = arith.constant 0 : i32
      %dma_start3A_905 = tpu.memref_slice %arg4[%add3A_831, %dma_start3A_899, %add3A, %dma_start3A_903, %dma_start3A_904] : memref<200x8x32x8x128xf32, #tpu.memory_space<hbm>> -> memref<1x1x1x8x128xf32, #tpu.memory_space<hbm>>
      %dma_start3A_906 = tpu.memref_squeeze %dma_start3A_905 : memref<1x1x1x8x128xf32, #tpu.memory_space<hbm>> -> memref<8x128xf32, #tpu.memory_space<hbm>>
      %dma_start3A_907 = arith.constant 0 : i32
      %dma_start3A_908 = arith.constant 0 : i32
      %dma_start3A_909 = tpu.memref_slice %arg4[%add3A_831, %dma_start3A_899, %add3A, %dma_start3A_907, %dma_start3A_908] : memref<200x8x32x8x128xf32, #tpu.memory_space<hbm>> -> memref<1x1x1x8x128xf32, #tpu.memory_space<hbm>>
      %dma_start3A_910 = tpu.memref_squeeze %dma_start3A_909 : memref<1x1x1x8x128xf32, #tpu.memory_space<hbm>> -> memref<8x128xf32, #tpu.memory_space<hbm>>
      %dma_start3A_911 = arith.constant 24 : i32
      %dma_start3A_912 = arith.constant 0 : i32
      %dma_start3A_913 = tpu.memref_slice %arg9[%dma_start3A_911, %dma_start3A_912] : memref<64x128xf32, #tpu.memory_space<vmem>> -> memref<8x128xf32, #tpu.memory_space<vmem>>
      tpu.enqueue_dma source(%dma_start3A_913 : memref<8x128xf32, #tpu.memory_space<vmem>>) target(%dma_start3A_910 : memref<8x128xf32, #tpu.memory_space<hbm>>) target_semaphore(%arg13 : memref<!tpu.dma_semaphore, #tpu.memory_space<semaphore_mem>>)
      %dma_start3A_914 = arith.constant 4 : i32
      %dma_start3A_915 = arith.constant 32 : i32
      %dma_start3A_916 = arith.constant 0 : i32
      %dma_start3A_917 = tpu.memref_slice %arg9[%dma_start3A_915, %dma_start3A_916] : memref<64x128xf32, #tpu.memory_space<vmem>> -> memref<8x128xf32, #tpu.memory_space<vmem>>
      %dma_start3A_918 = arith.constant 0 : i32
      %dma_start3A_919 = arith.constant 0 : i32
      %dma_start3A_920 = tpu.memref_slice %arg4[%add3A_831, %dma_start3A_914, %add3A, %dma_start3A_918, %dma_start3A_919] : memref<200x8x32x8x128xf32, #tpu.memory_space<hbm>> -> memref<1x1x1x8x128xf32, #tpu.memory_space<hbm>>
      %dma_start3A_921 = tpu.memref_squeeze %dma_start3A_920 : memref<1x1x1x8x128xf32, #tpu.memory_space<hbm>> -> memref<8x128xf32, #tpu.memory_space<hbm>>
      %dma_start3A_922 = arith.constant 0 : i32
      %dma_start3A_923 = arith.constant 0 : i32
      %dma_start3A_924 = tpu.memref_slice %arg4[%add3A_831, %dma_start3A_914, %add3A, %dma_start3A_922, %dma_start3A_923] : memref<200x8x32x8x128xf32, #tpu.memory_space<hbm>> -> memref<1x1x1x8x128xf32, #tpu.memory_space<hbm>>
      %dma_start3A_925 = tpu.memref_squeeze %dma_start3A_924 : memref<1x1x1x8x128xf32, #tpu.memory_space<hbm>> -> memref<8x128xf32, #tpu.memory_space<hbm>>
      %dma_start3A_926 = arith.constant 32 : i32
      %dma_start3A_927 = arith.constant 0 : i32
      %dma_start3A_928 = tpu.memref_slice %arg9[%dma_start3A_926, %dma_start3A_927] : memref<64x128xf32, #tpu.memory_space<vmem>> -> memref<8x128xf32, #tpu.memory_space<vmem>>
      tpu.enqueue_dma source(%dma_start3A_928 : memref<8x128xf32, #tpu.memory_space<vmem>>) target(%dma_start3A_925 : memref<8x128xf32, #tpu.memory_space<hbm>>) target_semaphore(%arg13 : memref<!tpu.dma_semaphore, #tpu.memory_space<semaphore_mem>>)
      %dma_start3A_929 = arith.constant 5 : i32
      %dma_start3A_930 = arith.constant 40 : i32
      %dma_start3A_931 = arith.constant 0 : i32
      %dma_start3A_932 = tpu.memref_slice %arg9[%dma_start3A_930, %dma_start3A_931] : memref<64x128xf32, #tpu.memory_space<vmem>> -> memref<8x128xf32, #tpu.memory_space<vmem>>
      %dma_start3A_933 = arith.constant 0 : i32
      %dma_start3A_934 = arith.constant 0 : i32
      %dma_start3A_935 = tpu.memref_slice %arg4[%add3A_831, %dma_start3A_929, %add3A, %dma_start3A_933, %dma_start3A_934] : memref<200x8x32x8x128xf32, #tpu.memory_space<hbm>> -> memref<1x1x1x8x128xf32, #tpu.memory_space<hbm>>
      %dma_start3A_936 = tpu.memref_squeeze %dma_start3A_935 : memref<1x1x1x8x128xf32, #tpu.memory_space<hbm>> -> memref<8x128xf32, #tpu.memory_space<hbm>>
      %dma_start3A_937 = arith.constant 0 : i32
      %dma_start3A_938 = arith.constant 0 : i32
      %dma_start3A_939 = tpu.memref_slice %arg4[%add3A_831, %dma_start3A_929, %add3A, %dma_start3A_937, %dma_start3A_938] : memref<200x8x32x8x128xf32, #tpu.memory_space<hbm>> -> memref<1x1x1x8x128xf32, #tpu.memory_space<hbm>>
      %dma_start3A_940 = tpu.memref_squeeze %dma_start3A_939 : memref<1x1x1x8x128xf32, #tpu.memory_space<hbm>> -> memref<8x128xf32, #tpu.memory_space<hbm>>
      %dma_start3A_941 = arith.constant 40 : i32
      %dma_start3A_942 = arith.constant 0 : i32
      %dma_start3A_943 = tpu.memref_slice %arg9[%dma_start3A_941, %dma_start3A_942] : memref<64x128xf32, #tpu.memory_space<vmem>> -> memref<8x128xf32, #tpu.memory_space<vmem>>
      tpu.enqueue_dma source(%dma_start3A_943 : memref<8x128xf32, #tpu.memory_space<vmem>>) target(%dma_start3A_940 : memref<8x128xf32, #tpu.memory_space<hbm>>) target_semaphore(%arg13 : memref<!tpu.dma_semaphore, #tpu.memory_space<semaphore_mem>>)
      %dma_start3A_944 = arith.constant 6 : i32
      %dma_start3A_945 = arith.constant 48 : i32
      %dma_start3A_946 = arith.constant 0 : i32
      %dma_start3A_947 = tpu.memref_slice %arg9[%dma_start3A_945, %dma_start3A_946] : memref<64x128xf32, #tpu.memory_space<vmem>> -> memref<8x128xf32, #tpu.memory_space<vmem>>
      %dma_start3A_948 = arith.constant 0 : i32
      %dma_start3A_949 = arith.constant 0 : i32
      %dma_start3A_950 = tpu.memref_slice %arg4[%add3A_831, %dma_start3A_944, %add3A, %dma_start3A_948, %dma_start3A_949] : memref<200x8x32x8x128xf32, #tpu.memory_space<hbm>> -> memref<1x1x1x8x128xf32, #tpu.memory_space<hbm>>
      %dma_start3A_951 = tpu.memref_squeeze %dma_start3A_950 : memref<1x1x1x8x128xf32, #tpu.memory_space<hbm>> -> memref<8x128xf32, #tpu.memory_space<hbm>>
      %dma_start3A_952 = arith.constant 0 : i32
      %dma_start3A_953 = arith.constant 0 : i32
      %dma_start3A_954 = tpu.memref_slice %arg4[%add3A_831, %dma_start3A_944, %add3A, %dma_start3A_952, %dma_start3A_953] : memref<200x8x32x8x128xf32, #tpu.memory_space<hbm>> -> memref<1x1x1x8x128xf32, #tpu.memory_space<hbm>>
      %dma_start3A_955 = tpu.memref_squeeze %dma_start3A_954 : memref<1x1x1x8x128xf32, #tpu.memory_space<hbm>> -> memref<8x128xf32, #tpu.memory_space<hbm>>
      %dma_start3A_956 = arith.constant 48 : i32
      %dma_start3A_957 = arith.constant 0 : i32
      %dma_start3A_958 = tpu.memref_slice %arg9[%dma_start3A_956, %dma_start3A_957] : memref<64x128xf32, #tpu.memory_space<vmem>> -> memref<8x128xf32, #tpu.memory_space<vmem>>
      tpu.enqueue_dma source(%dma_start3A_958 : memref<8x128xf32, #tpu.memory_space<vmem>>) target(%dma_start3A_955 : memref<8x128xf32, #tpu.memory_space<hbm>>) target_semaphore(%arg13 : memref<!tpu.dma_semaphore, #tpu.memory_space<semaphore_mem>>)
      %dma_start3A_959 = arith.constant 7 : i32
      %dma_start3A_960 = arith.constant 56 : i32
      %dma_start3A_961 = arith.constant 0 : i32
      %dma_start3A_962 = tpu.memref_slice %arg9[%dma_start3A_960, %dma_start3A_961] : memref<64x128xf32, #tpu.memory_space<vmem>> -> memref<8x128xf32, #tpu.memory_space<vmem>>
      %dma_start3A_963 = arith.constant 0 : i32
      %dma_start3A_964 = arith.constant 0 : i32
      %dma_start3A_965 = tpu.memref_slice %arg4[%add3A_831, %dma_start3A_959, %add3A, %dma_start3A_963, %dma_start3A_964] : memref<200x8x32x8x128xf32, #tpu.memory_space<hbm>> -> memref<1x1x1x8x128xf32, #tpu.memory_space<hbm>>
      %dma_start3A_966 = tpu.memref_squeeze %dma_start3A_965 : memref<1x1x1x8x128xf32, #tpu.memory_space<hbm>> -> memref<8x128xf32, #tpu.memory_space<hbm>>
      %dma_start3A_967 = arith.constant 0 : i32
      %dma_start3A_968 = arith.constant 0 : i32
      %dma_start3A_969 = tpu.memref_slice %arg4[%add3A_831, %dma_start3A_959, %add3A, %dma_start3A_967, %dma_start3A_968] : memref<200x8x32x8x128xf32, #tpu.memory_space<hbm>> -> memref<1x1x1x8x128xf32, #tpu.memory_space<hbm>>
      %dma_start3A_970 = tpu.memref_squeeze %dma_start3A_969 : memref<1x1x1x8x128xf32, #tpu.memory_space<hbm>> -> memref<8x128xf32, #tpu.memory_space<hbm>>
      %dma_start3A_971 = arith.constant 56 : i32
      %dma_start3A_972 = arith.constant 0 : i32
      %dma_start3A_973 = tpu.memref_slice %arg9[%dma_start3A_971, %dma_start3A_972] : memref<64x128xf32, #tpu.memory_space<vmem>> -> memref<8x128xf32, #tpu.memory_space<vmem>>
      tpu.enqueue_dma source(%dma_start3A_973 : memref<8x128xf32, #tpu.memory_space<vmem>>) target(%dma_start3A_970 : memref<8x128xf32, #tpu.memory_space<hbm>>) target_semaphore(%arg13 : memref<!tpu.dma_semaphore, #tpu.memory_space<semaphore_mem>>)
    }
    %scan3A_429 = arith.constant 100 : i32
    %dma_wait3A = arith.constant 0 : i32
    %dma_wait3A_430 = arith.constant 0 : i32
    %dma_wait3A_431 = arith.constant 0 : i32
    %dma_wait3A_432 = arith.constant 0 : i32
    %dma_wait3A_433 = tpu.memref_slice %arg8[%dma_wait3A_431, %dma_wait3A_432] : memref<64x128xf32, #tpu.memory_space<vmem>> -> memref<8x128xf32, #tpu.memory_space<vmem>>
    %dma_wait3A_434 = arith.constant 0 : i32
    %dma_wait3A_435 = arith.constant 0 : i32
    %dma_wait3A_436 = tpu.memref_slice %arg4[%dma_wait3A, %dma_wait3A_430, %add3A, %dma_wait3A_434, %dma_wait3A_435] : memref<200x8x32x8x128xf32, #tpu.memory_space<hbm>> -> memref<1x1x1x8x128xf32, #tpu.memory_space<hbm>>
    %dma_wait3A_437 = tpu.memref_squeeze %dma_wait3A_436 : memref<1x1x1x8x128xf32, #tpu.memory_space<hbm>> -> memref<8x128xf32, #tpu.memory_space<hbm>>
    %dma_wait3A_438 = arith.constant 0 : i32
    %dma_wait3A_439 = arith.constant 0 : i32
    %dma_wait3A_440 = tpu.memref_slice %arg4[%dma_wait3A, %dma_wait3A_430, %add3A, %dma_wait3A_438, %dma_wait3A_439] : memref<200x8x32x8x128xf32, #tpu.memory_space<hbm>> -> memref<1x1x1x8x128xf32, #tpu.memory_space<hbm>>
    %dma_wait3A_441 = tpu.memref_squeeze %dma_wait3A_440 : memref<1x1x1x8x128xf32, #tpu.memory_space<hbm>> -> memref<8x128xf32, #tpu.memory_space<hbm>>
    %dma_wait3A_442 = arith.constant 0 : i32
    %dma_wait3A_443 = arith.constant 0 : i32
    %dma_wait3A_444 = tpu.memref_slice %arg8[%dma_wait3A_442, %dma_wait3A_443] : memref<64x128xf32, #tpu.memory_space<vmem>> -> memref<8x128xf32, #tpu.memory_space<vmem>>
    tpu.wait_dma2 semaphore(%arg12 : memref<!tpu.dma_semaphore, #tpu.memory_space<semaphore_mem>>) src(%dma_wait3A_444 : memref<8x128xf32, #tpu.memory_space<vmem>>) dst(%dma_wait3A_441 : memref<8x128xf32, #tpu.memory_space<hbm>>)
    %dma_wait3A_445 = arith.constant 0 : i32
    %dma_wait3A_446 = arith.constant 0 : i32
    %dma_wait3A_447 = arith.constant 0 : i32
    %dma_wait3A_448 = arith.constant 0 : i32
    %dma_wait3A_449 = tpu.memref_slice %arg8[%dma_wait3A_447, %dma_wait3A_448] : memref<64x128xf32, #tpu.memory_space<vmem>> -> memref<8x128xf32, #tpu.memory_space<vmem>>
    %dma_wait3A_450 = arith.constant 0 : i32
    %dma_wait3A_451 = arith.constant 0 : i32
    %dma_wait3A_452 = tpu.memref_slice %arg4[%dma_wait3A_445, %dma_wait3A_446, %add3A, %dma_wait3A_450, %dma_wait3A_451] : memref<200x8x32x8x128xf32, #tpu.memory_space<hbm>> -> memref<1x1x1x8x128xf32, #tpu.memory_space<hbm>>
    %dma_wait3A_453 = tpu.memref_squeeze %dma_wait3A_452 : memref<1x1x1x8x128xf32, #tpu.memory_space<hbm>> -> memref<8x128xf32, #tpu.memory_space<hbm>>
    %dma_wait3A_454 = arith.constant 0 : i32
    %dma_wait3A_455 = arith.constant 0 : i32
    %dma_wait3A_456 = tpu.memref_slice %arg4[%dma_wait3A_445, %dma_wait3A_446, %add3A, %dma_wait3A_454, %dma_wait3A_455] : memref<200x8x32x8x128xf32, #tpu.memory_space<hbm>> -> memref<1x1x1x8x128xf32, #tpu.memory_space<hbm>>
    %dma_wait3A_457 = tpu.memref_squeeze %dma_wait3A_456 : memref<1x1x1x8x128xf32, #tpu.memory_space<hbm>> -> memref<8x128xf32, #tpu.memory_space<hbm>>
    %dma_wait3A_458 = arith.constant 0 : i32
    %dma_wait3A_459 = arith.constant 0 : i32
    %dma_wait3A_460 = tpu.memref_slice %arg8[%dma_wait3A_458, %dma_wait3A_459] : memref<64x128xf32, #tpu.memory_space<vmem>> -> memref<8x128xf32, #tpu.memory_space<vmem>>
    tpu.wait_dma2 semaphore(%arg12 : memref<!tpu.dma_semaphore, #tpu.memory_space<semaphore_mem>>) src(%dma_wait3A_460 : memref<8x128xf32, #tpu.memory_space<vmem>>) dst(%dma_wait3A_457 : memref<8x128xf32, #tpu.memory_space<hbm>>)
    %dma_wait3A_461 = arith.constant 0 : i32
    %dma_wait3A_462 = arith.constant 0 : i32
    %dma_wait3A_463 = arith.constant 0 : i32
    %dma_wait3A_464 = arith.constant 0 : i32
    %dma_wait3A_465 = tpu.memref_slice %arg8[%dma_wait3A_463, %dma_wait3A_464] : memref<64x128xf32, #tpu.memory_space<vmem>> -> memref<8x128xf32, #tpu.memory_space<vmem>>
    %dma_wait3A_466 = arith.constant 0 : i32
    %dma_wait3A_467 = arith.constant 0 : i32
    %dma_wait3A_468 = tpu.memref_slice %arg4[%dma_wait3A_461, %dma_wait3A_462, %add3A, %dma_wait3A_466, %dma_wait3A_467] : memref<200x8x32x8x128xf32, #tpu.memory_space<hbm>> -> memref<1x1x1x8x128xf32, #tpu.memory_space<hbm>>
    %dma_wait3A_469 = tpu.memref_squeeze %dma_wait3A_468 : memref<1x1x1x8x128xf32, #tpu.memory_space<hbm>> -> memref<8x128xf32, #tpu.memory_space<hbm>>
    %dma_wait3A_470 = arith.constant 0 : i32
    %dma_wait3A_471 = arith.constant 0 : i32
    %dma_wait3A_472 = tpu.memref_slice %arg4[%dma_wait3A_461, %dma_wait3A_462, %add3A, %dma_wait3A_470, %dma_wait3A_471] : memref<200x8x32x8x128xf32, #tpu.memory_space<hbm>> -> memref<1x1x1x8x128xf32, #tpu.memory_space<hbm>>
    %dma_wait3A_473 = tpu.memref_squeeze %dma_wait3A_472 : memref<1x1x1x8x128xf32, #tpu.memory_space<hbm>> -> memref<8x128xf32, #tpu.memory_space<hbm>>
    %dma_wait3A_474 = arith.constant 0 : i32
    %dma_wait3A_475 = arith.constant 0 : i32
    %dma_wait3A_476 = tpu.memref_slice %arg8[%dma_wait3A_474, %dma_wait3A_475] : memref<64x128xf32, #tpu.memory_space<vmem>> -> memref<8x128xf32, #tpu.memory_space<vmem>>
    tpu.wait_dma2 semaphore(%arg12 : memref<!tpu.dma_semaphore, #tpu.memory_space<semaphore_mem>>) src(%dma_wait3A_476 : memref<8x128xf32, #tpu.memory_space<vmem>>) dst(%dma_wait3A_473 : memref<8x128xf32, #tpu.memory_space<hbm>>)
    %dma_wait3A_477 = arith.constant 0 : i32
    %dma_wait3A_478 = arith.constant 0 : i32
    %dma_wait3A_479 = arith.constant 0 : i32
    %dma_wait3A_480 = arith.constant 0 : i32
    %dma_wait3A_481 = tpu.memref_slice %arg8[%dma_wait3A_479, %dma_wait3A_480] : memref<64x128xf32, #tpu.memory_space<vmem>> -> memref<8x128xf32, #tpu.memory_space<vmem>>
    %dma_wait3A_482 = arith.constant 0 : i32
    %dma_wait3A_483 = arith.constant 0 : i32
    %dma_wait3A_484 = tpu.memref_slice %arg4[%dma_wait3A_477, %dma_wait3A_478, %add3A, %dma_wait3A_482, %dma_wait3A_483] : memref<200x8x32x8x128xf32, #tpu.memory_space<hbm>> -> memref<1x1x1x8x128xf32, #tpu.memory_space<hbm>>
    %dma_wait3A_485 = tpu.memref_squeeze %dma_wait3A_484 : memref<1x1x1x8x128xf32, #tpu.memory_space<hbm>> -> memref<8x128xf32, #tpu.memory_space<hbm>>
    %dma_wait3A_486 = arith.constant 0 : i32
    %dma_wait3A_487 = arith.constant 0 : i32
    %dma_wait3A_488 = tpu.memref_slice %arg4[%dma_wait3A_477, %dma_wait3A_478, %add3A, %dma_wait3A_486, %dma_wait3A_487] : memref<200x8x32x8x128xf32, #tpu.memory_space<hbm>> -> memref<1x1x1x8x128xf32, #tpu.memory_space<hbm>>
    %dma_wait3A_489 = tpu.memref_squeeze %dma_wait3A_488 : memref<1x1x1x8x128xf32, #tpu.memory_space<hbm>> -> memref<8x128xf32, #tpu.memory_space<hbm>>
    %dma_wait3A_490 = arith.constant 0 : i32
    %dma_wait3A_491 = arith.constant 0 : i32
    %dma_wait3A_492 = tpu.memref_slice %arg8[%dma_wait3A_490, %dma_wait3A_491] : memref<64x128xf32, #tpu.memory_space<vmem>> -> memref<8x128xf32, #tpu.memory_space<vmem>>
    tpu.wait_dma2 semaphore(%arg12 : memref<!tpu.dma_semaphore, #tpu.memory_space<semaphore_mem>>) src(%dma_wait3A_492 : memref<8x128xf32, #tpu.memory_space<vmem>>) dst(%dma_wait3A_489 : memref<8x128xf32, #tpu.memory_space<hbm>>)
    %dma_wait3A_493 = arith.constant 0 : i32
    %dma_wait3A_494 = arith.constant 0 : i32
    %dma_wait3A_495 = arith.constant 0 : i32
    %dma_wait3A_496 = arith.constant 0 : i32
    %dma_wait3A_497 = tpu.memref_slice %arg8[%dma_wait3A_495, %dma_wait3A_496] : memref<64x128xf32, #tpu.memory_space<vmem>> -> memref<8x128xf32, #tpu.memory_space<vmem>>
    %dma_wait3A_498 = arith.constant 0 : i32
    %dma_wait3A_499 = arith.constant 0 : i32
    %dma_wait3A_500 = tpu.memref_slice %arg4[%dma_wait3A_493, %dma_wait3A_494, %add3A, %dma_wait3A_498, %dma_wait3A_499] : memref<200x8x32x8x128xf32, #tpu.memory_space<hbm>> -> memref<1x1x1x8x128xf32, #tpu.memory_space<hbm>>
    %dma_wait3A_501 = tpu.memref_squeeze %dma_wait3A_500 : memref<1x1x1x8x128xf32, #tpu.memory_space<hbm>> -> memref<8x128xf32, #tpu.memory_space<hbm>>
    %dma_wait3A_502 = arith.constant 0 : i32
    %dma_wait3A_503 = arith.constant 0 : i32
    %dma_wait3A_504 = tpu.memref_slice %arg4[%dma_wait3A_493, %dma_wait3A_494, %add3A, %dma_wait3A_502, %dma_wait3A_503] : memref<200x8x32x8x128xf32, #tpu.memory_space<hbm>> -> memref<1x1x1x8x128xf32, #tpu.memory_space<hbm>>
    %dma_wait3A_505 = tpu.memref_squeeze %dma_wait3A_504 : memref<1x1x1x8x128xf32, #tpu.memory_space<hbm>> -> memref<8x128xf32, #tpu.memory_space<hbm>>
    %dma_wait3A_506 = arith.constant 0 : i32
    %dma_wait3A_507 = arith.constant 0 : i32
    %dma_wait3A_508 = tpu.memref_slice %arg8[%dma_wait3A_506, %dma_wait3A_507] : memref<64x128xf32, #tpu.memory_space<vmem>> -> memref<8x128xf32, #tpu.memory_space<vmem>>
    tpu.wait_dma2 semaphore(%arg12 : memref<!tpu.dma_semaphore, #tpu.memory_space<semaphore_mem>>) src(%dma_wait3A_508 : memref<8x128xf32, #tpu.memory_space<vmem>>) dst(%dma_wait3A_505 : memref<8x128xf32, #tpu.memory_space<hbm>>)
    %dma_wait3A_509 = arith.constant 0 : i32
    %dma_wait3A_510 = arith.constant 0 : i32
    %dma_wait3A_511 = arith.constant 0 : i32
    %dma_wait3A_512 = arith.constant 0 : i32
    %dma_wait3A_513 = tpu.memref_slice %arg8[%dma_wait3A_511, %dma_wait3A_512] : memref<64x128xf32, #tpu.memory_space<vmem>> -> memref<8x128xf32, #tpu.memory_space<vmem>>
    %dma_wait3A_514 = arith.constant 0 : i32
    %dma_wait3A_515 = arith.constant 0 : i32
    %dma_wait3A_516 = tpu.memref_slice %arg4[%dma_wait3A_509, %dma_wait3A_510, %add3A, %dma_wait3A_514, %dma_wait3A_515] : memref<200x8x32x8x128xf32, #tpu.memory_space<hbm>> -> memref<1x1x1x8x128xf32, #tpu.memory_space<hbm>>
    %dma_wait3A_517 = tpu.memref_squeeze %dma_wait3A_516 : memref<1x1x1x8x128xf32, #tpu.memory_space<hbm>> -> memref<8x128xf32, #tpu.memory_space<hbm>>
    %dma_wait3A_518 = arith.constant 0 : i32
    %dma_wait3A_519 = arith.constant 0 : i32
    %dma_wait3A_520 = tpu.memref_slice %arg4[%dma_wait3A_509, %dma_wait3A_510, %add3A, %dma_wait3A_518, %dma_wait3A_519] : memref<200x8x32x8x128xf32, #tpu.memory_space<hbm>> -> memref<1x1x1x8x128xf32, #tpu.memory_space<hbm>>
    %dma_wait3A_521 = tpu.memref_squeeze %dma_wait3A_520 : memref<1x1x1x8x128xf32, #tpu.memory_space<hbm>> -> memref<8x128xf32, #tpu.memory_space<hbm>>
    %dma_wait3A_522 = arith.constant 0 : i32
    %dma_wait3A_523 = arith.constant 0 : i32
    %dma_wait3A_524 = tpu.memref_slice %arg8[%dma_wait3A_522, %dma_wait3A_523] : memref<64x128xf32, #tpu.memory_space<vmem>> -> memref<8x128xf32, #tpu.memory_space<vmem>>
    tpu.wait_dma2 semaphore(%arg12 : memref<!tpu.dma_semaphore, #tpu.memory_space<semaphore_mem>>) src(%dma_wait3A_524 : memref<8x128xf32, #tpu.memory_space<vmem>>) dst(%dma_wait3A_521 : memref<8x128xf32, #tpu.memory_space<hbm>>)
    %dma_wait3A_525 = arith.constant 0 : i32
    %dma_wait3A_526 = arith.constant 0 : i32
    %dma_wait3A_527 = arith.constant 0 : i32
    %dma_wait3A_528 = arith.constant 0 : i32
    %dma_wait3A_529 = tpu.memref_slice %arg8[%dma_wait3A_527, %dma_wait3A_528] : memref<64x128xf32, #tpu.memory_space<vmem>> -> memref<8x128xf32, #tpu.memory_space<vmem>>
    %dma_wait3A_530 = arith.constant 0 : i32
    %dma_wait3A_531 = arith.constant 0 : i32
    %dma_wait3A_532 = tpu.memref_slice %arg4[%dma_wait3A_525, %dma_wait3A_526, %add3A, %dma_wait3A_530, %dma_wait3A_531] : memref<200x8x32x8x128xf32, #tpu.memory_space<hbm>> -> memref<1x1x1x8x128xf32, #tpu.memory_space<hbm>>
    %dma_wait3A_533 = tpu.memref_squeeze %dma_wait3A_532 : memref<1x1x1x8x128xf32, #tpu.memory_space<hbm>> -> memref<8x128xf32, #tpu.memory_space<hbm>>
    %dma_wait3A_534 = arith.constant 0 : i32
    %dma_wait3A_535 = arith.constant 0 : i32
    %dma_wait3A_536 = tpu.memref_slice %arg4[%dma_wait3A_525, %dma_wait3A_526, %add3A, %dma_wait3A_534, %dma_wait3A_535] : memref<200x8x32x8x128xf32, #tpu.memory_space<hbm>> -> memref<1x1x1x8x128xf32, #tpu.memory_space<hbm>>
    %dma_wait3A_537 = tpu.memref_squeeze %dma_wait3A_536 : memref<1x1x1x8x128xf32, #tpu.memory_space<hbm>> -> memref<8x128xf32, #tpu.memory_space<hbm>>
    %dma_wait3A_538 = arith.constant 0 : i32
    %dma_wait3A_539 = arith.constant 0 : i32
    %dma_wait3A_540 = tpu.memref_slice %arg8[%dma_wait3A_538, %dma_wait3A_539] : memref<64x128xf32, #tpu.memory_space<vmem>> -> memref<8x128xf32, #tpu.memory_space<vmem>>
    tpu.wait_dma2 semaphore(%arg12 : memref<!tpu.dma_semaphore, #tpu.memory_space<semaphore_mem>>) src(%dma_wait3A_540 : memref<8x128xf32, #tpu.memory_space<vmem>>) dst(%dma_wait3A_537 : memref<8x128xf32, #tpu.memory_space<hbm>>)
    %dma_wait3A_541 = arith.constant 0 : i32
    %dma_wait3A_542 = arith.constant 0 : i32
    %dma_wait3A_543 = arith.constant 0 : i32
    %dma_wait3A_544 = arith.constant 0 : i32
    %dma_wait3A_545 = tpu.memref_slice %arg8[%dma_wait3A_543, %dma_wait3A_544] : memref<64x128xf32, #tpu.memory_space<vmem>> -> memref<8x128xf32, #tpu.memory_space<vmem>>
    %dma_wait3A_546 = arith.constant 0 : i32
    %dma_wait3A_547 = arith.constant 0 : i32
    %dma_wait3A_548 = tpu.memref_slice %arg4[%dma_wait3A_541, %dma_wait3A_542, %add3A, %dma_wait3A_546, %dma_wait3A_547] : memref<200x8x32x8x128xf32, #tpu.memory_space<hbm>> -> memref<1x1x1x8x128xf32, #tpu.memory_space<hbm>>
    %dma_wait3A_549 = tpu.memref_squeeze %dma_wait3A_548 : memref<1x1x1x8x128xf32, #tpu.memory_space<hbm>> -> memref<8x128xf32, #tpu.memory_space<hbm>>
    %dma_wait3A_550 = arith.constant 0 : i32
    %dma_wait3A_551 = arith.constant 0 : i32
    %dma_wait3A_552 = tpu.memref_slice %arg4[%dma_wait3A_541, %dma_wait3A_542, %add3A, %dma_wait3A_550, %dma_wait3A_551] : memref<200x8x32x8x128xf32, #tpu.memory_space<hbm>> -> memref<1x1x1x8x128xf32, #tpu.memory_space<hbm>>
    %dma_wait3A_553 = tpu.memref_squeeze %dma_wait3A_552 : memref<1x1x1x8x128xf32, #tpu.memory_space<hbm>> -> memref<8x128xf32, #tpu.memory_space<hbm>>
    %dma_wait3A_554 = arith.constant 0 : i32
    %dma_wait3A_555 = arith.constant 0 : i32
    %dma_wait3A_556 = tpu.memref_slice %arg8[%dma_wait3A_554, %dma_wait3A_555] : memref<64x128xf32, #tpu.memory_space<vmem>> -> memref<8x128xf32, #tpu.memory_space<vmem>>
    tpu.wait_dma2 semaphore(%arg12 : memref<!tpu.dma_semaphore, #tpu.memory_space<semaphore_mem>>) src(%dma_wait3A_556 : memref<8x128xf32, #tpu.memory_space<vmem>>) dst(%dma_wait3A_553 : memref<8x128xf32, #tpu.memory_space<hbm>>)
    %dma_wait3A_557 = arith.constant 0 : i32
    %dma_wait3A_558 = arith.constant 0 : i32
    %dma_wait3A_559 = arith.constant 0 : i32
    %dma_wait3A_560 = arith.constant 0 : i32
    %dma_wait3A_561 = tpu.memref_slice %arg9[%dma_wait3A_559, %dma_wait3A_560] : memref<64x128xf32, #tpu.memory_space<vmem>> -> memref<8x128xf32, #tpu.memory_space<vmem>>
    %dma_wait3A_562 = arith.constant 0 : i32
    %dma_wait3A_563 = arith.constant 0 : i32
    %dma_wait3A_564 = tpu.memref_slice %arg4[%dma_wait3A_557, %dma_wait3A_558, %add3A, %dma_wait3A_562, %dma_wait3A_563] : memref<200x8x32x8x128xf32, #tpu.memory_space<hbm>> -> memref<1x1x1x8x128xf32, #tpu.memory_space<hbm>>
    %dma_wait3A_565 = tpu.memref_squeeze %dma_wait3A_564 : memref<1x1x1x8x128xf32, #tpu.memory_space<hbm>> -> memref<8x128xf32, #tpu.memory_space<hbm>>
    %dma_wait3A_566 = arith.constant 0 : i32
    %dma_wait3A_567 = arith.constant 0 : i32
    %dma_wait3A_568 = tpu.memref_slice %arg4[%dma_wait3A_557, %dma_wait3A_558, %add3A, %dma_wait3A_566, %dma_wait3A_567] : memref<200x8x32x8x128xf32, #tpu.memory_space<hbm>> -> memref<1x1x1x8x128xf32, #tpu.memory_space<hbm>>
    %dma_wait3A_569 = tpu.memref_squeeze %dma_wait3A_568 : memref<1x1x1x8x128xf32, #tpu.memory_space<hbm>> -> memref<8x128xf32, #tpu.memory_space<hbm>>
    %dma_wait3A_570 = arith.constant 0 : i32
    %dma_wait3A_571 = arith.constant 0 : i32
    %dma_wait3A_572 = tpu.memref_slice %arg9[%dma_wait3A_570, %dma_wait3A_571] : memref<64x128xf32, #tpu.memory_space<vmem>> -> memref<8x128xf32, #tpu.memory_space<vmem>>
    tpu.wait_dma2 semaphore(%arg13 : memref<!tpu.dma_semaphore, #tpu.memory_space<semaphore_mem>>) src(%dma_wait3A_572 : memref<8x128xf32, #tpu.memory_space<vmem>>) dst(%dma_wait3A_569 : memref<8x128xf32, #tpu.memory_space<hbm>>)
    %dma_wait3A_573 = arith.constant 0 : i32
    %dma_wait3A_574 = arith.constant 0 : i32
    %dma_wait3A_575 = arith.constant 0 : i32
    %dma_wait3A_576 = arith.constant 0 : i32
    %dma_wait3A_577 = tpu.memref_slice %arg9[%dma_wait3A_575, %dma_wait3A_576] : memref<64x128xf32, #tpu.memory_space<vmem>> -> memref<8x128xf32, #tpu.memory_space<vmem>>
    %dma_wait3A_578 = arith.constant 0 : i32
    %dma_wait3A_579 = arith.constant 0 : i32
    %dma_wait3A_580 = tpu.memref_slice %arg4[%dma_wait3A_573, %dma_wait3A_574, %add3A, %dma_wait3A_578, %dma_wait3A_579] : memref<200x8x32x8x128xf32, #tpu.memory_space<hbm>> -> memref<1x1x1x8x128xf32, #tpu.memory_space<hbm>>
    %dma_wait3A_581 = tpu.memref_squeeze %dma_wait3A_580 : memref<1x1x1x8x128xf32, #tpu.memory_space<hbm>> -> memref<8x128xf32, #tpu.memory_space<hbm>>
    %dma_wait3A_582 = arith.constant 0 : i32
    %dma_wait3A_583 = arith.constant 0 : i32
    %dma_wait3A_584 = tpu.memref_slice %arg4[%dma_wait3A_573, %dma_wait3A_574, %add3A, %dma_wait3A_582, %dma_wait3A_583] : memref<200x8x32x8x128xf32, #tpu.memory_space<hbm>> -> memref<1x1x1x8x128xf32, #tpu.memory_space<hbm>>
    %dma_wait3A_585 = tpu.memref_squeeze %dma_wait3A_584 : memref<1x1x1x8x128xf32, #tpu.memory_space<hbm>> -> memref<8x128xf32, #tpu.memory_space<hbm>>
    %dma_wait3A_586 = arith.constant 0 : i32
    %dma_wait3A_587 = arith.constant 0 : i32
    %dma_wait3A_588 = tpu.memref_slice %arg9[%dma_wait3A_586, %dma_wait3A_587] : memref<64x128xf32, #tpu.memory_space<vmem>> -> memref<8x128xf32, #tpu.memory_space<vmem>>
    tpu.wait_dma2 semaphore(%arg13 : memref<!tpu.dma_semaphore, #tpu.memory_space<semaphore_mem>>) src(%dma_wait3A_588 : memref<8x128xf32, #tpu.memory_space<vmem>>) dst(%dma_wait3A_585 : memref<8x128xf32, #tpu.memory_space<hbm>>)
    %dma_wait3A_589 = arith.constant 0 : i32
    %dma_wait3A_590 = arith.constant 0 : i32
    %dma_wait3A_591 = arith.constant 0 : i32
    %dma_wait3A_592 = arith.constant 0 : i32
    %dma_wait3A_593 = tpu.memref_slice %arg9[%dma_wait3A_591, %dma_wait3A_592] : memref<64x128xf32, #tpu.memory_space<vmem>> -> memref<8x128xf32, #tpu.memory_space<vmem>>
    %dma_wait3A_594 = arith.constant 0 : i32
    %dma_wait3A_595 = arith.constant 0 : i32
    %dma_wait3A_596 = tpu.memref_slice %arg4[%dma_wait3A_589, %dma_wait3A_590, %add3A, %dma_wait3A_594, %dma_wait3A_595] : memref<200x8x32x8x128xf32, #tpu.memory_space<hbm>> -> memref<1x1x1x8x128xf32, #tpu.memory_space<hbm>>
    %dma_wait3A_597 = tpu.memref_squeeze %dma_wait3A_596 : memref<1x1x1x8x128xf32, #tpu.memory_space<hbm>> -> memref<8x128xf32, #tpu.memory_space<hbm>>
    %dma_wait3A_598 = arith.constant 0 : i32
    %dma_wait3A_599 = arith.constant 0 : i32
    %dma_wait3A_600 = tpu.memref_slice %arg4[%dma_wait3A_589, %dma_wait3A_590, %add3A, %dma_wait3A_598, %dma_wait3A_599] : memref<200x8x32x8x128xf32, #tpu.memory_space<hbm>> -> memref<1x1x1x8x128xf32, #tpu.memory_space<hbm>>
    %dma_wait3A_601 = tpu.memref_squeeze %dma_wait3A_600 : memref<1x1x1x8x128xf32, #tpu.memory_space<hbm>> -> memref<8x128xf32, #tpu.memory_space<hbm>>
    %dma_wait3A_602 = arith.constant 0 : i32
    %dma_wait3A_603 = arith.constant 0 : i32
    %dma_wait3A_604 = tpu.memref_slice %arg9[%dma_wait3A_602, %dma_wait3A_603] : memref<64x128xf32, #tpu.memory_space<vmem>> -> memref<8x128xf32, #tpu.memory_space<vmem>>
    tpu.wait_dma2 semaphore(%arg13 : memref<!tpu.dma_semaphore, #tpu.memory_space<semaphore_mem>>) src(%dma_wait3A_604 : memref<8x128xf32, #tpu.memory_space<vmem>>) dst(%dma_wait3A_601 : memref<8x128xf32, #tpu.memory_space<hbm>>)
    %dma_wait3A_605 = arith.constant 0 : i32
    %dma_wait3A_606 = arith.constant 0 : i32
    %dma_wait3A_607 = arith.constant 0 : i32
    %dma_wait3A_608 = arith.constant 0 : i32
    %dma_wait3A_609 = tpu.memref_slice %arg9[%dma_wait3A_607, %dma_wait3A_608] : memref<64x128xf32, #tpu.memory_space<vmem>> -> memref<8x128xf32, #tpu.memory_space<vmem>>
    %dma_wait3A_610 = arith.constant 0 : i32
    %dma_wait3A_611 = arith.constant 0 : i32
    %dma_wait3A_612 = tpu.memref_slice %arg4[%dma_wait3A_605, %dma_wait3A_606, %add3A, %dma_wait3A_610, %dma_wait3A_611] : memref<200x8x32x8x128xf32, #tpu.memory_space<hbm>> -> memref<1x1x1x8x128xf32, #tpu.memory_space<hbm>>
    %dma_wait3A_613 = tpu.memref_squeeze %dma_wait3A_612 : memref<1x1x1x8x128xf32, #tpu.memory_space<hbm>> -> memref<8x128xf32, #tpu.memory_space<hbm>>
    %dma_wait3A_614 = arith.constant 0 : i32
    %dma_wait3A_615 = arith.constant 0 : i32
    %dma_wait3A_616 = tpu.memref_slice %arg4[%dma_wait3A_605, %dma_wait3A_606, %add3A, %dma_wait3A_614, %dma_wait3A_615] : memref<200x8x32x8x128xf32, #tpu.memory_space<hbm>> -> memref<1x1x1x8x128xf32, #tpu.memory_space<hbm>>
    %dma_wait3A_617 = tpu.memref_squeeze %dma_wait3A_616 : memref<1x1x1x8x128xf32, #tpu.memory_space<hbm>> -> memref<8x128xf32, #tpu.memory_space<hbm>>
    %dma_wait3A_618 = arith.constant 0 : i32
    %dma_wait3A_619 = arith.constant 0 : i32
    %dma_wait3A_620 = tpu.memref_slice %arg9[%dma_wait3A_618, %dma_wait3A_619] : memref<64x128xf32, #tpu.memory_space<vmem>> -> memref<8x128xf32, #tpu.memory_space<vmem>>
    tpu.wait_dma2 semaphore(%arg13 : memref<!tpu.dma_semaphore, #tpu.memory_space<semaphore_mem>>) src(%dma_wait3A_620 : memref<8x128xf32, #tpu.memory_space<vmem>>) dst(%dma_wait3A_617 : memref<8x128xf32, #tpu.memory_space<hbm>>)
    %dma_wait3A_621 = arith.constant 0 : i32
    %dma_wait3A_622 = arith.constant 0 : i32
    %dma_wait3A_623 = arith.constant 0 : i32
    %dma_wait3A_624 = arith.constant 0 : i32
    %dma_wait3A_625 = tpu.memref_slice %arg9[%dma_wait3A_623, %dma_wait3A_624] : memref<64x128xf32, #tpu.memory_space<vmem>> -> memref<8x128xf32, #tpu.memory_space<vmem>>
    %dma_wait3A_626 = arith.constant 0 : i32
    %dma_wait3A_627 = arith.constant 0 : i32
    %dma_wait3A_628 = tpu.memref_slice %arg4[%dma_wait3A_621, %dma_wait3A_622, %add3A, %dma_wait3A_626, %dma_wait3A_627] : memref<200x8x32x8x128xf32, #tpu.memory_space<hbm>> -> memref<1x1x1x8x128xf32, #tpu.memory_space<hbm>>
    %dma_wait3A_629 = tpu.memref_squeeze %dma_wait3A_628 : memref<1x1x1x8x128xf32, #tpu.memory_space<hbm>> -> memref<8x128xf32, #tpu.memory_space<hbm>>
    %dma_wait3A_630 = arith.constant 0 : i32
    %dma_wait3A_631 = arith.constant 0 : i32
    %dma_wait3A_632 = tpu.memref_slice %arg4[%dma_wait3A_621, %dma_wait3A_622, %add3A, %dma_wait3A_630, %dma_wait3A_631] : memref<200x8x32x8x128xf32, #tpu.memory_space<hbm>> -> memref<1x1x1x8x128xf32, #tpu.memory_space<hbm>>
    %dma_wait3A_633 = tpu.memref_squeeze %dma_wait3A_632 : memref<1x1x1x8x128xf32, #tpu.memory_space<hbm>> -> memref<8x128xf32, #tpu.memory_space<hbm>>
    %dma_wait3A_634 = arith.constant 0 : i32
    %dma_wait3A_635 = arith.constant 0 : i32
    %dma_wait3A_636 = tpu.memref_slice %arg9[%dma_wait3A_634, %dma_wait3A_635] : memref<64x128xf32, #tpu.memory_space<vmem>> -> memref<8x128xf32, #tpu.memory_space<vmem>>
    tpu.wait_dma2 semaphore(%arg13 : memref<!tpu.dma_semaphore, #tpu.memory_space<semaphore_mem>>) src(%dma_wait3A_636 : memref<8x128xf32, #tpu.memory_space<vmem>>) dst(%dma_wait3A_633 : memref<8x128xf32, #tpu.memory_space<hbm>>)
    %dma_wait3A_637 = arith.constant 0 : i32
    %dma_wait3A_638 = arith.constant 0 : i32
    %dma_wait3A_639 = arith.constant 0 : i32
    %dma_wait3A_640 = arith.constant 0 : i32
    %dma_wait3A_641 = tpu.memref_slice %arg9[%dma_wait3A_639, %dma_wait3A_640] : memref<64x128xf32, #tpu.memory_space<vmem>> -> memref<8x128xf32, #tpu.memory_space<vmem>>
    %dma_wait3A_642 = arith.constant 0 : i32
    %dma_wait3A_643 = arith.constant 0 : i32
    %dma_wait3A_644 = tpu.memref_slice %arg4[%dma_wait3A_637, %dma_wait3A_638, %add3A, %dma_wait3A_642, %dma_wait3A_643] : memref<200x8x32x8x128xf32, #tpu.memory_space<hbm>> -> memref<1x1x1x8x128xf32, #tpu.memory_space<hbm>>
    %dma_wait3A_645 = tpu.memref_squeeze %dma_wait3A_644 : memref<1x1x1x8x128xf32, #tpu.memory_space<hbm>> -> memref<8x128xf32, #tpu.memory_space<hbm>>
    %dma_wait3A_646 = arith.constant 0 : i32
    %dma_wait3A_647 = arith.constant 0 : i32
    %dma_wait3A_648 = tpu.memref_slice %arg4[%dma_wait3A_637, %dma_wait3A_638, %add3A, %dma_wait3A_646, %dma_wait3A_647] : memref<200x8x32x8x128xf32, #tpu.memory_space<hbm>> -> memref<1x1x1x8x128xf32, #tpu.memory_space<hbm>>
    %dma_wait3A_649 = tpu.memref_squeeze %dma_wait3A_648 : memref<1x1x1x8x128xf32, #tpu.memory_space<hbm>> -> memref<8x128xf32, #tpu.memory_space<hbm>>
    %dma_wait3A_650 = arith.constant 0 : i32
    %dma_wait3A_651 = arith.constant 0 : i32
    %dma_wait3A_652 = tpu.memref_slice %arg9[%dma_wait3A_650, %dma_wait3A_651] : memref<64x128xf32, #tpu.memory_space<vmem>> -> memref<8x128xf32, #tpu.memory_space<vmem>>
    tpu.wait_dma2 semaphore(%arg13 : memref<!tpu.dma_semaphore, #tpu.memory_space<semaphore_mem>>) src(%dma_wait3A_652 : memref<8x128xf32, #tpu.memory_space<vmem>>) dst(%dma_wait3A_649 : memref<8x128xf32, #tpu.memory_space<hbm>>)
    %dma_wait3A_653 = arith.constant 0 : i32
    %dma_wait3A_654 = arith.constant 0 : i32
    %dma_wait3A_655 = arith.constant 0 : i32
    %dma_wait3A_656 = arith.constant 0 : i32
    %dma_wait3A_657 = tpu.memref_slice %arg9[%dma_wait3A_655, %dma_wait3A_656] : memref<64x128xf32, #tpu.memory_space<vmem>> -> memref<8x128xf32, #tpu.memory_space<vmem>>
    %dma_wait3A_658 = arith.constant 0 : i32
    %dma_wait3A_659 = arith.constant 0 : i32
    %dma_wait3A_660 = tpu.memref_slice %arg4[%dma_wait3A_653, %dma_wait3A_654, %add3A, %dma_wait3A_658, %dma_wait3A_659] : memref<200x8x32x8x128xf32, #tpu.memory_space<hbm>> -> memref<1x1x1x8x128xf32, #tpu.memory_space<hbm>>
    %dma_wait3A_661 = tpu.memref_squeeze %dma_wait3A_660 : memref<1x1x1x8x128xf32, #tpu.memory_space<hbm>> -> memref<8x128xf32, #tpu.memory_space<hbm>>
    %dma_wait3A_662 = arith.constant 0 : i32
    %dma_wait3A_663 = arith.constant 0 : i32
    %dma_wait3A_664 = tpu.memref_slice %arg4[%dma_wait3A_653, %dma_wait3A_654, %add3A, %dma_wait3A_662, %dma_wait3A_663] : memref<200x8x32x8x128xf32, #tpu.memory_space<hbm>> -> memref<1x1x1x8x128xf32, #tpu.memory_space<hbm>>
    %dma_wait3A_665 = tpu.memref_squeeze %dma_wait3A_664 : memref<1x1x1x8x128xf32, #tpu.memory_space<hbm>> -> memref<8x128xf32, #tpu.memory_space<hbm>>
    %dma_wait3A_666 = arith.constant 0 : i32
    %dma_wait3A_667 = arith.constant 0 : i32
    %dma_wait3A_668 = tpu.memref_slice %arg9[%dma_wait3A_666, %dma_wait3A_667] : memref<64x128xf32, #tpu.memory_space<vmem>> -> memref<8x128xf32, #tpu.memory_space<vmem>>
    tpu.wait_dma2 semaphore(%arg13 : memref<!tpu.dma_semaphore, #tpu.memory_space<semaphore_mem>>) src(%dma_wait3A_668 : memref<8x128xf32, #tpu.memory_space<vmem>>) dst(%dma_wait3A_665 : memref<8x128xf32, #tpu.memory_space<hbm>>)
    %dma_wait3A_669 = arith.constant 0 : i32
    %dma_wait3A_670 = arith.constant 0 : i32
    %dma_wait3A_671 = arith.constant 0 : i32
    %dma_wait3A_672 = arith.constant 0 : i32
    %dma_wait3A_673 = tpu.memref_slice %arg9[%dma_wait3A_671, %dma_wait3A_672] : memref<64x128xf32, #tpu.memory_space<vmem>> -> memref<8x128xf32, #tpu.memory_space<vmem>>
    %dma_wait3A_674 = arith.constant 0 : i32
    %dma_wait3A_675 = arith.constant 0 : i32
    %dma_wait3A_676 = tpu.memref_slice %arg4[%dma_wait3A_669, %dma_wait3A_670, %add3A, %dma_wait3A_674, %dma_wait3A_675] : memref<200x8x32x8x128xf32, #tpu.memory_space<hbm>> -> memref<1x1x1x8x128xf32, #tpu.memory_space<hbm>>
    %dma_wait3A_677 = tpu.memref_squeeze %dma_wait3A_676 : memref<1x1x1x8x128xf32, #tpu.memory_space<hbm>> -> memref<8x128xf32, #tpu.memory_space<hbm>>
    %dma_wait3A_678 = arith.constant 0 : i32
    %dma_wait3A_679 = arith.constant 0 : i32
    %dma_wait3A_680 = tpu.memref_slice %arg4[%dma_wait3A_669, %dma_wait3A_670, %add3A, %dma_wait3A_678, %dma_wait3A_679] : memref<200x8x32x8x128xf32, #tpu.memory_space<hbm>> -> memref<1x1x1x8x128xf32, #tpu.memory_space<hbm>>
    %dma_wait3A_681 = tpu.memref_squeeze %dma_wait3A_680 : memref<1x1x1x8x128xf32, #tpu.memory_space<hbm>> -> memref<8x128xf32, #tpu.memory_space<hbm>>
    %dma_wait3A_682 = arith.constant 0 : i32
    %dma_wait3A_683 = arith.constant 0 : i32
    %dma_wait3A_684 = tpu.memref_slice %arg9[%dma_wait3A_682, %dma_wait3A_683] : memref<64x128xf32, #tpu.memory_space<vmem>> -> memref<8x128xf32, #tpu.memory_space<vmem>>
    tpu.wait_dma2 semaphore(%arg13 : memref<!tpu.dma_semaphore, #tpu.memory_space<semaphore_mem>>) src(%dma_wait3A_684 : memref<8x128xf32, #tpu.memory_space<vmem>>) dst(%dma_wait3A_681 : memref<8x128xf32, #tpu.memory_space<hbm>>)
    return
  }
}

#map = affine_map<(d0, d1) -> (0, 0)>
module attributes {stable_mosaic.version = 14 : i64} {
  func.func @trans_kernel(%arg0: i32, %arg1: i32, %arg2: memref<64x1000000xf32, #tpu.memory_space<hbm>>, %arg3: memref<192x128xf32, #tpu.memory_space<hbm>>, %arg4: memref<1000000x128xf32, #tpu.memory_space<hbm>>, %arg5: memref<64x128xf32, #tpu.memory_space<vmem>>, %arg6: memref<64x128xf32, #tpu.memory_space<vmem>>, %arg7: memref<128x128xf32, #tpu.memory_space<vmem>>, %arg8: memref<128x128xf32, #tpu.memory_space<vmem>>, %arg9: memref<!tpu.dma_semaphore, #tpu.memory_space<semaphore_mem>>, %arg10: memref<!tpu.dma_semaphore, #tpu.memory_space<semaphore_mem>>, %arg11: memref<!tpu.dma_semaphore, #tpu.memory_space<semaphore_mem>>, %arg12: memref<!tpu.dma_semaphore, #tpu.memory_space<semaphore_mem>>) attributes {dimension_semantics = [#tpu.dimension_semantics<core_parallel>, #tpu.dimension_semantics<subcore_parallel>], iteration_bounds = array<i64: 2, 16>, scalar_prefetch = 0 : i64, scratch_operands = 8 : i64, tpu.core_type = #tpu.core_type<sc_vector_subcore>, window_params = [{transform_indices = #map}, {transform_indices = #map}, {transform_indices = #map}]} {
    %mul3A = arith.constant 2 : i32
    %mul3A_0 = arith.muli %arg1, %mul3A : i32
    %add3A = arith.addi %mul3A_0, %arg0 : i32
    %sub3A = arith.constant 7811 : i32
    %sub3A_1 = arith.subi %sub3A, %add3A : i32
    %add3A_2 = arith.constant 32 : i32
    %add3A_3 = arith.addi %sub3A_1, %add3A_2 : i32
    %sub3A_4 = arith.constant 1 : i32
    %sub3A_5 = arith.subi %add3A_3, %sub3A_4 : i32
    %jit3A = arith.constant 32 : i32
    %div3A = arith.divsi %sub3A_5, %jit3A : i32
    %sign3A = arith.constant 0 : i32
    %sign3A_6 = arith.cmpi sgt, %sub3A_5, %sign3A : i32
    %sign3A_7 = arith.extui %sign3A_6 : i1 to i32
    %sign3A_8 = arith.constant 0 : i32
    %sign3A_9 = arith.cmpi slt, %sub3A_5, %sign3A_8 : i32
    %sign3A_10 = arith.extui %sign3A_9 : i1 to i32
    %sign3A_11 = arith.subi %sign3A_7, %sign3A_10 : i32
    %sign3A_12 = arith.constant 0 : i32
    %sign3A_13 = arith.cmpi sgt, %jit3A, %sign3A_12 : i32
    %sign3A_14 = arith.extui %sign3A_13 : i1 to i32
    %sign3A_15 = arith.constant 0 : i32
    %sign3A_16 = arith.cmpi slt, %jit3A, %sign3A_15 : i32
    %sign3A_17 = arith.extui %sign3A_16 : i1 to i32
    %sign3A_18 = arith.subi %sign3A_14, %sign3A_17 : i32
    %ne3A = arith.cmpi ne, %sign3A_11, %sign3A_18 : i32
    %rem3A = arith.remsi %sub3A_5, %jit3A : i32
    %ne3A_19 = arith.constant 0 : i32
    %ne3A_20 = arith.cmpi ne, %rem3A, %ne3A_19 : i32
    %and3A = arith.andi %ne3A, %ne3A_20 : i1
    %sub3A_21 = arith.constant 1 : i32
    %sub3A_22 = arith.subi %div3A, %sub3A_21 : i32
    %select_n3A = arith.select %and3A, %sub3A_22, %div3A : i32
    %iota3A = tpu.iota {dimensions = array<i32: 0>} : vector<16xi32>
    %eq3A = arith.constant 0 : i32
    %eq3A_23 = arith.cmpi eq, %add3A, %eq3A : i32
    %convert_element_type3A = arith.extui %eq3A_23 : i1 to i32
    %cond3A = arith.constant 0 : i32
    %cond3A_24 = arith.cmpi ne, %convert_element_type3A, %cond3A : i32
    scf.if %cond3A_24 {
      "tpu.region"() ({
        %run_scoped3A = tpu.sem_alloc : memref<!tpu.dma_semaphore, #tpu.memory_space<semaphore_mem>>
        %dma_start3A_219 = arith.constant 999808 : i32
        %dma_start3A_220 = arith.constant 0 : i32
        %dma_start3A_221 = tpu.memref_slice %arg4[%dma_start3A_219, %dma_start3A_220] : memref<1000000x128xf32, #tpu.memory_space<hbm>> -> memref<192x128xf32, #tpu.memory_space<hbm>>
        tpu.enqueue_dma source(%arg3 : memref<192x128xf32, #tpu.memory_space<hbm>>) target(%dma_start3A_221 : memref<192x128xf32, #tpu.memory_space<hbm>>) target_semaphore(%run_scoped3A : memref<!tpu.dma_semaphore, #tpu.memory_space<semaphore_mem>>)
        %dma_wait3A = arith.constant 999808 : i32
        %dma_wait3A_222 = arith.constant 0 : i32
        %dma_wait3A_223 = tpu.memref_slice %arg4[%dma_wait3A, %dma_wait3A_222] : memref<1000000x128xf32, #tpu.memory_space<hbm>> -> memref<192x128xf32, #tpu.memory_space<hbm>>
        tpu.wait_dma2 semaphore(%run_scoped3A : memref<!tpu.dma_semaphore, #tpu.memory_space<semaphore_mem>>) src(%arg3 : memref<192x128xf32, #tpu.memory_space<hbm>>) dst(%dma_wait3A_223 : memref<192x128xf32, #tpu.memory_space<hbm>>)
        tpu.yield
      }) : () -> ()
    } else {
    }
    %add3A_25 = arith.constant 0 : i32
    %add3A_26 = arith.addi %add3A, %add3A_25 : i32
    %mul3A_27 = arith.constant 128 : i32
    %mul3A_28 = arith.muli %add3A_26, %mul3A_27 : i32
    %dma_start3A = arith.constant 0 : i32
    %dma_start3A_29 = arith.constant 0 : i32
    %dma_start3A_30 = tpu.memref_slice %arg5[%dma_start3A, %dma_start3A_29] : memref<64x128xf32, #tpu.memory_space<vmem>> -> memref<8x128xf32, #tpu.memory_space<vmem>>
    %dma_start3A_31 = arith.constant 0 : i32
    %dma_start3A_32 = tpu.memref_slice %arg2[%dma_start3A_31, %mul3A_28] : memref<64x1000000xf32, #tpu.memory_space<hbm>> -> memref<8x128xf32, #tpu.memory_space<hbm>>
    %dma_start3A_33 = arith.constant 0 : i32
    %dma_start3A_34 = arith.constant 0 : i32
    %dma_start3A_35 = tpu.memref_slice %arg5[%dma_start3A_33, %dma_start3A_34] : memref<64x128xf32, #tpu.memory_space<vmem>> -> memref<8x128xf32, #tpu.memory_space<vmem>>
    %dma_start3A_36 = arith.constant 0 : i32
    %dma_start3A_37 = tpu.memref_slice %arg2[%dma_start3A_36, %mul3A_28] : memref<64x1000000xf32, #tpu.memory_space<hbm>> -> memref<8x128xf32, #tpu.memory_space<hbm>>
    tpu.enqueue_dma source(%dma_start3A_37 : memref<8x128xf32, #tpu.memory_space<hbm>>) target(%dma_start3A_35 : memref<8x128xf32, #tpu.memory_space<vmem>>) target_semaphore(%arg9 : memref<!tpu.dma_semaphore, #tpu.memory_space<semaphore_mem>>)
    %mul3A_38 = arith.constant 128 : i32
    %mul3A_39 = arith.muli %add3A_26, %mul3A_38 : i32
    %dma_start3A_40 = arith.constant 8 : i32
    %dma_start3A_41 = arith.constant 0 : i32
    %dma_start3A_42 = tpu.memref_slice %arg5[%dma_start3A_40, %dma_start3A_41] : memref<64x128xf32, #tpu.memory_space<vmem>> -> memref<8x128xf32, #tpu.memory_space<vmem>>
    %dma_start3A_43 = arith.constant 8 : i32
    %dma_start3A_44 = tpu.memref_slice %arg2[%dma_start3A_43, %mul3A_39] : memref<64x1000000xf32, #tpu.memory_space<hbm>> -> memref<8x128xf32, #tpu.memory_space<hbm>>
    %dma_start3A_45 = arith.constant 8 : i32
    %dma_start3A_46 = arith.constant 0 : i32
    %dma_start3A_47 = tpu.memref_slice %arg5[%dma_start3A_45, %dma_start3A_46] : memref<64x128xf32, #tpu.memory_space<vmem>> -> memref<8x128xf32, #tpu.memory_space<vmem>>
    %dma_start3A_48 = arith.constant 8 : i32
    %dma_start3A_49 = tpu.memref_slice %arg2[%dma_start3A_48, %mul3A_39] : memref<64x1000000xf32, #tpu.memory_space<hbm>> -> memref<8x128xf32, #tpu.memory_space<hbm>>
    tpu.enqueue_dma source(%dma_start3A_49 : memref<8x128xf32, #tpu.memory_space<hbm>>) target(%dma_start3A_47 : memref<8x128xf32, #tpu.memory_space<vmem>>) target_semaphore(%arg9 : memref<!tpu.dma_semaphore, #tpu.memory_space<semaphore_mem>>)
    %mul3A_50 = arith.constant 128 : i32
    %mul3A_51 = arith.muli %add3A_26, %mul3A_50 : i32
    %dma_start3A_52 = arith.constant 16 : i32
    %dma_start3A_53 = arith.constant 0 : i32
    %dma_start3A_54 = tpu.memref_slice %arg5[%dma_start3A_52, %dma_start3A_53] : memref<64x128xf32, #tpu.memory_space<vmem>> -> memref<8x128xf32, #tpu.memory_space<vmem>>
    %dma_start3A_55 = arith.constant 16 : i32
    %dma_start3A_56 = tpu.memref_slice %arg2[%dma_start3A_55, %mul3A_51] : memref<64x1000000xf32, #tpu.memory_space<hbm>> -> memref<8x128xf32, #tpu.memory_space<hbm>>
    %dma_start3A_57 = arith.constant 16 : i32
    %dma_start3A_58 = arith.constant 0 : i32
    %dma_start3A_59 = tpu.memref_slice %arg5[%dma_start3A_57, %dma_start3A_58] : memref<64x128xf32, #tpu.memory_space<vmem>> -> memref<8x128xf32, #tpu.memory_space<vmem>>
    %dma_start3A_60 = arith.constant 16 : i32
    %dma_start3A_61 = tpu.memref_slice %arg2[%dma_start3A_60, %mul3A_51] : memref<64x1000000xf32, #tpu.memory_space<hbm>> -> memref<8x128xf32, #tpu.memory_space<hbm>>
    tpu.enqueue_dma source(%dma_start3A_61 : memref<8x128xf32, #tpu.memory_space<hbm>>) target(%dma_start3A_59 : memref<8x128xf32, #tpu.memory_space<vmem>>) target_semaphore(%arg9 : memref<!tpu.dma_semaphore, #tpu.memory_space<semaphore_mem>>)
    %mul3A_62 = arith.constant 128 : i32
    %mul3A_63 = arith.muli %add3A_26, %mul3A_62 : i32
    %dma_start3A_64 = arith.constant 24 : i32
    %dma_start3A_65 = arith.constant 0 : i32
    %dma_start3A_66 = tpu.memref_slice %arg5[%dma_start3A_64, %dma_start3A_65] : memref<64x128xf32, #tpu.memory_space<vmem>> -> memref<8x128xf32, #tpu.memory_space<vmem>>
    %dma_start3A_67 = arith.constant 24 : i32
    %dma_start3A_68 = tpu.memref_slice %arg2[%dma_start3A_67, %mul3A_63] : memref<64x1000000xf32, #tpu.memory_space<hbm>> -> memref<8x128xf32, #tpu.memory_space<hbm>>
    %dma_start3A_69 = arith.constant 24 : i32
    %dma_start3A_70 = arith.constant 0 : i32
    %dma_start3A_71 = tpu.memref_slice %arg5[%dma_start3A_69, %dma_start3A_70] : memref<64x128xf32, #tpu.memory_space<vmem>> -> memref<8x128xf32, #tpu.memory_space<vmem>>
    %dma_start3A_72 = arith.constant 24 : i32
    %dma_start3A_73 = tpu.memref_slice %arg2[%dma_start3A_72, %mul3A_63] : memref<64x1000000xf32, #tpu.memory_space<hbm>> -> memref<8x128xf32, #tpu.memory_space<hbm>>
    tpu.enqueue_dma source(%dma_start3A_73 : memref<8x128xf32, #tpu.memory_space<hbm>>) target(%dma_start3A_71 : memref<8x128xf32, #tpu.memory_space<vmem>>) target_semaphore(%arg9 : memref<!tpu.dma_semaphore, #tpu.memory_space<semaphore_mem>>)
    %mul3A_74 = arith.constant 128 : i32
    %mul3A_75 = arith.muli %add3A_26, %mul3A_74 : i32
    %dma_start3A_76 = arith.constant 32 : i32
    %dma_start3A_77 = arith.constant 0 : i32
    %dma_start3A_78 = tpu.memref_slice %arg5[%dma_start3A_76, %dma_start3A_77] : memref<64x128xf32, #tpu.memory_space<vmem>> -> memref<8x128xf32, #tpu.memory_space<vmem>>
    %dma_start3A_79 = arith.constant 32 : i32
    %dma_start3A_80 = tpu.memref_slice %arg2[%dma_start3A_79, %mul3A_75] : memref<64x1000000xf32, #tpu.memory_space<hbm>> -> memref<8x128xf32, #tpu.memory_space<hbm>>
    %dma_start3A_81 = arith.constant 32 : i32
    %dma_start3A_82 = arith.constant 0 : i32
    %dma_start3A_83 = tpu.memref_slice %arg5[%dma_start3A_81, %dma_start3A_82] : memref<64x128xf32, #tpu.memory_space<vmem>> -> memref<8x128xf32, #tpu.memory_space<vmem>>
    %dma_start3A_84 = arith.constant 32 : i32
    %dma_start3A_85 = tpu.memref_slice %arg2[%dma_start3A_84, %mul3A_75] : memref<64x1000000xf32, #tpu.memory_space<hbm>> -> memref<8x128xf32, #tpu.memory_space<hbm>>
    tpu.enqueue_dma source(%dma_start3A_85 : memref<8x128xf32, #tpu.memory_space<hbm>>) target(%dma_start3A_83 : memref<8x128xf32, #tpu.memory_space<vmem>>) target_semaphore(%arg9 : memref<!tpu.dma_semaphore, #tpu.memory_space<semaphore_mem>>)
    %mul3A_86 = arith.constant 128 : i32
    %mul3A_87 = arith.muli %add3A_26, %mul3A_86 : i32
    %dma_start3A_88 = arith.constant 40 : i32
    %dma_start3A_89 = arith.constant 0 : i32
    %dma_start3A_90 = tpu.memref_slice %arg5[%dma_start3A_88, %dma_start3A_89] : memref<64x128xf32, #tpu.memory_space<vmem>> -> memref<8x128xf32, #tpu.memory_space<vmem>>
    %dma_start3A_91 = arith.constant 40 : i32
    %dma_start3A_92 = tpu.memref_slice %arg2[%dma_start3A_91, %mul3A_87] : memref<64x1000000xf32, #tpu.memory_space<hbm>> -> memref<8x128xf32, #tpu.memory_space<hbm>>
    %dma_start3A_93 = arith.constant 40 : i32
    %dma_start3A_94 = arith.constant 0 : i32
    %dma_start3A_95 = tpu.memref_slice %arg5[%dma_start3A_93, %dma_start3A_94] : memref<64x128xf32, #tpu.memory_space<vmem>> -> memref<8x128xf32, #tpu.memory_space<vmem>>
    %dma_start3A_96 = arith.constant 40 : i32
    %dma_start3A_97 = tpu.memref_slice %arg2[%dma_start3A_96, %mul3A_87] : memref<64x1000000xf32, #tpu.memory_space<hbm>> -> memref<8x128xf32, #tpu.memory_space<hbm>>
    tpu.enqueue_dma source(%dma_start3A_97 : memref<8x128xf32, #tpu.memory_space<hbm>>) target(%dma_start3A_95 : memref<8x128xf32, #tpu.memory_space<vmem>>) target_semaphore(%arg9 : memref<!tpu.dma_semaphore, #tpu.memory_space<semaphore_mem>>)
    %mul3A_98 = arith.constant 128 : i32
    %mul3A_99 = arith.muli %add3A_26, %mul3A_98 : i32
    %dma_start3A_100 = arith.constant 48 : i32
    %dma_start3A_101 = arith.constant 0 : i32
    %dma_start3A_102 = tpu.memref_slice %arg5[%dma_start3A_100, %dma_start3A_101] : memref<64x128xf32, #tpu.memory_space<vmem>> -> memref<8x128xf32, #tpu.memory_space<vmem>>
    %dma_start3A_103 = arith.constant 48 : i32
    %dma_start3A_104 = tpu.memref_slice %arg2[%dma_start3A_103, %mul3A_99] : memref<64x1000000xf32, #tpu.memory_space<hbm>> -> memref<8x128xf32, #tpu.memory_space<hbm>>
    %dma_start3A_105 = arith.constant 48 : i32
    %dma_start3A_106 = arith.constant 0 : i32
    %dma_start3A_107 = tpu.memref_slice %arg5[%dma_start3A_105, %dma_start3A_106] : memref<64x128xf32, #tpu.memory_space<vmem>> -> memref<8x128xf32, #tpu.memory_space<vmem>>
    %dma_start3A_108 = arith.constant 48 : i32
    %dma_start3A_109 = tpu.memref_slice %arg2[%dma_start3A_108, %mul3A_99] : memref<64x1000000xf32, #tpu.memory_space<hbm>> -> memref<8x128xf32, #tpu.memory_space<hbm>>
    tpu.enqueue_dma source(%dma_start3A_109 : memref<8x128xf32, #tpu.memory_space<hbm>>) target(%dma_start3A_107 : memref<8x128xf32, #tpu.memory_space<vmem>>) target_semaphore(%arg9 : memref<!tpu.dma_semaphore, #tpu.memory_space<semaphore_mem>>)
    %mul3A_110 = arith.constant 128 : i32
    %mul3A_111 = arith.muli %add3A_26, %mul3A_110 : i32
    %dma_start3A_112 = arith.constant 56 : i32
    %dma_start3A_113 = arith.constant 0 : i32
    %dma_start3A_114 = tpu.memref_slice %arg5[%dma_start3A_112, %dma_start3A_113] : memref<64x128xf32, #tpu.memory_space<vmem>> -> memref<8x128xf32, #tpu.memory_space<vmem>>
    %dma_start3A_115 = arith.constant 56 : i32
    %dma_start3A_116 = tpu.memref_slice %arg2[%dma_start3A_115, %mul3A_111] : memref<64x1000000xf32, #tpu.memory_space<hbm>> -> memref<8x128xf32, #tpu.memory_space<hbm>>
    %dma_start3A_117 = arith.constant 56 : i32
    %dma_start3A_118 = arith.constant 0 : i32
    %dma_start3A_119 = tpu.memref_slice %arg5[%dma_start3A_117, %dma_start3A_118] : memref<64x128xf32, #tpu.memory_space<vmem>> -> memref<8x128xf32, #tpu.memory_space<vmem>>
    %dma_start3A_120 = arith.constant 56 : i32
    %dma_start3A_121 = tpu.memref_slice %arg2[%dma_start3A_120, %mul3A_111] : memref<64x1000000xf32, #tpu.memory_space<hbm>> -> memref<8x128xf32, #tpu.memory_space<hbm>>
    tpu.enqueue_dma source(%dma_start3A_121 : memref<8x128xf32, #tpu.memory_space<hbm>>) target(%dma_start3A_119 : memref<8x128xf32, #tpu.memory_space<vmem>>) target_semaphore(%arg9 : memref<!tpu.dma_semaphore, #tpu.memory_space<semaphore_mem>>)
    %scan3A = arith.constant 0 : i32
    %scan3A_122 = arith.constant 123 : i32
    %scan3A_123 = arith.addi %scan3A, %scan3A_122 : i32
    %scan3A_124 = arith.constant 1 : i32
    scf.for %scan3A_219 = %scan3A to %scan3A_123 step %scan3A_124  : i32 {
      %mul3A_220 = arith.constant 2 : i32
      %mul3A_221 = arith.muli %scan3A_219, %mul3A_220 : i32
      %add3A_222 = arith.constant 0 : i32
      %add3A_223 = arith.addi %add3A_222, %mul3A_221 : i32
      %add3A_224 = arith.constant 0 : i32
      %add3A_225 = arith.addi %add3A_223, %add3A_224 : i32
      %lt3A_226 = arith.cmpi slt, %add3A_225, %select_n3A : i32
      %convert_element_type3A_227 = arith.extui %lt3A_226 : i1 to i32
      %cond3A_228 = arith.constant 0 : i32
      %cond3A_229 = arith.cmpi ne, %convert_element_type3A_227, %cond3A_228 : i32
      scf.if %cond3A_229 {
        %dma_wait3A = arith.constant 0 : i32
        %dma_wait3A_236 = arith.constant 0 : i32
        %dma_wait3A_237 = tpu.memref_slice %arg5[%dma_wait3A, %dma_wait3A_236] : memref<64x128xf32, #tpu.memory_space<vmem>> -> memref<8x128xf32, #tpu.memory_space<vmem>>
        %dma_wait3A_238 = arith.constant 0 : i32
        %dma_wait3A_239 = arith.constant 0 : i32
        %dma_wait3A_240 = tpu.memref_slice %arg2[%dma_wait3A_238, %dma_wait3A_239] : memref<64x1000000xf32, #tpu.memory_space<hbm>> -> memref<8x128xf32, #tpu.memory_space<hbm>>
        %dma_wait3A_241 = arith.constant 0 : i32
        %dma_wait3A_242 = arith.constant 0 : i32
        %dma_wait3A_243 = tpu.memref_slice %arg5[%dma_wait3A_241, %dma_wait3A_242] : memref<64x128xf32, #tpu.memory_space<vmem>> -> memref<8x128xf32, #tpu.memory_space<vmem>>
        %dma_wait3A_244 = arith.constant 0 : i32
        %dma_wait3A_245 = arith.constant 0 : i32
        %dma_wait3A_246 = tpu.memref_slice %arg2[%dma_wait3A_244, %dma_wait3A_245] : memref<64x1000000xf32, #tpu.memory_space<hbm>> -> memref<8x128xf32, #tpu.memory_space<hbm>>
        tpu.wait_dma2 semaphore(%arg9 : memref<!tpu.dma_semaphore, #tpu.memory_space<semaphore_mem>>) src(%dma_wait3A_246 : memref<8x128xf32, #tpu.memory_space<hbm>>) dst(%dma_wait3A_243 : memref<8x128xf32, #tpu.memory_space<vmem>>)
        %dma_wait3A_247 = arith.constant 8 : i32
        %dma_wait3A_248 = arith.constant 0 : i32
        %dma_wait3A_249 = tpu.memref_slice %arg5[%dma_wait3A_247, %dma_wait3A_248] : memref<64x128xf32, #tpu.memory_space<vmem>> -> memref<8x128xf32, #tpu.memory_space<vmem>>
        %dma_wait3A_250 = arith.constant 8 : i32
        %dma_wait3A_251 = arith.constant 0 : i32
        %dma_wait3A_252 = tpu.memref_slice %arg2[%dma_wait3A_250, %dma_wait3A_251] : memref<64x1000000xf32, #tpu.memory_space<hbm>> -> memref<8x128xf32, #tpu.memory_space<hbm>>
        %dma_wait3A_253 = arith.constant 8 : i32
        %dma_wait3A_254 = arith.constant 0 : i32
        %dma_wait3A_255 = tpu.memref_slice %arg5[%dma_wait3A_253, %dma_wait3A_254] : memref<64x128xf32, #tpu.memory_space<vmem>> -> memref<8x128xf32, #tpu.memory_space<vmem>>
        %dma_wait3A_256 = arith.constant 8 : i32
        %dma_wait3A_257 = arith.constant 0 : i32
        %dma_wait3A_258 = tpu.memref_slice %arg2[%dma_wait3A_256, %dma_wait3A_257] : memref<64x1000000xf32, #tpu.memory_space<hbm>> -> memref<8x128xf32, #tpu.memory_space<hbm>>
        tpu.wait_dma2 semaphore(%arg9 : memref<!tpu.dma_semaphore, #tpu.memory_space<semaphore_mem>>) src(%dma_wait3A_258 : memref<8x128xf32, #tpu.memory_space<hbm>>) dst(%dma_wait3A_255 : memref<8x128xf32, #tpu.memory_space<vmem>>)
        %dma_wait3A_259 = arith.constant 16 : i32
        %dma_wait3A_260 = arith.constant 0 : i32
        %dma_wait3A_261 = tpu.memref_slice %arg5[%dma_wait3A_259, %dma_wait3A_260] : memref<64x128xf32, #tpu.memory_space<vmem>> -> memref<8x128xf32, #tpu.memory_space<vmem>>
        %dma_wait3A_262 = arith.constant 16 : i32
        %dma_wait3A_263 = arith.constant 0 : i32
        %dma_wait3A_264 = tpu.memref_slice %arg2[%dma_wait3A_262, %dma_wait3A_263] : memref<64x1000000xf32, #tpu.memory_space<hbm>> -> memref<8x128xf32, #tpu.memory_space<hbm>>
        %dma_wait3A_265 = arith.constant 16 : i32
        %dma_wait3A_266 = arith.constant 0 : i32
        %dma_wait3A_267 = tpu.memref_slice %arg5[%dma_wait3A_265, %dma_wait3A_266] : memref<64x128xf32, #tpu.memory_space<vmem>> -> memref<8x128xf32, #tpu.memory_space<vmem>>
        %dma_wait3A_268 = arith.constant 16 : i32
        %dma_wait3A_269 = arith.constant 0 : i32
        %dma_wait3A_270 = tpu.memref_slice %arg2[%dma_wait3A_268, %dma_wait3A_269] : memref<64x1000000xf32, #tpu.memory_space<hbm>> -> memref<8x128xf32, #tpu.memory_space<hbm>>
        tpu.wait_dma2 semaphore(%arg9 : memref<!tpu.dma_semaphore, #tpu.memory_space<semaphore_mem>>) src(%dma_wait3A_270 : memref<8x128xf32, #tpu.memory_space<hbm>>) dst(%dma_wait3A_267 : memref<8x128xf32, #tpu.memory_space<vmem>>)
        %dma_wait3A_271 = arith.constant 24 : i32
        %dma_wait3A_272 = arith.constant 0 : i32
        %dma_wait3A_273 = tpu.memref_slice %arg5[%dma_wait3A_271, %dma_wait3A_272] : memref<64x128xf32, #tpu.memory_space<vmem>> -> memref<8x128xf32, #tpu.memory_space<vmem>>
        %dma_wait3A_274 = arith.constant 24 : i32
        %dma_wait3A_275 = arith.constant 0 : i32
        %dma_wait3A_276 = tpu.memref_slice %arg2[%dma_wait3A_274, %dma_wait3A_275] : memref<64x1000000xf32, #tpu.memory_space<hbm>> -> memref<8x128xf32, #tpu.memory_space<hbm>>
        %dma_wait3A_277 = arith.constant 24 : i32
        %dma_wait3A_278 = arith.constant 0 : i32
        %dma_wait3A_279 = tpu.memref_slice %arg5[%dma_wait3A_277, %dma_wait3A_278] : memref<64x128xf32, #tpu.memory_space<vmem>> -> memref<8x128xf32, #tpu.memory_space<vmem>>
        %dma_wait3A_280 = arith.constant 24 : i32
        %dma_wait3A_281 = arith.constant 0 : i32
        %dma_wait3A_282 = tpu.memref_slice %arg2[%dma_wait3A_280, %dma_wait3A_281] : memref<64x1000000xf32, #tpu.memory_space<hbm>> -> memref<8x128xf32, #tpu.memory_space<hbm>>
        tpu.wait_dma2 semaphore(%arg9 : memref<!tpu.dma_semaphore, #tpu.memory_space<semaphore_mem>>) src(%dma_wait3A_282 : memref<8x128xf32, #tpu.memory_space<hbm>>) dst(%dma_wait3A_279 : memref<8x128xf32, #tpu.memory_space<vmem>>)
        %dma_wait3A_283 = arith.constant 32 : i32
        %dma_wait3A_284 = arith.constant 0 : i32
        %dma_wait3A_285 = tpu.memref_slice %arg5[%dma_wait3A_283, %dma_wait3A_284] : memref<64x128xf32, #tpu.memory_space<vmem>> -> memref<8x128xf32, #tpu.memory_space<vmem>>
        %dma_wait3A_286 = arith.constant 32 : i32
        %dma_wait3A_287 = arith.constant 0 : i32
        %dma_wait3A_288 = tpu.memref_slice %arg2[%dma_wait3A_286, %dma_wait3A_287] : memref<64x1000000xf32, #tpu.memory_space<hbm>> -> memref<8x128xf32, #tpu.memory_space<hbm>>
        %dma_wait3A_289 = arith.constant 32 : i32
        %dma_wait3A_290 = arith.constant 0 : i32
        %dma_wait3A_291 = tpu.memref_slice %arg5[%dma_wait3A_289, %dma_wait3A_290] : memref<64x128xf32, #tpu.memory_space<vmem>> -> memref<8x128xf32, #tpu.memory_space<vmem>>
        %dma_wait3A_292 = arith.constant 32 : i32
        %dma_wait3A_293 = arith.constant 0 : i32
        %dma_wait3A_294 = tpu.memref_slice %arg2[%dma_wait3A_292, %dma_wait3A_293] : memref<64x1000000xf32, #tpu.memory_space<hbm>> -> memref<8x128xf32, #tpu.memory_space<hbm>>
        tpu.wait_dma2 semaphore(%arg9 : memref<!tpu.dma_semaphore, #tpu.memory_space<semaphore_mem>>) src(%dma_wait3A_294 : memref<8x128xf32, #tpu.memory_space<hbm>>) dst(%dma_wait3A_291 : memref<8x128xf32, #tpu.memory_space<vmem>>)
        %dma_wait3A_295 = arith.constant 40 : i32
        %dma_wait3A_296 = arith.constant 0 : i32
        %dma_wait3A_297 = tpu.memref_slice %arg5[%dma_wait3A_295, %dma_wait3A_296] : memref<64x128xf32, #tpu.memory_space<vmem>> -> memref<8x128xf32, #tpu.memory_space<vmem>>
        %dma_wait3A_298 = arith.constant 40 : i32
        %dma_wait3A_299 = arith.constant 0 : i32
        %dma_wait3A_300 = tpu.memref_slice %arg2[%dma_wait3A_298, %dma_wait3A_299] : memref<64x1000000xf32, #tpu.memory_space<hbm>> -> memref<8x128xf32, #tpu.memory_space<hbm>>
        %dma_wait3A_301 = arith.constant 40 : i32
        %dma_wait3A_302 = arith.constant 0 : i32
        %dma_wait3A_303 = tpu.memref_slice %arg5[%dma_wait3A_301, %dma_wait3A_302] : memref<64x128xf32, #tpu.memory_space<vmem>> -> memref<8x128xf32, #tpu.memory_space<vmem>>
        %dma_wait3A_304 = arith.constant 40 : i32
        %dma_wait3A_305 = arith.constant 0 : i32
        %dma_wait3A_306 = tpu.memref_slice %arg2[%dma_wait3A_304, %dma_wait3A_305] : memref<64x1000000xf32, #tpu.memory_space<hbm>> -> memref<8x128xf32, #tpu.memory_space<hbm>>
        tpu.wait_dma2 semaphore(%arg9 : memref<!tpu.dma_semaphore, #tpu.memory_space<semaphore_mem>>) src(%dma_wait3A_306 : memref<8x128xf32, #tpu.memory_space<hbm>>) dst(%dma_wait3A_303 : memref<8x128xf32, #tpu.memory_space<vmem>>)
        %dma_wait3A_307 = arith.constant 48 : i32
        %dma_wait3A_308 = arith.constant 0 : i32
        %dma_wait3A_309 = tpu.memref_slice %arg5[%dma_wait3A_307, %dma_wait3A_308] : memref<64x128xf32, #tpu.memory_space<vmem>> -> memref<8x128xf32, #tpu.memory_space<vmem>>
        %dma_wait3A_310 = arith.constant 48 : i32
        %dma_wait3A_311 = arith.constant 0 : i32
        %dma_wait3A_312 = tpu.memref_slice %arg2[%dma_wait3A_310, %dma_wait3A_311] : memref<64x1000000xf32, #tpu.memory_space<hbm>> -> memref<8x128xf32, #tpu.memory_space<hbm>>
        %dma_wait3A_313 = arith.constant 48 : i32
        %dma_wait3A_314 = arith.constant 0 : i32
        %dma_wait3A_315 = tpu.memref_slice %arg5[%dma_wait3A_313, %dma_wait3A_314] : memref<64x128xf32, #tpu.memory_space<vmem>> -> memref<8x128xf32, #tpu.memory_space<vmem>>
        %dma_wait3A_316 = arith.constant 48 : i32
        %dma_wait3A_317 = arith.constant 0 : i32
        %dma_wait3A_318 = tpu.memref_slice %arg2[%dma_wait3A_316, %dma_wait3A_317] : memref<64x1000000xf32, #tpu.memory_space<hbm>> -> memref<8x128xf32, #tpu.memory_space<hbm>>
        tpu.wait_dma2 semaphore(%arg9 : memref<!tpu.dma_semaphore, #tpu.memory_space<semaphore_mem>>) src(%dma_wait3A_318 : memref<8x128xf32, #tpu.memory_space<hbm>>) dst(%dma_wait3A_315 : memref<8x128xf32, #tpu.memory_space<vmem>>)
        %dma_wait3A_319 = arith.constant 56 : i32
        %dma_wait3A_320 = arith.constant 0 : i32
        %dma_wait3A_321 = tpu.memref_slice %arg5[%dma_wait3A_319, %dma_wait3A_320] : memref<64x128xf32, #tpu.memory_space<vmem>> -> memref<8x128xf32, #tpu.memory_space<vmem>>
        %dma_wait3A_322 = arith.constant 56 : i32
        %dma_wait3A_323 = arith.constant 0 : i32
        %dma_wait3A_324 = tpu.memref_slice %arg2[%dma_wait3A_322, %dma_wait3A_323] : memref<64x1000000xf32, #tpu.memory_space<hbm>> -> memref<8x128xf32, #tpu.memory_space<hbm>>
        %dma_wait3A_325 = arith.constant 56 : i32
        %dma_wait3A_326 = arith.constant 0 : i32
        %dma_wait3A_327 = tpu.memref_slice %arg5[%dma_wait3A_325, %dma_wait3A_326] : memref<64x128xf32, #tpu.memory_space<vmem>> -> memref<8x128xf32, #tpu.memory_space<vmem>>
        %dma_wait3A_328 = arith.constant 56 : i32
        %dma_wait3A_329 = arith.constant 0 : i32
        %dma_wait3A_330 = tpu.memref_slice %arg2[%dma_wait3A_328, %dma_wait3A_329] : memref<64x1000000xf32, #tpu.memory_space<hbm>> -> memref<8x128xf32, #tpu.memory_space<hbm>>
        tpu.wait_dma2 semaphore(%arg9 : memref<!tpu.dma_semaphore, #tpu.memory_space<semaphore_mem>>) src(%dma_wait3A_330 : memref<8x128xf32, #tpu.memory_space<hbm>>) dst(%dma_wait3A_327 : memref<8x128xf32, #tpu.memory_space<vmem>>)
        %add3A_331 = arith.constant 1 : i32
        %add3A_332 = arith.addi %add3A_225, %add3A_331 : i32
        %lt3A_333 = arith.cmpi slt, %add3A_332, %select_n3A : i32
        %convert_element_type3A_334 = arith.extui %lt3A_333 : i1 to i32
        %cond3A_335 = arith.constant 0 : i32
        %cond3A_336 = arith.cmpi ne, %convert_element_type3A_334, %cond3A_335 : i32
        scf.if %cond3A_336 {
          %add3A_353 = arith.constant 1 : i32
          %add3A_354 = arith.addi %add3A_225, %add3A_353 : i32
          %mul3A_355 = arith.constant 32 : i32
          %mul3A_356 = arith.muli %add3A_354, %mul3A_355 : i32
          %add3A_357 = arith.addi %add3A, %mul3A_356 : i32
          %mul3A_358 = arith.constant 128 : i32
          %mul3A_359 = arith.muli %add3A_357, %mul3A_358 : i32
          %dma_start3A_360 = arith.constant 0 : i32
          %dma_start3A_361 = arith.constant 0 : i32
          %dma_start3A_362 = tpu.memref_slice %arg6[%dma_start3A_360, %dma_start3A_361] : memref<64x128xf32, #tpu.memory_space<vmem>> -> memref<8x128xf32, #tpu.memory_space<vmem>>
          %dma_start3A_363 = arith.constant 0 : i32
          %dma_start3A_364 = tpu.memref_slice %arg2[%dma_start3A_363, %mul3A_359] : memref<64x1000000xf32, #tpu.memory_space<hbm>> -> memref<8x128xf32, #tpu.memory_space<hbm>>
          %dma_start3A_365 = arith.constant 0 : i32
          %dma_start3A_366 = arith.constant 0 : i32
          %dma_start3A_367 = tpu.memref_slice %arg6[%dma_start3A_365, %dma_start3A_366] : memref<64x128xf32, #tpu.memory_space<vmem>> -> memref<8x128xf32, #tpu.memory_space<vmem>>
          %dma_start3A_368 = arith.constant 0 : i32
          %dma_start3A_369 = tpu.memref_slice %arg2[%dma_start3A_368, %mul3A_359] : memref<64x1000000xf32, #tpu.memory_space<hbm>> -> memref<8x128xf32, #tpu.memory_space<hbm>>
          tpu.enqueue_dma source(%dma_start3A_369 : memref<8x128xf32, #tpu.memory_space<hbm>>) target(%dma_start3A_367 : memref<8x128xf32, #tpu.memory_space<vmem>>) target_semaphore(%arg10 : memref<!tpu.dma_semaphore, #tpu.memory_space<semaphore_mem>>)
          %mul3A_370 = arith.constant 128 : i32
          %mul3A_371 = arith.muli %add3A_357, %mul3A_370 : i32
          %dma_start3A_372 = arith.constant 8 : i32
          %dma_start3A_373 = arith.constant 0 : i32
          %dma_start3A_374 = tpu.memref_slice %arg6[%dma_start3A_372, %dma_start3A_373] : memref<64x128xf32, #tpu.memory_space<vmem>> -> memref<8x128xf32, #tpu.memory_space<vmem>>
          %dma_start3A_375 = arith.constant 8 : i32
          %dma_start3A_376 = tpu.memref_slice %arg2[%dma_start3A_375, %mul3A_371] : memref<64x1000000xf32, #tpu.memory_space<hbm>> -> memref<8x128xf32, #tpu.memory_space<hbm>>
          %dma_start3A_377 = arith.constant 8 : i32
          %dma_start3A_378 = arith.constant 0 : i32
          %dma_start3A_379 = tpu.memref_slice %arg6[%dma_start3A_377, %dma_start3A_378] : memref<64x128xf32, #tpu.memory_space<vmem>> -> memref<8x128xf32, #tpu.memory_space<vmem>>
          %dma_start3A_380 = arith.constant 8 : i32
          %dma_start3A_381 = tpu.memref_slice %arg2[%dma_start3A_380, %mul3A_371] : memref<64x1000000xf32, #tpu.memory_space<hbm>> -> memref<8x128xf32, #tpu.memory_space<hbm>>
          tpu.enqueue_dma source(%dma_start3A_381 : memref<8x128xf32, #tpu.memory_space<hbm>>) target(%dma_start3A_379 : memref<8x128xf32, #tpu.memory_space<vmem>>) target_semaphore(%arg10 : memref<!tpu.dma_semaphore, #tpu.memory_space<semaphore_mem>>)
          %mul3A_382 = arith.constant 128 : i32
          %mul3A_383 = arith.muli %add3A_357, %mul3A_382 : i32
          %dma_start3A_384 = arith.constant 16 : i32
          %dma_start3A_385 = arith.constant 0 : i32
          %dma_start3A_386 = tpu.memref_slice %arg6[%dma_start3A_384, %dma_start3A_385] : memref<64x128xf32, #tpu.memory_space<vmem>> -> memref<8x128xf32, #tpu.memory_space<vmem>>
          %dma_start3A_387 = arith.constant 16 : i32
          %dma_start3A_388 = tpu.memref_slice %arg2[%dma_start3A_387, %mul3A_383] : memref<64x1000000xf32, #tpu.memory_space<hbm>> -> memref<8x128xf32, #tpu.memory_space<hbm>>
          %dma_start3A_389 = arith.constant 16 : i32
          %dma_start3A_390 = arith.constant 0 : i32
          %dma_start3A_391 = tpu.memref_slice %arg6[%dma_start3A_389, %dma_start3A_390] : memref<64x128xf32, #tpu.memory_space<vmem>> -> memref<8x128xf32, #tpu.memory_space<vmem>>
          %dma_start3A_392 = arith.constant 16 : i32
          %dma_start3A_393 = tpu.memref_slice %arg2[%dma_start3A_392, %mul3A_383] : memref<64x1000000xf32, #tpu.memory_space<hbm>> -> memref<8x128xf32, #tpu.memory_space<hbm>>
          tpu.enqueue_dma source(%dma_start3A_393 : memref<8x128xf32, #tpu.memory_space<hbm>>) target(%dma_start3A_391 : memref<8x128xf32, #tpu.memory_space<vmem>>) target_semaphore(%arg10 : memref<!tpu.dma_semaphore, #tpu.memory_space<semaphore_mem>>)
          %mul3A_394 = arith.constant 128 : i32
          %mul3A_395 = arith.muli %add3A_357, %mul3A_394 : i32
          %dma_start3A_396 = arith.constant 24 : i32
          %dma_start3A_397 = arith.constant 0 : i32
          %dma_start3A_398 = tpu.memref_slice %arg6[%dma_start3A_396, %dma_start3A_397] : memref<64x128xf32, #tpu.memory_space<vmem>> -> memref<8x128xf32, #tpu.memory_space<vmem>>
          %dma_start3A_399 = arith.constant 24 : i32
          %dma_start3A_400 = tpu.memref_slice %arg2[%dma_start3A_399, %mul3A_395] : memref<64x1000000xf32, #tpu.memory_space<hbm>> -> memref<8x128xf32, #tpu.memory_space<hbm>>
          %dma_start3A_401 = arith.constant 24 : i32
          %dma_start3A_402 = arith.constant 0 : i32
          %dma_start3A_403 = tpu.memref_slice %arg6[%dma_start3A_401, %dma_start3A_402] : memref<64x128xf32, #tpu.memory_space<vmem>> -> memref<8x128xf32, #tpu.memory_space<vmem>>
          %dma_start3A_404 = arith.constant 24 : i32
          %dma_start3A_405 = tpu.memref_slice %arg2[%dma_start3A_404, %mul3A_395] : memref<64x1000000xf32, #tpu.memory_space<hbm>> -> memref<8x128xf32, #tpu.memory_space<hbm>>
          tpu.enqueue_dma source(%dma_start3A_405 : memref<8x128xf32, #tpu.memory_space<hbm>>) target(%dma_start3A_403 : memref<8x128xf32, #tpu.memory_space<vmem>>) target_semaphore(%arg10 : memref<!tpu.dma_semaphore, #tpu.memory_space<semaphore_mem>>)
          %mul3A_406 = arith.constant 128 : i32
          %mul3A_407 = arith.muli %add3A_357, %mul3A_406 : i32
          %dma_start3A_408 = arith.constant 32 : i32
          %dma_start3A_409 = arith.constant 0 : i32
          %dma_start3A_410 = tpu.memref_slice %arg6[%dma_start3A_408, %dma_start3A_409] : memref<64x128xf32, #tpu.memory_space<vmem>> -> memref<8x128xf32, #tpu.memory_space<vmem>>
          %dma_start3A_411 = arith.constant 32 : i32
          %dma_start3A_412 = tpu.memref_slice %arg2[%dma_start3A_411, %mul3A_407] : memref<64x1000000xf32, #tpu.memory_space<hbm>> -> memref<8x128xf32, #tpu.memory_space<hbm>>
          %dma_start3A_413 = arith.constant 32 : i32
          %dma_start3A_414 = arith.constant 0 : i32
          %dma_start3A_415 = tpu.memref_slice %arg6[%dma_start3A_413, %dma_start3A_414] : memref<64x128xf32, #tpu.memory_space<vmem>> -> memref<8x128xf32, #tpu.memory_space<vmem>>
          %dma_start3A_416 = arith.constant 32 : i32
          %dma_start3A_417 = tpu.memref_slice %arg2[%dma_start3A_416, %mul3A_407] : memref<64x1000000xf32, #tpu.memory_space<hbm>> -> memref<8x128xf32, #tpu.memory_space<hbm>>
          tpu.enqueue_dma source(%dma_start3A_417 : memref<8x128xf32, #tpu.memory_space<hbm>>) target(%dma_start3A_415 : memref<8x128xf32, #tpu.memory_space<vmem>>) target_semaphore(%arg10 : memref<!tpu.dma_semaphore, #tpu.memory_space<semaphore_mem>>)
          %mul3A_418 = arith.constant 128 : i32
          %mul3A_419 = arith.muli %add3A_357, %mul3A_418 : i32
          %dma_start3A_420 = arith.constant 40 : i32
          %dma_start3A_421 = arith.constant 0 : i32
          %dma_start3A_422 = tpu.memref_slice %arg6[%dma_start3A_420, %dma_start3A_421] : memref<64x128xf32, #tpu.memory_space<vmem>> -> memref<8x128xf32, #tpu.memory_space<vmem>>
          %dma_start3A_423 = arith.constant 40 : i32
          %dma_start3A_424 = tpu.memref_slice %arg2[%dma_start3A_423, %mul3A_419] : memref<64x1000000xf32, #tpu.memory_space<hbm>> -> memref<8x128xf32, #tpu.memory_space<hbm>>
          %dma_start3A_425 = arith.constant 40 : i32
          %dma_start3A_426 = arith.constant 0 : i32
          %dma_start3A_427 = tpu.memref_slice %arg6[%dma_start3A_425, %dma_start3A_426] : memref<64x128xf32, #tpu.memory_space<vmem>> -> memref<8x128xf32, #tpu.memory_space<vmem>>
          %dma_start3A_428 = arith.constant 40 : i32
          %dma_start3A_429 = tpu.memref_slice %arg2[%dma_start3A_428, %mul3A_419] : memref<64x1000000xf32, #tpu.memory_space<hbm>> -> memref<8x128xf32, #tpu.memory_space<hbm>>
          tpu.enqueue_dma source(%dma_start3A_429 : memref<8x128xf32, #tpu.memory_space<hbm>>) target(%dma_start3A_427 : memref<8x128xf32, #tpu.memory_space<vmem>>) target_semaphore(%arg10 : memref<!tpu.dma_semaphore, #tpu.memory_space<semaphore_mem>>)
          %mul3A_430 = arith.constant 128 : i32
          %mul3A_431 = arith.muli %add3A_357, %mul3A_430 : i32
          %dma_start3A_432 = arith.constant 48 : i32
          %dma_start3A_433 = arith.constant 0 : i32
          %dma_start3A_434 = tpu.memref_slice %arg6[%dma_start3A_432, %dma_start3A_433] : memref<64x128xf32, #tpu.memory_space<vmem>> -> memref<8x128xf32, #tpu.memory_space<vmem>>
          %dma_start3A_435 = arith.constant 48 : i32
          %dma_start3A_436 = tpu.memref_slice %arg2[%dma_start3A_435, %mul3A_431] : memref<64x1000000xf32, #tpu.memory_space<hbm>> -> memref<8x128xf32, #tpu.memory_space<hbm>>
          %dma_start3A_437 = arith.constant 48 : i32
          %dma_start3A_438 = arith.constant 0 : i32
          %dma_start3A_439 = tpu.memref_slice %arg6[%dma_start3A_437, %dma_start3A_438] : memref<64x128xf32, #tpu.memory_space<vmem>> -> memref<8x128xf32, #tpu.memory_space<vmem>>
          %dma_start3A_440 = arith.constant 48 : i32
          %dma_start3A_441 = tpu.memref_slice %arg2[%dma_start3A_440, %mul3A_431] : memref<64x1000000xf32, #tpu.memory_space<hbm>> -> memref<8x128xf32, #tpu.memory_space<hbm>>
          tpu.enqueue_dma source(%dma_start3A_441 : memref<8x128xf32, #tpu.memory_space<hbm>>) target(%dma_start3A_439 : memref<8x128xf32, #tpu.memory_space<vmem>>) target_semaphore(%arg10 : memref<!tpu.dma_semaphore, #tpu.memory_space<semaphore_mem>>)
          %mul3A_442 = arith.constant 128 : i32
          %mul3A_443 = arith.muli %add3A_357, %mul3A_442 : i32
          %dma_start3A_444 = arith.constant 56 : i32
          %dma_start3A_445 = arith.constant 0 : i32
          %dma_start3A_446 = tpu.memref_slice %arg6[%dma_start3A_444, %dma_start3A_445] : memref<64x128xf32, #tpu.memory_space<vmem>> -> memref<8x128xf32, #tpu.memory_space<vmem>>
          %dma_start3A_447 = arith.constant 56 : i32
          %dma_start3A_448 = tpu.memref_slice %arg2[%dma_start3A_447, %mul3A_443] : memref<64x1000000xf32, #tpu.memory_space<hbm>> -> memref<8x128xf32, #tpu.memory_space<hbm>>
          %dma_start3A_449 = arith.constant 56 : i32
          %dma_start3A_450 = arith.constant 0 : i32
          %dma_start3A_451 = tpu.memref_slice %arg6[%dma_start3A_449, %dma_start3A_450] : memref<64x128xf32, #tpu.memory_space<vmem>> -> memref<8x128xf32, #tpu.memory_space<vmem>>
          %dma_start3A_452 = arith.constant 56 : i32
          %dma_start3A_453 = tpu.memref_slice %arg2[%dma_start3A_452, %mul3A_443] : memref<64x1000000xf32, #tpu.memory_space<hbm>> -> memref<8x128xf32, #tpu.memory_space<hbm>>
          tpu.enqueue_dma source(%dma_start3A_453 : memref<8x128xf32, #tpu.memory_space<hbm>>) target(%dma_start3A_451 : memref<8x128xf32, #tpu.memory_space<vmem>>) target_semaphore(%arg10 : memref<!tpu.dma_semaphore, #tpu.memory_space<semaphore_mem>>)
        } else {
        }
        %ge3A_337 = arith.constant 2 : i32
        %ge3A_338 = arith.cmpi sge, %add3A_225, %ge3A_337 : i32
        %convert_element_type3A_339 = arith.extui %ge3A_338 : i1 to i32
        %cond3A_340 = arith.constant 0 : i32
        %cond3A_341 = arith.cmpi ne, %convert_element_type3A_339, %cond3A_340 : i32
        scf.if %cond3A_341 {
          %dma_wait3A_353 = arith.constant 0 : i32
          %dma_wait3A_354 = arith.constant 0 : i32
          %dma_wait3A_355 = tpu.memref_slice %arg4[%dma_wait3A_353, %dma_wait3A_354] : memref<1000000x128xf32, #tpu.memory_space<hbm>> -> memref<128x128xf32, #tpu.memory_space<hbm>>
          %dma_wait3A_356 = arith.constant 0 : i32
          %dma_wait3A_357 = arith.constant 0 : i32
          %dma_wait3A_358 = tpu.memref_slice %arg4[%dma_wait3A_356, %dma_wait3A_357] : memref<1000000x128xf32, #tpu.memory_space<hbm>> -> memref<128x128xf32, #tpu.memory_space<hbm>>
          tpu.wait_dma2 semaphore(%arg11 : memref<!tpu.dma_semaphore, #tpu.memory_space<semaphore_mem>>) src(%arg7 : memref<128x128xf32, #tpu.memory_space<vmem>>) dst(%dma_wait3A_358 : memref<128x128xf32, #tpu.memory_space<hbm>>)
        } else {
        }
        %parallel_loop3A = arith.constant 0 : i32
        %parallel_loop3A_342 = arith.constant 512 : i32
        %parallel_loop3A_343 = arith.constant 1 : i32
        scf.for %parallel_loop3A_353 = %parallel_loop3A to %parallel_loop3A_342 step %parallel_loop3A_343  : i32 {
          %parallel_loop3A_354 = arith.constant 2 : i32
          %parallel_loop3A_355 = arith.shrsi %parallel_loop3A_353, %parallel_loop3A_354 : i32
          %parallel_loop3A_356 = arith.constant 112 : i32
          %parallel_loop3A_357 = arith.andi %parallel_loop3A_355, %parallel_loop3A_356 : i32
          %parallel_loop3A_358 = vector.broadcast %parallel_loop3A_357 : i32 to vector<16xi32>
          %parallel_loop3A_359 = arith.addi %iota3A, %parallel_loop3A_358 : vector<16xi32>
          %parallel_loop3A_360 = arith.constant 15 : i32
          %parallel_loop3A_361 = arith.andi %parallel_loop3A_353, %parallel_loop3A_360 : i32
          %parallel_loop3A_362 = vector.broadcast %parallel_loop3A_361 : i32 to vector<16xi32>
          %parallel_loop3A_363 = arith.addi %iota3A, %parallel_loop3A_362 : vector<16xi32>
          %parallel_loop3A_364 = arith.constant 15 : i32
          %parallel_loop3A_365 = vector.broadcast %parallel_loop3A_364 : i32 to vector<16xi32>
          %parallel_loop3A_366 = arith.andi %parallel_loop3A_363, %parallel_loop3A_365 : vector<16xi32>
          %parallel_loop3A_367 = arith.constant 48 : i32
          %parallel_loop3A_368 = arith.andi %parallel_loop3A_353, %parallel_loop3A_367 : i32
          %parallel_loop3A_369 = vector.broadcast %parallel_loop3A_368 : i32 to vector<16xi32>
          %parallel_loop3A_370 = arith.ori %parallel_loop3A_366, %parallel_loop3A_369 : vector<16xi32>
          %parallel_loop3A_371 = tpu.vector_load_idx %arg5[%parallel_loop3A_370, %parallel_loop3A_359] : memref<64x128xf32, #tpu.memory_space<vmem>>[vector<16xi32>, vector<16xi32>], vector<16xf32>,
          tpu.vector_store_idx %arg7[%parallel_loop3A_359, %parallel_loop3A_370], %parallel_loop3A_371 : memref<128x128xf32, #tpu.memory_space<vmem>>[vector<16xi32>, vector<16xi32>], vector<16xf32>,
        } {sc.loop_unroll_factor = 8 : i64, sc.parallel_access}
        %mul3A_344 = arith.constant 32 : i32
        %mul3A_345 = arith.muli %add3A_225, %mul3A_344 : i32
        %add3A_346 = arith.addi %add3A, %mul3A_345 : i32
        %mul3A_347 = arith.constant 128 : i32
        %mul3A_348 = arith.muli %add3A_346, %mul3A_347 : i32
        %dma_start3A_349 = arith.constant 0 : i32
        %dma_start3A_350 = tpu.memref_slice %arg4[%mul3A_348, %dma_start3A_349] : memref<1000000x128xf32, #tpu.memory_space<hbm>> -> memref<128x128xf32, #tpu.memory_space<hbm>>
        %dma_start3A_351 = arith.constant 0 : i32
        %dma_start3A_352 = tpu.memref_slice %arg4[%mul3A_348, %dma_start3A_351] : memref<1000000x128xf32, #tpu.memory_space<hbm>> -> memref<128x128xf32, #tpu.memory_space<hbm>>
        tpu.enqueue_dma source(%arg7 : memref<128x128xf32, #tpu.memory_space<vmem>>) target(%dma_start3A_352 : memref<128x128xf32, #tpu.memory_space<hbm>>) target_semaphore(%arg11 : memref<!tpu.dma_semaphore, #tpu.memory_space<semaphore_mem>>)
      } else {
      }
      %add3A_230 = arith.constant 1 : i32
      %add3A_231 = arith.addi %add3A_223, %add3A_230 : i32
      %lt3A_232 = arith.cmpi slt, %add3A_231, %select_n3A : i32
      %convert_element_type3A_233 = arith.extui %lt3A_232 : i1 to i32
      %cond3A_234 = arith.constant 0 : i32
      %cond3A_235 = arith.cmpi ne, %convert_element_type3A_233, %cond3A_234 : i32
      scf.if %cond3A_235 {
        %dma_wait3A = arith.constant 0 : i32
        %dma_wait3A_236 = arith.constant 0 : i32
        %dma_wait3A_237 = tpu.memref_slice %arg6[%dma_wait3A, %dma_wait3A_236] : memref<64x128xf32, #tpu.memory_space<vmem>> -> memref<8x128xf32, #tpu.memory_space<vmem>>
        %dma_wait3A_238 = arith.constant 0 : i32
        %dma_wait3A_239 = arith.constant 0 : i32
        %dma_wait3A_240 = tpu.memref_slice %arg2[%dma_wait3A_238, %dma_wait3A_239] : memref<64x1000000xf32, #tpu.memory_space<hbm>> -> memref<8x128xf32, #tpu.memory_space<hbm>>
        %dma_wait3A_241 = arith.constant 0 : i32
        %dma_wait3A_242 = arith.constant 0 : i32
        %dma_wait3A_243 = tpu.memref_slice %arg6[%dma_wait3A_241, %dma_wait3A_242] : memref<64x128xf32, #tpu.memory_space<vmem>> -> memref<8x128xf32, #tpu.memory_space<vmem>>
        %dma_wait3A_244 = arith.constant 0 : i32
        %dma_wait3A_245 = arith.constant 0 : i32
        %dma_wait3A_246 = tpu.memref_slice %arg2[%dma_wait3A_244, %dma_wait3A_245] : memref<64x1000000xf32, #tpu.memory_space<hbm>> -> memref<8x128xf32, #tpu.memory_space<hbm>>
        tpu.wait_dma2 semaphore(%arg10 : memref<!tpu.dma_semaphore, #tpu.memory_space<semaphore_mem>>) src(%dma_wait3A_246 : memref<8x128xf32, #tpu.memory_space<hbm>>) dst(%dma_wait3A_243 : memref<8x128xf32, #tpu.memory_space<vmem>>)
        %dma_wait3A_247 = arith.constant 8 : i32
        %dma_wait3A_248 = arith.constant 0 : i32
        %dma_wait3A_249 = tpu.memref_slice %arg6[%dma_wait3A_247, %dma_wait3A_248] : memref<64x128xf32, #tpu.memory_space<vmem>> -> memref<8x128xf32, #tpu.memory_space<vmem>>
        %dma_wait3A_250 = arith.constant 8 : i32
        %dma_wait3A_251 = arith.constant 0 : i32
        %dma_wait3A_252 = tpu.memref_slice %arg2[%dma_wait3A_250, %dma_wait3A_251] : memref<64x1000000xf32, #tpu.memory_space<hbm>> -> memref<8x128xf32, #tpu.memory_space<hbm>>
        %dma_wait3A_253 = arith.constant 8 : i32
        %dma_wait3A_254 = arith.constant 0 : i32
        %dma_wait3A_255 = tpu.memref_slice %arg6[%dma_wait3A_253, %dma_wait3A_254] : memref<64x128xf32, #tpu.memory_space<vmem>> -> memref<8x128xf32, #tpu.memory_space<vmem>>
        %dma_wait3A_256 = arith.constant 8 : i32
        %dma_wait3A_257 = arith.constant 0 : i32
        %dma_wait3A_258 = tpu.memref_slice %arg2[%dma_wait3A_256, %dma_wait3A_257] : memref<64x1000000xf32, #tpu.memory_space<hbm>> -> memref<8x128xf32, #tpu.memory_space<hbm>>
        tpu.wait_dma2 semaphore(%arg10 : memref<!tpu.dma_semaphore, #tpu.memory_space<semaphore_mem>>) src(%dma_wait3A_258 : memref<8x128xf32, #tpu.memory_space<hbm>>) dst(%dma_wait3A_255 : memref<8x128xf32, #tpu.memory_space<vmem>>)
        %dma_wait3A_259 = arith.constant 16 : i32
        %dma_wait3A_260 = arith.constant 0 : i32
        %dma_wait3A_261 = tpu.memref_slice %arg6[%dma_wait3A_259, %dma_wait3A_260] : memref<64x128xf32, #tpu.memory_space<vmem>> -> memref<8x128xf32, #tpu.memory_space<vmem>>
        %dma_wait3A_262 = arith.constant 16 : i32
        %dma_wait3A_263 = arith.constant 0 : i32
        %dma_wait3A_264 = tpu.memref_slice %arg2[%dma_wait3A_262, %dma_wait3A_263] : memref<64x1000000xf32, #tpu.memory_space<hbm>> -> memref<8x128xf32, #tpu.memory_space<hbm>>
        %dma_wait3A_265 = arith.constant 16 : i32
        %dma_wait3A_266 = arith.constant 0 : i32
        %dma_wait3A_267 = tpu.memref_slice %arg6[%dma_wait3A_265, %dma_wait3A_266] : memref<64x128xf32, #tpu.memory_space<vmem>> -> memref<8x128xf32, #tpu.memory_space<vmem>>
        %dma_wait3A_268 = arith.constant 16 : i32
        %dma_wait3A_269 = arith.constant 0 : i32
        %dma_wait3A_270 = tpu.memref_slice %arg2[%dma_wait3A_268, %dma_wait3A_269] : memref<64x1000000xf32, #tpu.memory_space<hbm>> -> memref<8x128xf32, #tpu.memory_space<hbm>>
        tpu.wait_dma2 semaphore(%arg10 : memref<!tpu.dma_semaphore, #tpu.memory_space<semaphore_mem>>) src(%dma_wait3A_270 : memref<8x128xf32, #tpu.memory_space<hbm>>) dst(%dma_wait3A_267 : memref<8x128xf32, #tpu.memory_space<vmem>>)
        %dma_wait3A_271 = arith.constant 24 : i32
        %dma_wait3A_272 = arith.constant 0 : i32
        %dma_wait3A_273 = tpu.memref_slice %arg6[%dma_wait3A_271, %dma_wait3A_272] : memref<64x128xf32, #tpu.memory_space<vmem>> -> memref<8x128xf32, #tpu.memory_space<vmem>>
        %dma_wait3A_274 = arith.constant 24 : i32
        %dma_wait3A_275 = arith.constant 0 : i32
        %dma_wait3A_276 = tpu.memref_slice %arg2[%dma_wait3A_274, %dma_wait3A_275] : memref<64x1000000xf32, #tpu.memory_space<hbm>> -> memref<8x128xf32, #tpu.memory_space<hbm>>
        %dma_wait3A_277 = arith.constant 24 : i32
        %dma_wait3A_278 = arith.constant 0 : i32
        %dma_wait3A_279 = tpu.memref_slice %arg6[%dma_wait3A_277, %dma_wait3A_278] : memref<64x128xf32, #tpu.memory_space<vmem>> -> memref<8x128xf32, #tpu.memory_space<vmem>>
        %dma_wait3A_280 = arith.constant 24 : i32
        %dma_wait3A_281 = arith.constant 0 : i32
        %dma_wait3A_282 = tpu.memref_slice %arg2[%dma_wait3A_280, %dma_wait3A_281] : memref<64x1000000xf32, #tpu.memory_space<hbm>> -> memref<8x128xf32, #tpu.memory_space<hbm>>
        tpu.wait_dma2 semaphore(%arg10 : memref<!tpu.dma_semaphore, #tpu.memory_space<semaphore_mem>>) src(%dma_wait3A_282 : memref<8x128xf32, #tpu.memory_space<hbm>>) dst(%dma_wait3A_279 : memref<8x128xf32, #tpu.memory_space<vmem>>)
        %dma_wait3A_283 = arith.constant 32 : i32
        %dma_wait3A_284 = arith.constant 0 : i32
        %dma_wait3A_285 = tpu.memref_slice %arg6[%dma_wait3A_283, %dma_wait3A_284] : memref<64x128xf32, #tpu.memory_space<vmem>> -> memref<8x128xf32, #tpu.memory_space<vmem>>
        %dma_wait3A_286 = arith.constant 32 : i32
        %dma_wait3A_287 = arith.constant 0 : i32
        %dma_wait3A_288 = tpu.memref_slice %arg2[%dma_wait3A_286, %dma_wait3A_287] : memref<64x1000000xf32, #tpu.memory_space<hbm>> -> memref<8x128xf32, #tpu.memory_space<hbm>>
        %dma_wait3A_289 = arith.constant 32 : i32
        %dma_wait3A_290 = arith.constant 0 : i32
        %dma_wait3A_291 = tpu.memref_slice %arg6[%dma_wait3A_289, %dma_wait3A_290] : memref<64x128xf32, #tpu.memory_space<vmem>> -> memref<8x128xf32, #tpu.memory_space<vmem>>
        %dma_wait3A_292 = arith.constant 32 : i32
        %dma_wait3A_293 = arith.constant 0 : i32
        %dma_wait3A_294 = tpu.memref_slice %arg2[%dma_wait3A_292, %dma_wait3A_293] : memref<64x1000000xf32, #tpu.memory_space<hbm>> -> memref<8x128xf32, #tpu.memory_space<hbm>>
        tpu.wait_dma2 semaphore(%arg10 : memref<!tpu.dma_semaphore, #tpu.memory_space<semaphore_mem>>) src(%dma_wait3A_294 : memref<8x128xf32, #tpu.memory_space<hbm>>) dst(%dma_wait3A_291 : memref<8x128xf32, #tpu.memory_space<vmem>>)
        %dma_wait3A_295 = arith.constant 40 : i32
        %dma_wait3A_296 = arith.constant 0 : i32
        %dma_wait3A_297 = tpu.memref_slice %arg6[%dma_wait3A_295, %dma_wait3A_296] : memref<64x128xf32, #tpu.memory_space<vmem>> -> memref<8x128xf32, #tpu.memory_space<vmem>>
        %dma_wait3A_298 = arith.constant 40 : i32
        %dma_wait3A_299 = arith.constant 0 : i32
        %dma_wait3A_300 = tpu.memref_slice %arg2[%dma_wait3A_298, %dma_wait3A_299] : memref<64x1000000xf32, #tpu.memory_space<hbm>> -> memref<8x128xf32, #tpu.memory_space<hbm>>
        %dma_wait3A_301 = arith.constant 40 : i32
        %dma_wait3A_302 = arith.constant 0 : i32
        %dma_wait3A_303 = tpu.memref_slice %arg6[%dma_wait3A_301, %dma_wait3A_302] : memref<64x128xf32, #tpu.memory_space<vmem>> -> memref<8x128xf32, #tpu.memory_space<vmem>>
        %dma_wait3A_304 = arith.constant 40 : i32
        %dma_wait3A_305 = arith.constant 0 : i32
        %dma_wait3A_306 = tpu.memref_slice %arg2[%dma_wait3A_304, %dma_wait3A_305] : memref<64x1000000xf32, #tpu.memory_space<hbm>> -> memref<8x128xf32, #tpu.memory_space<hbm>>
        tpu.wait_dma2 semaphore(%arg10 : memref<!tpu.dma_semaphore, #tpu.memory_space<semaphore_mem>>) src(%dma_wait3A_306 : memref<8x128xf32, #tpu.memory_space<hbm>>) dst(%dma_wait3A_303 : memref<8x128xf32, #tpu.memory_space<vmem>>)
        %dma_wait3A_307 = arith.constant 48 : i32
        %dma_wait3A_308 = arith.constant 0 : i32
        %dma_wait3A_309 = tpu.memref_slice %arg6[%dma_wait3A_307, %dma_wait3A_308] : memref<64x128xf32, #tpu.memory_space<vmem>> -> memref<8x128xf32, #tpu.memory_space<vmem>>
        %dma_wait3A_310 = arith.constant 48 : i32
        %dma_wait3A_311 = arith.constant 0 : i32
        %dma_wait3A_312 = tpu.memref_slice %arg2[%dma_wait3A_310, %dma_wait3A_311] : memref<64x1000000xf32, #tpu.memory_space<hbm>> -> memref<8x128xf32, #tpu.memory_space<hbm>>
        %dma_wait3A_313 = arith.constant 48 : i32
        %dma_wait3A_314 = arith.constant 0 : i32
        %dma_wait3A_315 = tpu.memref_slice %arg6[%dma_wait3A_313, %dma_wait3A_314] : memref<64x128xf32, #tpu.memory_space<vmem>> -> memref<8x128xf32, #tpu.memory_space<vmem>>
        %dma_wait3A_316 = arith.constant 48 : i32
        %dma_wait3A_317 = arith.constant 0 : i32
        %dma_wait3A_318 = tpu.memref_slice %arg2[%dma_wait3A_316, %dma_wait3A_317] : memref<64x1000000xf32, #tpu.memory_space<hbm>> -> memref<8x128xf32, #tpu.memory_space<hbm>>
        tpu.wait_dma2 semaphore(%arg10 : memref<!tpu.dma_semaphore, #tpu.memory_space<semaphore_mem>>) src(%dma_wait3A_318 : memref<8x128xf32, #tpu.memory_space<hbm>>) dst(%dma_wait3A_315 : memref<8x128xf32, #tpu.memory_space<vmem>>)
        %dma_wait3A_319 = arith.constant 56 : i32
        %dma_wait3A_320 = arith.constant 0 : i32
        %dma_wait3A_321 = tpu.memref_slice %arg6[%dma_wait3A_319, %dma_wait3A_320] : memref<64x128xf32, #tpu.memory_space<vmem>> -> memref<8x128xf32, #tpu.memory_space<vmem>>
        %dma_wait3A_322 = arith.constant 56 : i32
        %dma_wait3A_323 = arith.constant 0 : i32
        %dma_wait3A_324 = tpu.memref_slice %arg2[%dma_wait3A_322, %dma_wait3A_323] : memref<64x1000000xf32, #tpu.memory_space<hbm>> -> memref<8x128xf32, #tpu.memory_space<hbm>>
        %dma_wait3A_325 = arith.constant 56 : i32
        %dma_wait3A_326 = arith.constant 0 : i32
        %dma_wait3A_327 = tpu.memref_slice %arg6[%dma_wait3A_325, %dma_wait3A_326] : memref<64x128xf32, #tpu.memory_space<vmem>> -> memref<8x128xf32, #tpu.memory_space<vmem>>
        %dma_wait3A_328 = arith.constant 56 : i32
        %dma_wait3A_329 = arith.constant 0 : i32
        %dma_wait3A_330 = tpu.memref_slice %arg2[%dma_wait3A_328, %dma_wait3A_329] : memref<64x1000000xf32, #tpu.memory_space<hbm>> -> memref<8x128xf32, #tpu.memory_space<hbm>>
        tpu.wait_dma2 semaphore(%arg10 : memref<!tpu.dma_semaphore, #tpu.memory_space<semaphore_mem>>) src(%dma_wait3A_330 : memref<8x128xf32, #tpu.memory_space<hbm>>) dst(%dma_wait3A_327 : memref<8x128xf32, #tpu.memory_space<vmem>>)
        %add3A_331 = arith.constant 1 : i32
        %add3A_332 = arith.addi %add3A_231, %add3A_331 : i32
        %lt3A_333 = arith.cmpi slt, %add3A_332, %select_n3A : i32
        %convert_element_type3A_334 = arith.extui %lt3A_333 : i1 to i32
        %cond3A_335 = arith.constant 0 : i32
        %cond3A_336 = arith.cmpi ne, %convert_element_type3A_334, %cond3A_335 : i32
        scf.if %cond3A_336 {
          %add3A_353 = arith.constant 1 : i32
          %add3A_354 = arith.addi %add3A_231, %add3A_353 : i32
          %mul3A_355 = arith.constant 32 : i32
          %mul3A_356 = arith.muli %add3A_354, %mul3A_355 : i32
          %add3A_357 = arith.addi %add3A, %mul3A_356 : i32
          %mul3A_358 = arith.constant 128 : i32
          %mul3A_359 = arith.muli %add3A_357, %mul3A_358 : i32
          %dma_start3A_360 = arith.constant 0 : i32
          %dma_start3A_361 = arith.constant 0 : i32
          %dma_start3A_362 = tpu.memref_slice %arg5[%dma_start3A_360, %dma_start3A_361] : memref<64x128xf32, #tpu.memory_space<vmem>> -> memref<8x128xf32, #tpu.memory_space<vmem>>
          %dma_start3A_363 = arith.constant 0 : i32
          %dma_start3A_364 = tpu.memref_slice %arg2[%dma_start3A_363, %mul3A_359] : memref<64x1000000xf32, #tpu.memory_space<hbm>> -> memref<8x128xf32, #tpu.memory_space<hbm>>
          %dma_start3A_365 = arith.constant 0 : i32
          %dma_start3A_366 = arith.constant 0 : i32
          %dma_start3A_367 = tpu.memref_slice %arg5[%dma_start3A_365, %dma_start3A_366] : memref<64x128xf32, #tpu.memory_space<vmem>> -> memref<8x128xf32, #tpu.memory_space<vmem>>
          %dma_start3A_368 = arith.constant 0 : i32
          %dma_start3A_369 = tpu.memref_slice %arg2[%dma_start3A_368, %mul3A_359] : memref<64x1000000xf32, #tpu.memory_space<hbm>> -> memref<8x128xf32, #tpu.memory_space<hbm>>
          tpu.enqueue_dma source(%dma_start3A_369 : memref<8x128xf32, #tpu.memory_space<hbm>>) target(%dma_start3A_367 : memref<8x128xf32, #tpu.memory_space<vmem>>) target_semaphore(%arg9 : memref<!tpu.dma_semaphore, #tpu.memory_space<semaphore_mem>>)
          %mul3A_370 = arith.constant 128 : i32
          %mul3A_371 = arith.muli %add3A_357, %mul3A_370 : i32
          %dma_start3A_372 = arith.constant 8 : i32
          %dma_start3A_373 = arith.constant 0 : i32
          %dma_start3A_374 = tpu.memref_slice %arg5[%dma_start3A_372, %dma_start3A_373] : memref<64x128xf32, #tpu.memory_space<vmem>> -> memref<8x128xf32, #tpu.memory_space<vmem>>
          %dma_start3A_375 = arith.constant 8 : i32
          %dma_start3A_376 = tpu.memref_slice %arg2[%dma_start3A_375, %mul3A_371] : memref<64x1000000xf32, #tpu.memory_space<hbm>> -> memref<8x128xf32, #tpu.memory_space<hbm>>
          %dma_start3A_377 = arith.constant 8 : i32
          %dma_start3A_378 = arith.constant 0 : i32
          %dma_start3A_379 = tpu.memref_slice %arg5[%dma_start3A_377, %dma_start3A_378] : memref<64x128xf32, #tpu.memory_space<vmem>> -> memref<8x128xf32, #tpu.memory_space<vmem>>
          %dma_start3A_380 = arith.constant 8 : i32
          %dma_start3A_381 = tpu.memref_slice %arg2[%dma_start3A_380, %mul3A_371] : memref<64x1000000xf32, #tpu.memory_space<hbm>> -> memref<8x128xf32, #tpu.memory_space<hbm>>
          tpu.enqueue_dma source(%dma_start3A_381 : memref<8x128xf32, #tpu.memory_space<hbm>>) target(%dma_start3A_379 : memref<8x128xf32, #tpu.memory_space<vmem>>) target_semaphore(%arg9 : memref<!tpu.dma_semaphore, #tpu.memory_space<semaphore_mem>>)
          %mul3A_382 = arith.constant 128 : i32
          %mul3A_383 = arith.muli %add3A_357, %mul3A_382 : i32
          %dma_start3A_384 = arith.constant 16 : i32
          %dma_start3A_385 = arith.constant 0 : i32
          %dma_start3A_386 = tpu.memref_slice %arg5[%dma_start3A_384, %dma_start3A_385] : memref<64x128xf32, #tpu.memory_space<vmem>> -> memref<8x128xf32, #tpu.memory_space<vmem>>
          %dma_start3A_387 = arith.constant 16 : i32
          %dma_start3A_388 = tpu.memref_slice %arg2[%dma_start3A_387, %mul3A_383] : memref<64x1000000xf32, #tpu.memory_space<hbm>> -> memref<8x128xf32, #tpu.memory_space<hbm>>
          %dma_start3A_389 = arith.constant 16 : i32
          %dma_start3A_390 = arith.constant 0 : i32
          %dma_start3A_391 = tpu.memref_slice %arg5[%dma_start3A_389, %dma_start3A_390] : memref<64x128xf32, #tpu.memory_space<vmem>> -> memref<8x128xf32, #tpu.memory_space<vmem>>
          %dma_start3A_392 = arith.constant 16 : i32
          %dma_start3A_393 = tpu.memref_slice %arg2[%dma_start3A_392, %mul3A_383] : memref<64x1000000xf32, #tpu.memory_space<hbm>> -> memref<8x128xf32, #tpu.memory_space<hbm>>
          tpu.enqueue_dma source(%dma_start3A_393 : memref<8x128xf32, #tpu.memory_space<hbm>>) target(%dma_start3A_391 : memref<8x128xf32, #tpu.memory_space<vmem>>) target_semaphore(%arg9 : memref<!tpu.dma_semaphore, #tpu.memory_space<semaphore_mem>>)
          %mul3A_394 = arith.constant 128 : i32
          %mul3A_395 = arith.muli %add3A_357, %mul3A_394 : i32
          %dma_start3A_396 = arith.constant 24 : i32
          %dma_start3A_397 = arith.constant 0 : i32
          %dma_start3A_398 = tpu.memref_slice %arg5[%dma_start3A_396, %dma_start3A_397] : memref<64x128xf32, #tpu.memory_space<vmem>> -> memref<8x128xf32, #tpu.memory_space<vmem>>
          %dma_start3A_399 = arith.constant 24 : i32
          %dma_start3A_400 = tpu.memref_slice %arg2[%dma_start3A_399, %mul3A_395] : memref<64x1000000xf32, #tpu.memory_space<hbm>> -> memref<8x128xf32, #tpu.memory_space<hbm>>
          %dma_start3A_401 = arith.constant 24 : i32
          %dma_start3A_402 = arith.constant 0 : i32
          %dma_start3A_403 = tpu.memref_slice %arg5[%dma_start3A_401, %dma_start3A_402] : memref<64x128xf32, #tpu.memory_space<vmem>> -> memref<8x128xf32, #tpu.memory_space<vmem>>
          %dma_start3A_404 = arith.constant 24 : i32
          %dma_start3A_405 = tpu.memref_slice %arg2[%dma_start3A_404, %mul3A_395] : memref<64x1000000xf32, #tpu.memory_space<hbm>> -> memref<8x128xf32, #tpu.memory_space<hbm>>
          tpu.enqueue_dma source(%dma_start3A_405 : memref<8x128xf32, #tpu.memory_space<hbm>>) target(%dma_start3A_403 : memref<8x128xf32, #tpu.memory_space<vmem>>) target_semaphore(%arg9 : memref<!tpu.dma_semaphore, #tpu.memory_space<semaphore_mem>>)
          %mul3A_406 = arith.constant 128 : i32
          %mul3A_407 = arith.muli %add3A_357, %mul3A_406 : i32
          %dma_start3A_408 = arith.constant 32 : i32
          %dma_start3A_409 = arith.constant 0 : i32
          %dma_start3A_410 = tpu.memref_slice %arg5[%dma_start3A_408, %dma_start3A_409] : memref<64x128xf32, #tpu.memory_space<vmem>> -> memref<8x128xf32, #tpu.memory_space<vmem>>
          %dma_start3A_411 = arith.constant 32 : i32
          %dma_start3A_412 = tpu.memref_slice %arg2[%dma_start3A_411, %mul3A_407] : memref<64x1000000xf32, #tpu.memory_space<hbm>> -> memref<8x128xf32, #tpu.memory_space<hbm>>
          %dma_start3A_413 = arith.constant 32 : i32
          %dma_start3A_414 = arith.constant 0 : i32
          %dma_start3A_415 = tpu.memref_slice %arg5[%dma_start3A_413, %dma_start3A_414] : memref<64x128xf32, #tpu.memory_space<vmem>> -> memref<8x128xf32, #tpu.memory_space<vmem>>
          %dma_start3A_416 = arith.constant 32 : i32
          %dma_start3A_417 = tpu.memref_slice %arg2[%dma_start3A_416, %mul3A_407] : memref<64x1000000xf32, #tpu.memory_space<hbm>> -> memref<8x128xf32, #tpu.memory_space<hbm>>
          tpu.enqueue_dma source(%dma_start3A_417 : memref<8x128xf32, #tpu.memory_space<hbm>>) target(%dma_start3A_415 : memref<8x128xf32, #tpu.memory_space<vmem>>) target_semaphore(%arg9 : memref<!tpu.dma_semaphore, #tpu.memory_space<semaphore_mem>>)
          %mul3A_418 = arith.constant 128 : i32
          %mul3A_419 = arith.muli %add3A_357, %mul3A_418 : i32
          %dma_start3A_420 = arith.constant 40 : i32
          %dma_start3A_421 = arith.constant 0 : i32
          %dma_start3A_422 = tpu.memref_slice %arg5[%dma_start3A_420, %dma_start3A_421] : memref<64x128xf32, #tpu.memory_space<vmem>> -> memref<8x128xf32, #tpu.memory_space<vmem>>
          %dma_start3A_423 = arith.constant 40 : i32
          %dma_start3A_424 = tpu.memref_slice %arg2[%dma_start3A_423, %mul3A_419] : memref<64x1000000xf32, #tpu.memory_space<hbm>> -> memref<8x128xf32, #tpu.memory_space<hbm>>
          %dma_start3A_425 = arith.constant 40 : i32
          %dma_start3A_426 = arith.constant 0 : i32
          %dma_start3A_427 = tpu.memref_slice %arg5[%dma_start3A_425, %dma_start3A_426] : memref<64x128xf32, #tpu.memory_space<vmem>> -> memref<8x128xf32, #tpu.memory_space<vmem>>
          %dma_start3A_428 = arith.constant 40 : i32
          %dma_start3A_429 = tpu.memref_slice %arg2[%dma_start3A_428, %mul3A_419] : memref<64x1000000xf32, #tpu.memory_space<hbm>> -> memref<8x128xf32, #tpu.memory_space<hbm>>
          tpu.enqueue_dma source(%dma_start3A_429 : memref<8x128xf32, #tpu.memory_space<hbm>>) target(%dma_start3A_427 : memref<8x128xf32, #tpu.memory_space<vmem>>) target_semaphore(%arg9 : memref<!tpu.dma_semaphore, #tpu.memory_space<semaphore_mem>>)
          %mul3A_430 = arith.constant 128 : i32
          %mul3A_431 = arith.muli %add3A_357, %mul3A_430 : i32
          %dma_start3A_432 = arith.constant 48 : i32
          %dma_start3A_433 = arith.constant 0 : i32
          %dma_start3A_434 = tpu.memref_slice %arg5[%dma_start3A_432, %dma_start3A_433] : memref<64x128xf32, #tpu.memory_space<vmem>> -> memref<8x128xf32, #tpu.memory_space<vmem>>
          %dma_start3A_435 = arith.constant 48 : i32
          %dma_start3A_436 = tpu.memref_slice %arg2[%dma_start3A_435, %mul3A_431] : memref<64x1000000xf32, #tpu.memory_space<hbm>> -> memref<8x128xf32, #tpu.memory_space<hbm>>
          %dma_start3A_437 = arith.constant 48 : i32
          %dma_start3A_438 = arith.constant 0 : i32
          %dma_start3A_439 = tpu.memref_slice %arg5[%dma_start3A_437, %dma_start3A_438] : memref<64x128xf32, #tpu.memory_space<vmem>> -> memref<8x128xf32, #tpu.memory_space<vmem>>
          %dma_start3A_440 = arith.constant 48 : i32
          %dma_start3A_441 = tpu.memref_slice %arg2[%dma_start3A_440, %mul3A_431] : memref<64x1000000xf32, #tpu.memory_space<hbm>> -> memref<8x128xf32, #tpu.memory_space<hbm>>
          tpu.enqueue_dma source(%dma_start3A_441 : memref<8x128xf32, #tpu.memory_space<hbm>>) target(%dma_start3A_439 : memref<8x128xf32, #tpu.memory_space<vmem>>) target_semaphore(%arg9 : memref<!tpu.dma_semaphore, #tpu.memory_space<semaphore_mem>>)
          %mul3A_442 = arith.constant 128 : i32
          %mul3A_443 = arith.muli %add3A_357, %mul3A_442 : i32
          %dma_start3A_444 = arith.constant 56 : i32
          %dma_start3A_445 = arith.constant 0 : i32
          %dma_start3A_446 = tpu.memref_slice %arg5[%dma_start3A_444, %dma_start3A_445] : memref<64x128xf32, #tpu.memory_space<vmem>> -> memref<8x128xf32, #tpu.memory_space<vmem>>
          %dma_start3A_447 = arith.constant 56 : i32
          %dma_start3A_448 = tpu.memref_slice %arg2[%dma_start3A_447, %mul3A_443] : memref<64x1000000xf32, #tpu.memory_space<hbm>> -> memref<8x128xf32, #tpu.memory_space<hbm>>
          %dma_start3A_449 = arith.constant 56 : i32
          %dma_start3A_450 = arith.constant 0 : i32
          %dma_start3A_451 = tpu.memref_slice %arg5[%dma_start3A_449, %dma_start3A_450] : memref<64x128xf32, #tpu.memory_space<vmem>> -> memref<8x128xf32, #tpu.memory_space<vmem>>
          %dma_start3A_452 = arith.constant 56 : i32
          %dma_start3A_453 = tpu.memref_slice %arg2[%dma_start3A_452, %mul3A_443] : memref<64x1000000xf32, #tpu.memory_space<hbm>> -> memref<8x128xf32, #tpu.memory_space<hbm>>
          tpu.enqueue_dma source(%dma_start3A_453 : memref<8x128xf32, #tpu.memory_space<hbm>>) target(%dma_start3A_451 : memref<8x128xf32, #tpu.memory_space<vmem>>) target_semaphore(%arg9 : memref<!tpu.dma_semaphore, #tpu.memory_space<semaphore_mem>>)
        } else {
        }
        %ge3A_337 = arith.constant 2 : i32
        %ge3A_338 = arith.cmpi sge, %add3A_231, %ge3A_337 : i32
        %convert_element_type3A_339 = arith.extui %ge3A_338 : i1 to i32
        %cond3A_340 = arith.constant 0 : i32
        %cond3A_341 = arith.cmpi ne, %convert_element_type3A_339, %cond3A_340 : i32
        scf.if %cond3A_341 {
          %dma_wait3A_353 = arith.constant 0 : i32
          %dma_wait3A_354 = arith.constant 0 : i32
          %dma_wait3A_355 = tpu.memref_slice %arg4[%dma_wait3A_353, %dma_wait3A_354] : memref<1000000x128xf32, #tpu.memory_space<hbm>> -> memref<128x128xf32, #tpu.memory_space<hbm>>
          %dma_wait3A_356 = arith.constant 0 : i32
          %dma_wait3A_357 = arith.constant 0 : i32
          %dma_wait3A_358 = tpu.memref_slice %arg4[%dma_wait3A_356, %dma_wait3A_357] : memref<1000000x128xf32, #tpu.memory_space<hbm>> -> memref<128x128xf32, #tpu.memory_space<hbm>>
          tpu.wait_dma2 semaphore(%arg12 : memref<!tpu.dma_semaphore, #tpu.memory_space<semaphore_mem>>) src(%arg8 : memref<128x128xf32, #tpu.memory_space<vmem>>) dst(%dma_wait3A_358 : memref<128x128xf32, #tpu.memory_space<hbm>>)
        } else {
        }
        %parallel_loop3A = arith.constant 0 : i32
        %parallel_loop3A_342 = arith.constant 512 : i32
        %parallel_loop3A_343 = arith.constant 1 : i32
        scf.for %parallel_loop3A_353 = %parallel_loop3A to %parallel_loop3A_342 step %parallel_loop3A_343  : i32 {
          %parallel_loop3A_354 = arith.constant 2 : i32
          %parallel_loop3A_355 = arith.shrsi %parallel_loop3A_353, %parallel_loop3A_354 : i32
          %parallel_loop3A_356 = arith.constant 112 : i32
          %parallel_loop3A_357 = arith.andi %parallel_loop3A_355, %parallel_loop3A_356 : i32
          %parallel_loop3A_358 = vector.broadcast %parallel_loop3A_357 : i32 to vector<16xi32>
          %parallel_loop3A_359 = arith.addi %iota3A, %parallel_loop3A_358 : vector<16xi32>
          %parallel_loop3A_360 = arith.constant 15 : i32
          %parallel_loop3A_361 = arith.andi %parallel_loop3A_353, %parallel_loop3A_360 : i32
          %parallel_loop3A_362 = vector.broadcast %parallel_loop3A_361 : i32 to vector<16xi32>
          %parallel_loop3A_363 = arith.addi %iota3A, %parallel_loop3A_362 : vector<16xi32>
          %parallel_loop3A_364 = arith.constant 15 : i32
          %parallel_loop3A_365 = vector.broadcast %parallel_loop3A_364 : i32 to vector<16xi32>
          %parallel_loop3A_366 = arith.andi %parallel_loop3A_363, %parallel_loop3A_365 : vector<16xi32>
          %parallel_loop3A_367 = arith.constant 48 : i32
          %parallel_loop3A_368 = arith.andi %parallel_loop3A_353, %parallel_loop3A_367 : i32
          %parallel_loop3A_369 = vector.broadcast %parallel_loop3A_368 : i32 to vector<16xi32>
          %parallel_loop3A_370 = arith.ori %parallel_loop3A_366, %parallel_loop3A_369 : vector<16xi32>
          %parallel_loop3A_371 = tpu.vector_load_idx %arg6[%parallel_loop3A_370, %parallel_loop3A_359] : memref<64x128xf32, #tpu.memory_space<vmem>>[vector<16xi32>, vector<16xi32>], vector<16xf32>,
          tpu.vector_store_idx %arg8[%parallel_loop3A_359, %parallel_loop3A_370], %parallel_loop3A_371 : memref<128x128xf32, #tpu.memory_space<vmem>>[vector<16xi32>, vector<16xi32>], vector<16xf32>,
        } {sc.loop_unroll_factor = 8 : i64, sc.parallel_access}
        %mul3A_344 = arith.constant 32 : i32
        %mul3A_345 = arith.muli %add3A_231, %mul3A_344 : i32
        %add3A_346 = arith.addi %add3A, %mul3A_345 : i32
        %mul3A_347 = arith.constant 128 : i32
        %mul3A_348 = arith.muli %add3A_346, %mul3A_347 : i32
        %dma_start3A_349 = arith.constant 0 : i32
        %dma_start3A_350 = tpu.memref_slice %arg4[%mul3A_348, %dma_start3A_349] : memref<1000000x128xf32, #tpu.memory_space<hbm>> -> memref<128x128xf32, #tpu.memory_space<hbm>>
        %dma_start3A_351 = arith.constant 0 : i32
        %dma_start3A_352 = tpu.memref_slice %arg4[%mul3A_348, %dma_start3A_351] : memref<1000000x128xf32, #tpu.memory_space<hbm>> -> memref<128x128xf32, #tpu.memory_space<hbm>>
        tpu.enqueue_dma source(%arg8 : memref<128x128xf32, #tpu.memory_space<vmem>>) target(%dma_start3A_352 : memref<128x128xf32, #tpu.memory_space<hbm>>) target_semaphore(%arg12 : memref<!tpu.dma_semaphore, #tpu.memory_space<semaphore_mem>>)
      } else {
      }
    }
    %scan3A_125 = arith.constant 123 : i32
    %ge3A = arith.constant 1 : i32
    %ge3A_126 = arith.cmpi sge, %select_n3A, %ge3A : i32
    %sub3A_127 = arith.constant 1 : i32
    %sub3A_128 = arith.subi %select_n3A, %sub3A_127 : i32
    %jit3A_129 = arith.constant 2 : i32
    %eq3A_130 = arith.constant 0 : i32
    %eq3A_131 = arith.cmpi eq, %jit3A_129, %eq3A_130 : i32
    %jit3A_132 = arith.constant 1 : i32
    %select_n3A_133 = arith.select %eq3A_131, %jit3A_132, %jit3A_129 : i32
    %rem3A_134 = arith.remsi %sub3A_128, %select_n3A_133 : i32
    %ne3A_135 = arith.constant 0 : i32
    %ne3A_136 = arith.cmpi ne, %rem3A_134, %ne3A_135 : i32
    %lt3A = arith.constant 0 : i32
    %lt3A_137 = arith.cmpi slt, %rem3A_134, %lt3A : i32
    %lt3A_138 = arith.constant 0 : i32
    %lt3A_139 = arith.cmpi slt, %select_n3A_133, %lt3A_138 : i32
    %ne3A_140 = arith.xori %lt3A_137, %lt3A_139 : i1
    %and3A_141 = arith.andi %ne3A_140, %ne3A_136 : i1
    %add3A_142 = arith.addi %rem3A_134, %select_n3A_133 : i32
    %select_n3A_143 = arith.select %and3A_141, %add3A_142, %rem3A_134 : i32
    %eq3A_144 = arith.constant 0 : i32
    %eq3A_145 = arith.cmpi eq, %select_n3A_143, %eq3A_144 : i32
    %and3A_146 = arith.andi %ge3A_126, %eq3A_145 : i1
    %ge3A_147 = arith.constant 2 : i32
    %ge3A_148 = arith.cmpi sge, %select_n3A, %ge3A_147 : i32
    %jit3A_149 = arith.constant 2 : i32
    %eq3A_150 = arith.constant 0 : i32
    %eq3A_151 = arith.cmpi eq, %jit3A_149, %eq3A_150 : i32
    %jit3A_152 = arith.constant 1 : i32
    %select_n3A_153 = arith.select %eq3A_151, %jit3A_152, %jit3A_149 : i32
    %rem3A_154 = arith.remsi %select_n3A, %select_n3A_153 : i32
    %ne3A_155 = arith.constant 0 : i32
    %ne3A_156 = arith.cmpi ne, %rem3A_154, %ne3A_155 : i32
    %lt3A_157 = arith.constant 0 : i32
    %lt3A_158 = arith.cmpi slt, %rem3A_154, %lt3A_157 : i32
    %lt3A_159 = arith.constant 0 : i32
    %lt3A_160 = arith.cmpi slt, %select_n3A_153, %lt3A_159 : i32
    %ne3A_161 = arith.xori %lt3A_158, %lt3A_160 : i1
    %and3A_162 = arith.andi %ne3A_161, %ne3A_156 : i1
    %add3A_163 = arith.addi %rem3A_154, %select_n3A_153 : i32
    %select_n3A_164 = arith.select %and3A_162, %add3A_163, %rem3A_154 : i32
    %eq3A_165 = arith.constant 0 : i32
    %eq3A_166 = arith.cmpi eq, %select_n3A_164, %eq3A_165 : i32
    %and3A_167 = arith.andi %ge3A_148, %eq3A_166 : i1
    %or3A = arith.ori %and3A_146, %and3A_167 : i1
    %convert_element_type3A_168 = arith.extui %or3A : i1 to i32
    %cond3A_169 = arith.constant 0 : i32
    %cond3A_170 = arith.cmpi ne, %convert_element_type3A_168, %cond3A_169 : i32
    scf.if %cond3A_170 {
      %dma_wait3A = arith.constant 0 : i32
      %dma_wait3A_219 = arith.constant 0 : i32
      %dma_wait3A_220 = tpu.memref_slice %arg4[%dma_wait3A, %dma_wait3A_219] : memref<1000000x128xf32, #tpu.memory_space<hbm>> -> memref<128x128xf32, #tpu.memory_space<hbm>>
      %dma_wait3A_221 = arith.constant 0 : i32
      %dma_wait3A_222 = arith.constant 0 : i32
      %dma_wait3A_223 = tpu.memref_slice %arg4[%dma_wait3A_221, %dma_wait3A_222] : memref<1000000x128xf32, #tpu.memory_space<hbm>> -> memref<128x128xf32, #tpu.memory_space<hbm>>
      tpu.wait_dma2 semaphore(%arg11 : memref<!tpu.dma_semaphore, #tpu.memory_space<semaphore_mem>>) src(%arg7 : memref<128x128xf32, #tpu.memory_space<vmem>>) dst(%dma_wait3A_223 : memref<128x128xf32, #tpu.memory_space<hbm>>)
    } else {
    }
    %ge3A_171 = arith.constant 1 : i32
    %ge3A_172 = arith.cmpi sge, %select_n3A, %ge3A_171 : i32
    %sub3A_173 = arith.constant 1 : i32
    %sub3A_174 = arith.subi %select_n3A, %sub3A_173 : i32
    %jit3A_175 = arith.constant 2 : i32
    %eq3A_176 = arith.constant 0 : i32
    %eq3A_177 = arith.cmpi eq, %jit3A_175, %eq3A_176 : i32
    %jit3A_178 = arith.constant 1 : i32
    %select_n3A_179 = arith.select %eq3A_177, %jit3A_178, %jit3A_175 : i32
    %rem3A_180 = arith.remsi %sub3A_174, %select_n3A_179 : i32
    %ne3A_181 = arith.constant 0 : i32
    %ne3A_182 = arith.cmpi ne, %rem3A_180, %ne3A_181 : i32
    %lt3A_183 = arith.constant 0 : i32
    %lt3A_184 = arith.cmpi slt, %rem3A_180, %lt3A_183 : i32
    %lt3A_185 = arith.constant 0 : i32
    %lt3A_186 = arith.cmpi slt, %select_n3A_179, %lt3A_185 : i32
    %ne3A_187 = arith.xori %lt3A_184, %lt3A_186 : i1
    %and3A_188 = arith.andi %ne3A_187, %ne3A_182 : i1
    %add3A_189 = arith.addi %rem3A_180, %select_n3A_179 : i32
    %select_n3A_190 = arith.select %and3A_188, %add3A_189, %rem3A_180 : i32
    %eq3A_191 = arith.constant 1 : i32
    %eq3A_192 = arith.cmpi eq, %select_n3A_190, %eq3A_191 : i32
    %and3A_193 = arith.andi %ge3A_172, %eq3A_192 : i1
    %ge3A_194 = arith.constant 2 : i32
    %ge3A_195 = arith.cmpi sge, %select_n3A, %ge3A_194 : i32
    %jit3A_196 = arith.constant 2 : i32
    %eq3A_197 = arith.constant 0 : i32
    %eq3A_198 = arith.cmpi eq, %jit3A_196, %eq3A_197 : i32
    %jit3A_199 = arith.constant 1 : i32
    %select_n3A_200 = arith.select %eq3A_198, %jit3A_199, %jit3A_196 : i32
    %rem3A_201 = arith.remsi %select_n3A, %select_n3A_200 : i32
    %ne3A_202 = arith.constant 0 : i32
    %ne3A_203 = arith.cmpi ne, %rem3A_201, %ne3A_202 : i32
    %lt3A_204 = arith.constant 0 : i32
    %lt3A_205 = arith.cmpi slt, %rem3A_201, %lt3A_204 : i32
    %lt3A_206 = arith.constant 0 : i32
    %lt3A_207 = arith.cmpi slt, %select_n3A_200, %lt3A_206 : i32
    %ne3A_208 = arith.xori %lt3A_205, %lt3A_207 : i1
    %and3A_209 = arith.andi %ne3A_208, %ne3A_203 : i1
    %add3A_210 = arith.addi %rem3A_201, %select_n3A_200 : i32
    %select_n3A_211 = arith.select %and3A_209, %add3A_210, %rem3A_201 : i32
    %eq3A_212 = arith.constant 1 : i32
    %eq3A_213 = arith.cmpi eq, %select_n3A_211, %eq3A_212 : i32
    %and3A_214 = arith.andi %ge3A_195, %eq3A_213 : i1
    %or3A_215 = arith.ori %and3A_193, %and3A_214 : i1
    %convert_element_type3A_216 = arith.extui %or3A_215 : i1 to i32
    %cond3A_217 = arith.constant 0 : i32
    %cond3A_218 = arith.cmpi ne, %convert_element_type3A_216, %cond3A_217 : i32
    scf.if %cond3A_218 {
      %dma_wait3A = arith.constant 0 : i32
      %dma_wait3A_219 = arith.constant 0 : i32
      %dma_wait3A_220 = tpu.memref_slice %arg4[%dma_wait3A, %dma_wait3A_219] : memref<1000000x128xf32, #tpu.memory_space<hbm>> -> memref<128x128xf32, #tpu.memory_space<hbm>>
      %dma_wait3A_221 = arith.constant 0 : i32
      %dma_wait3A_222 = arith.constant 0 : i32
      %dma_wait3A_223 = tpu.memref_slice %arg4[%dma_wait3A_221, %dma_wait3A_222] : memref<1000000x128xf32, #tpu.memory_space<hbm>> -> memref<128x128xf32, #tpu.memory_space<hbm>>
      tpu.wait_dma2 semaphore(%arg12 : memref<!tpu.dma_semaphore, #tpu.memory_space<semaphore_mem>>) src(%arg8 : memref<128x128xf32, #tpu.memory_space<vmem>>) dst(%dma_wait3A_223 : memref<128x128xf32, #tpu.memory_space<hbm>>)
    } else {
    }
    return
  }
}

</mosaic_0001>

<sc_bundles>
// kernel: kernel.4.cloned.1.call-start
scs
__scs_entry_jumppad:
0x0: {  	(pc) =	sbr.rel $0x88, $3  }
0x1: {  	(tag) =	ssettag $0x0;
	lr =	simm.s32 $0x1  }
0x2: {  	[smem:$0x3F9F] =	sst lr;
	_ =	strace $0xD0000000  }
0x3: {  	_ = 	snop  }
0x4: {  	_ = 	snop  }
0x5: {  	_ = 	snop  }
0x6: {  	_ = 	snop  }
0x7: {  	_ = 	snop  }
__scs_overlays_trampoline_lowered:
0x8: {  	[smem:$0x3FAE] =	sst s0  }
0x9: {  	[smem:$0x3FAF] =	sst s1  }
0xa: {  	[smem:$0x3FB0] =	sst s2  }
0xb: {  	[smem:$0x3FB1] =	sst s3  }
0xc: {  	[smem:$0x3FB2] =	sst s4  }
0xd: {  	[smem:$0x3FB3] =	sst s5  }
0xe: {  	[smem:$0x3FB4] =	sst s6  }
0xf: {  	[smem:$0x3FB5] =	sst s7  }
0x10: {  	[smem:$0x3FB6] =	sst s8  }
0x11: {  	[smem:$0x3FB7] =	sst s9;
	s0 =	simm.s32 @!p0 $0x0  }
0x12: {  	s1 =	sld [smem:$0x3F9D];
	s0 =	simm.s32 @p0 $0x1  }
0x13: {  	[smem:$0x3FB8] =	sst s0;
	s0 =	simm.s32 @!p1 $0x0  }
0x14: {  	s2 =	sld [smem:$0x3F9C];
	s0 =	simm.s32 @p1 $0x1  }
0x15: {  	[smem:$0x3FB9] =	sst s0;
	s0 =	simm.s32 @!p2 $0x0  }
0x16: {  	s3 =	sld [smem:$0x3FDB];
	s0 =	simm.s32 @p2 $0x1  }
0x17: {  	s4 =	simm.s32 $0x1BF5;
	[smem:$0x3FBB] =	sst s0  }
0x18: {  	s0 =	sld [smem:$0x3F9E];
	_ =	swait.ge [sflag:s4], $0x0  }
0x19: {  	s7 =	sld [smem:$0x3F9F]  }
0x1a: {  	s8 =	sadd.s32 $0xFFFFE003, lr  }
0x1b: {  	s9 =	sadd.s32 $0xFFFFFEF7, lr;
	s5 =	simm.s32 $0xFFFFFFFF;
	p2 =	slt.u32 s8, $0xFFFFF086  }
0x1c: {  	p1 =	slt.u32 s9, $0xF7A;
	s5 =	simm.s32 @!p2 $0x0  }
0x1d: {  	s5 =	simm.s32 @p1 $0x1;
	p0 =	seq.s32 s7, s2  }
0x1e: {  	s7 =	smul.u32 @!p0 $0xF7A, s2;
	p2 =	seq.s32 @!p0 s5, $0x0  }
0x1f: {  	s9 =	smul.u32 $0xF7A, s1;
	s8 =	simm.s32 @!p0 $0x1BF5;
	p2 =	por !p2, p0  }
0x20: {  	[sflag:s8] =	ssyncset.s32 @!p0 $0xFFFFF086;
	s6 =	sadd.s32 @!p0 s3, s7;
	s7 =	simm.s32 @!p0 $0x108  }
0x21: {  	s3 =	sadd.s32 s3, s9;
	s6 =	sadd.s32 @!p0 $0x88, s6;
	s7 =	simm.s32 @p2 $0x1082  }
0x22: {  	[simem:s7], [sflag:s8] =	dma.local @!p0 [hbm:s6], $0xF7A  }
0x23: {  	s9 =	sor.u32 $0xD0000000, s2;
	s6 =	simm.s32 $0x108;
	_ =	swait.ge @!p0 [sflag:s8], $0x0  }
0x24: {  	s3 =	sadd.s32 $0x88, s3;
	s6 =	simm.s32 @!p1 $0x1082;
	[sflag:s4] =	ssyncset.s32 $0xFFFFF086  }
0x25: {  	[simem:s6], [sflag:s4] =	dma.local [hbm:s3], $0xF7A  }
0x26: {  	[smem:$0x3F9F] =	sst s1;
	(tag) =	ssettag s2;
	_ =	strace s9  }
0x27: {  	s1 =	sld [smem:$0x3FAF]  }
0x28: {  	s2 =	sld [smem:$0x3FB0]  }
0x29: {  	s4 =	sld [smem:$0x3FB2]  }
0x2a: {  	p0 =	seq.s32 s5, $0x0;
	s5 =	sld [smem:$0x3FB3]  }
0x2b: {  	s6 =	sld [smem:$0x3FB4]  }
0x2c: {  	s7 =	sld [smem:$0x3FB5]  }
0x2d: {  	s3 =	simm.s32 $0x108;
	s8 =	sld [smem:$0x3FB6]  }
0x2e: {  	s3 =	simm.s32 @!p0 $0x1082;
	s9 =	sld [smem:$0x3FB7]  }
0x2f: {  	lr =	sadd.s32 s0, s3;
	s0 =	sld [smem:$0x3FAE]  }
0x30: {  	s3 =	sld [smem:$0x3FB1]  }
0x31: {  	[smem:$0x3FBA] =	sst s10  }
0x32: {  	s10 =	sld [smem:$0x3FB8];
	_ =	sdelay $0x3  }
0x33: {  	p0 =	seq.s32 s10, $0x1;
	s10 =	sld [smem:$0x3FBA];
	_ =	sdelay $0x3  }
0x34: {  	[smem:$0x3FBA] =	sst s10  }
0x35: {  	s10 =	sld [smem:$0x3FB9];
	_ =	sdelay $0x3  }
0x36: {  	p1 =	seq.s32 s10, $0x1;
	s10 =	sld [smem:$0x3FBA];
	_ =	sdelay $0x3  }
0x37: {  	[smem:$0x3FBA] =	sst s10  }
0x38: {  	s10 =	sld [smem:$0x3FBB]  }
0x39: {  	_ = 	snop;
	(pc) =	sbr.ind lr, $3  }
0x3a: {  	_ = 	snop  }
0x3b: {  	_ = 	snop  }
0x3c: {  	p2 =	seq.s32 s10, $0x1;
	s10 =	sld [smem:$0x3FBA]  }
0x3d: {  	_ =	shalt  }
0x3e: {  	_ =	shalt  }
0x3f: {  	_ =	shalt  }
0x40: {  	_ =	shalt  }
0x41: {  	_ =	shalt  }
0x42: {  	_ =	shalt  }
0x43: {  	_ =	shalt  }
0x44: {  	_ =	shalt  }
0x45: {  	_ =	shalt  }
0x46: {  	_ =	shalt  }
0x47: {  	_ =	shalt  }
0x48: {  	_ =	shalt  }
0x49: {  	_ =	shalt  }
0x4a: {  	_ =	shalt  }
0x4b: {  	_ =	shalt  }
0x4c: {  	_ =	shalt  }
0x4d: {  	_ =	shalt  }
0x4e: {  	_ =	shalt  }
0x4f: {  	_ =	shalt  }
0x50: {  	_ =	shalt  }
0x51: {  	_ =	shalt  }
0x52: {  	_ =	shalt  }
0x53: {  	_ =	shalt  }
0x54: {  	_ =	shalt  }
0x55: {  	_ =	shalt  }
0x56: {  	_ =	shalt  }
0x57: {  	_ =	shalt  }
0x58: {  	_ =	shalt  }
0x59: {  	_ =	shalt  }
0x5a: {  	_ =	shalt  }
0x5b: {  	_ =	shalt  }
0x5c: {  	_ =	shalt  }
0x5d: {  	_ =	shalt  }
0x5e: {  	_ =	shalt  }
0x5f: {  	_ =	shalt  }
0x60: {  	_ =	shalt  }
0x61: {  	_ =	shalt  }
0x62: {  	_ =	shalt  }
0x63: {  	_ =	shalt  }
0x64: {  	_ =	shalt  }
0x65: {  	_ =	shalt  }
0x66: {  	_ =	shalt  }
0x67: {  	_ =	shalt  }
0x68: {  	_ =	shalt  }
0x69: {  	_ =	shalt  }
0x6a: {  	_ =	shalt  }
0x6b: {  	_ =	shalt  }
0x6c: {  	_ =	shalt  }
0x6d: {  	_ =	shalt  }
0x6e: {  	_ =	shalt  }
0x6f: {  	_ =	shalt  }
0x70: {  	_ =	shalt  }
0x71: {  	_ =	shalt  }
0x72: {  	_ =	shalt  }
0x73: {  	_ =	shalt  }
0x74: {  	_ =	shalt  }
0x75: {  	_ =	shalt  }
0x76: {  	_ =	shalt  }
0x77: {  	_ =	shalt  }
0x78: {  	_ =	shalt  }
0x79: {  	_ =	shalt  }
0x7a: {  	_ =	shalt  }
0x7b: {  	_ =	shalt  }
0x7c: {  	_ =	shalt  }
0x7d: {  	_ =	shalt  }
0x7e: {  	_ =	shalt  }
0x7f: {  	_ =	shalt  }
0x80: {  	_ =	shalt  }
0x81: {  	_ =	shalt  }
0x82: {  	_ =	shalt  }
0x83: {  	_ =	shalt  }
0x84: {  	_ =	shalt  }
0x85: {  	_ =	shalt  }
0x86: {  	_ =	shalt  }
0x87: {  	_ =	shalt  }
.Lfunc_end0:
.L_simem_size_0:
called_computation_lowered:
.L_overlay_start_0:
0x88: {  	s2 =	sld [smem:$0x3FD9]  }
0x89: {  	s3 =	sld [smem:$0x3FFE];
	_ =	sdelay $0x1  }
0x8a: {  	s1 =	srdreg.scid  }
0x8b: {  	s0 =	sand.u32 $0x1, s1  }
0x8c: {  	s17 =	sshll.u32 s0, $0xA;
	s2 =	sadd.s32 s3, s2  }
0x8d: {  	s2 =	sadd.s32 s2, s17  }
0x8e: {  	[smem:$0x3FC6] =	sst s2  }
0x8f: {  	_ = 	snop  }
0x90: {  	s2 =	sld [smem:$0x3FC8]  }
0x91: {  	s18 =	sld [smem:$0x3FD0];
	(tm) =	ssettm $0x1  }
0x92: {  	s4 =	sld [smem:$0x3FFB];
	_ =	sdelay $0x3  }
0x93: {  	_ =	strace s4  }
0x94: {  	s4 =	sld [smem:$0x3FFC];
	_ =	sdelay $0x3  }
0x95: {  	_ =	strace s4  }
0x96: {  	s4 =	sld [smem:$0x3FFD];
	_ =	sdelay $0x3  }
0x97: {  	_ =	strace s4  }
0x98: {  	_ =	strace $0x8FFFFFFF  }
0x99: {  	s19 =	sld [smem:$0x3FDB];
	_ =	sdelay $0x1  }
0x9a: {  	s5 =	simm.s32 $_scs_section_size  }
0x9b: {  	s6 =	simm.s32 $_size__tile_overlayer_lowered;
	s7 =	simm.s32 $_tile_overlayer_lowered  }
0x9c: {  	s22 =	simm.s32 $0x1BFF;
	s21 =	sshll.u32 s7, $0x1;
	s4 =	sadd.s32 s5, s19  }
0x9d: {  	s8 =	simm.s32 $0x0;
	s20 =	sshll.u32 s6, $0x1;
	s6 =	sadd.s32 s21, s4  }
0x9e: {  	[timem:s8], [sflag:s22] =	dma.local [hbm:s6], s20  }
0x9f: {  	_ =	swait.ge [sflag:s22], s20  }
0xa0: {  	s5 =	ssub.s32 $0x0, s20;
	[sflag:s22] =	ssyncset.done $0x0  }
0xa1: {  	[sflag:s22] =	ssyncadd.s32 s5;
	_ =	sdelay $0x1  }
0xa2: {  	s23 =	simm.s32 $0x1B8B  }
0xa3: {  	_ =	swait.ge [sflag:s23], $0x1  }
0xa4: {  	[sflag:s23] =	ssyncset.done $0x0  }
0xa5: {  	s25 =	simm.s32 $0x1B8E;
	s24 =	sld [smem:$0x3FFE];
	[sflag:s23] =	ssyncadd.s32 $0xFFFFFFFF  }
0xa6: {  	s26 =	simm.s32 $execute0_lowered;
	[smem:$0x3FD2] =	sst s25  }
0xa7: {  	s6 =	sshll.u32 s26, $0x1;
	_ =	strace $0x80000046;
	[dreg:$0x1] =	wrdreg $0xFFFFFFFF  }
0xa8: {  	s28 =	simm.s32 $_size_execute0_lowered;
	s4 =	sadd.s32 s4, s6;
	[dreg:$0x0] =	wrdreg $0x0  }
0xa9: {  	s6 =	sshll.u32 s28, $0x1;
	[dreg:$0x2] =	wrdreg s4  }
0xaa: {  	[dreg:$0x3] =	wrdreg s6  }
0xab: {  	[dreg:$0x4] =	wrdreg $0xC0  }
0xac: {  	_ =	task [dreg:s8], $0x5FFFF  }
0xad: {  	[dreg:$0x1] =	wrdreg $0xFFFFFFFF  }
0xae: {  	[dreg:$0x0] =	wrdreg $0x60  }
0xaf: {  	[dreg:$0x2] =	wrdreg s2  }
0xb0: {  	[dreg:$0x3] =	wrdreg s18  }
0xb1: {  	[dreg:$0x4] =	wrdreg s24  }
0xb2: {  	[dreg:$0x5] =	wrdreg $0x9  }
0xb3: {  	_ =	task.clear_ibuf [dreg:s8], $0x6FFFF;
	_ =	strace $0x90000046  }
0xb4: {  	s29 =	simm.s32 $0x9;
	_ =	strace $0x80000048  }
0xb5: {  	_ =	swait.ge [sflag:s29], $0x1  }
0xb6: {  	[sflag:s29] =	ssyncadd.s32 $0xFFFFFFFF  }
0xb7: {  	_ =	strace $0x90000048  }
0xb8: {  	_ =	sfence  }
0xb9: {  	s30 =	sld [smem:$0x0];
	_ =	sdelay $0x2  }
0xba: {  	s31 =	sshll.u32 s1, $0xD;
	s1 =	sshrl.u32 s1, $0x2  }
0xbb: {  	s3 =	sand.u32 $0x4000, s31;
	s1 =	sadd.s32 s1, s30  }
0xbc: {  	s0 =	sor.u32 s3, s0;
	s1 =	sshll.u32 s1, $0x11  }
0xbd: {  	s0 =	sor.u32 s1, s0  }
0xbe: {  	s0 =	sadd.s32 $0x8F2B, s0  }
0xbf: {  	[sflag:s0] =	ssyncadd.remote.s32 $0x1  }
0xc0: {  	_ =	sfence.sel $0xFFFF  }
0xc1: {  	[dreg:$0x0] =	wrdreg $0xFFFFFFFF;
	(pc) =	sbr.abs _section_cstart, $3  }
0xc2: {  	[dreg:$0x1] =	wrdreg $0xFFFFFFFF  }
0xc3: {  	_ =	task.clear_ibuf [dreg:s8], $0x2FFFF;
	_ =	strace $0x9FFFFFFF  }
0xc4: {  	(tm) =	ssettm $0x7FFFFFFF  }
0xc5: {  	_ =	shalt  }
tec
execute0_lowered:
.L_overlay_start_1:
0x0: {  	(tag) =	ssettag $0x1  }
0x1: {  	s1 =	rddreg [dreg:$0x0]  }
0x2: {  	s0 =	rddreg [dreg:$0x2]  }
0x3: {  	s2 =	srdreg.scid;
	s8 =	stileid.u32  }
0x4: {  	s4 =	simm.s32 $0x0;
	s28 =	simm.s32 $0x4000;
	s29 =	simm.s32 $0x2  }
0x5: {  	s30 =	simm.s32 $0x2000;
	s2 =	sand.u32 $0x1, s2;
	s3 =	sshll.u32 s8, $0x1  }
0x6: {  	s31 =	simm.s32 $0x8000;
	[smem:$0x7FF] =	sst s4;
	s3 =	sor.u32 s2, s3  }
0x7: {  	_ =	strace $0x80000047;
	s2 =	ssub.s32 $0x2, s2;
	s5 =	sshll.u32 s3, $0xB  }
0x8: {  	s6 =	sshrl.u32 s2, $0x1;
	s13 =	ssub.s32 $0x1EA2, s3;
	s25 =	sshll.u32 s3, $0x7  }
0x9: {  	s16 =	sadd.s32 s5, s0;
	s5 =	sshll.u32 s3, $0xA;
	s2 =	ssub.s32 s2, s6  }
0xa: {  	s6 =	sshrl.u32 s13, $0x5;
	s0 =	sadd.s32 $0xF42000, s0;
	s9 =	sadd.s32 s1, s25  }
0xb: {  	s14 =	sand.u32 $0x20, s13;
	s7 =	sshrl.u32 s5, $0x3;
	[dreg:$0x4] =	wrdreg s0  }
0xc: {  	s26 =	sand.u32 $0x1, s6;
	p1 =	seq.s32 s14, $0x0;
	s16 =	sadd.s32 $0x800, s16  }
0xd: {  	s17 =	smax.u32 s2, $0x1;
	s15 =	sadd.s32 s1, s7;
	p0 =	seq.s32 s26, $0x1  }
.Ltmp0:
0xe: {  	s7 =	sadd.s32 $0xF4280, s15;
	s10 =	sadd.s32 $0x1E8500, s15;
	(pc) =	sbr.rel .LBB2_1-.Ltmp0, $4  }
0xf: {  	s26 =	simm.s32 $0x1;
	s11 =	sadd.s32 $0x2DC780, s15;
	s12 =	sadd.s32 $0x3D0A00, s15  }
0x10: {  	s13 =	sadd.s32 $0x4C4C80, s15;
	p0 =	por p1, p0;
	p1 =	sne.s32 s3, $0x0  }
0x11: {  	s14 =	sadd.s32 $0x5B8F00, s15;
	s15 =	sadd.s32 $0x6AD180, s15;
	s0 =	sshll.u32 @!p1 s8, $0x6  }
0x12: {  	v0 =	vlaneseq.u32;
	[dreg:$0x5] =	wrdreg s7;
	s18 =	sor.u32 @!p1 $0x1C05, s0;
	s0 =	simm.s32 $0x0  }
.LBB2_12:
0x13: {  	s2 =	simm.s32 @p0 $0x3;
	s0 =	sadd.s32 $0x1, s0  }
0x14: {  	_ =	swait.ge @p0 [sflag:s2], $0x4000;
	p2 =	sne.s32 s0, s17  }
.Ltmp1:
0x15: {  	[sflag:s2] =	ssyncset.done @p0 $0x0;
	(pc) =	sbr.rel @!p2 .LBB2_13-.Ltmp1, $4  }
0x16: {  	[sflag:s2] =	ssyncadd.s32 @p0 $0xFFFFC000;
	s2 =	simm.s32 @p0 $0x4  }
0x17: {  	_ =	swait.ge @p0 [sflag:s2], $0x4000  }
0x18: {  	[sflag:s2] =	ssyncset.done @p0 $0x0  }
0x19: {  	[sflag:s2] =	ssyncadd.s32 @p0 $0xFFFFC000  }
.LBB2_1:
0x1a: {  	s2 =	rddreg [dreg:$0x1]  }
0x1b: {  	s3 =	rddreg [dreg:$0x4]  }
0x1c: {  	[hbm:s3], [sflag:s18] =	dma.local @!p1 [hbm:s2], $0xC00  }
0x1d: {  	s2 =	simm.s32 @!p1 $0x5  }
0x1e: {  	_ =	swait.ge @!p1 [sflag:s2], $0xC00  }
0x1f: {  	[sflag:s2] =	ssyncset.done @!p1 $0x0  }
0x20: {  	[sflag:s2] =	ssyncadd.s32 @!p1 $0xFFFFF400  }
0x21: {  	[tilespmem:s4], [sflag:$0x1] =	stream.linear.gather [hbm4b:s9+s4], $0x400, $0x38;
	[tilespmem:$0xC000] =	vst v63  }
0x22: {  	s19 =	simm.s32 $0x400;
	s8 =	rddreg [dreg:$0x5]  }
0x23: {  	[tilespmem:s19], [sflag:$0x1] =	stream.linear.gather [hbm4b:s8+s4], $0x400, $0x38;
	[tilespmem:$0xC000] =	vst v63  }
0x24: {  	s20 =	simm.s32 $0x800  }
0x25: {  	[tilespmem:s20], [sflag:$0x1] =	stream.linear.gather [hbm4b:s10+s4], $0x400, $0x38;
	[tilespmem:$0xC000] =	vst v63  }
0x26: {  	s21 =	simm.s32 $0xC00  }
0x27: {  	[tilespmem:s21], [sflag:$0x1] =	stream.linear.gather [hbm4b:s11+s4], $0x400, $0x38;
	[tilespmem:$0xC000] =	vst v63  }
0x28: {  	s22 =	simm.s32 $0x1000  }
0x29: {  	[tilespmem:s22], [sflag:$0x1] =	stream.linear.gather [hbm4b:s12+s4], $0x400, $0x38;
	[tilespmem:$0xC000] =	vst v63  }
0x2a: {  	s23 =	simm.s32 $0x1400  }
0x2b: {  	[tilespmem:s23], [sflag:$0x1] =	stream.linear.gather [hbm4b:s13+s4], $0x400, $0x38;
	[tilespmem:$0xC000] =	vst v63  }
.Ltmp2:
0x2c: {  	_ = 	snop;
	(pc) =	sbr.rel .LBB2_2-.Ltmp2, $4  }
0x2d: {  	s24 =	simm.s32 $0x1800  }
0x2e: {  	[tilespmem:s24], [sflag:$0x1] =	stream.linear.gather [hbm4b:s14+s4], $0x400, $0x38;
	[tilespmem:$0xC000] =	vst v63  }
0x2f: {  	s25 =	simm.s32 $0x1C00;
	s2 =	simm.s32 $0x0  }
0x30: {  	[tilespmem:s25], [sflag:$0x1] =	stream.linear.gather [hbm4b:s15+s4], $0x400, $0x38;
	[tilespmem:$0xC000] =	vst v63  }
.LBB2_10:
0x31: {  	_ =	sdelay $0x3  }
0x32: {  	v8 =	vor.u32 v4, v8;
	v17 =	vld.idx.msk [tilespmem:v17+s30+$0x0], $0xffff  }
0x33: {  	v7 =	vor.u32 v4, v7;
	v16 =	vld.idx.msk [tilespmem:v16+s30+$0x0], $0xffff  }
0x34: {  	v9 =	vor.u32 v4, v9;
	v13 =	vld.idx.msk [tilespmem:v13+s30+$0x0], $0xffff  }
0x35: {  	v6 =	vor.u32 v4, v6;
	v12 =	vld.idx.msk [tilespmem:v12+s30+$0x0], $0xffff  }
0x36: {  	v5 =	vor.u32 v4, v5;
	[tilespmem:v14+s31+$0x0] =	vst.idx.msk $0xffff, v15;
	v11 =	vld.idx.msk [tilespmem:v11+s30+$0x0], $0xffff  }
0x37: {  	v2 =	vor.u32 v4, v2;
	v10 =	vld.idx.msk [tilespmem:v10+s30+$0x0], $0xffff;
	[tilespmem:v8+s31+$0x0] =	vst.idx.msk $0xffff, v17  }
0x38: {  	v1 =	vor.u32 v1, v4;
	v3 =	vld.idx.msk [tilespmem:v3+s30+$0x0], $0xffff;
	[tilespmem:v7+s31+$0x0] =	vst.idx.msk $0xffff, v16  }
0x39: {  	[tilespmem:v9+s31+$0x0] =	vst.idx.msk $0xffff, v13  }
0x3a: {  	[tilespmem:v6+s31+$0x0] =	vst.idx.msk $0xffff, v12  }
0x3b: {  	[tilespmem:v5+s31+$0x0] =	vst.idx.msk $0xffff, v11  }
0x3c: {  	s3 =	sshll.u32 s3, $0x10;
	[tilespmem:v2+s31+$0x0] =	vst.idx.msk $0xffff, v10  }
0x3d: {  	s3 =	sadd.s32 s3, s16;
	[tilespmem:v1+s31+$0x0] =	vst.idx.msk $0xffff, v3  }
0x3e: {  	[hbm4b:s3+s4] =	stream.linear.scatter [tilespmem:s31], [sflag:$0x4], $0x4000, $0x38;
	[tilespmem:$0xC000] =	vst v63  }
.LBB2_11:
0x3f: {  	s2 =	sadd.s32 $0x1, s2  }
0x40: {  	p2 =	sne.s32 s2, $0x7B  }
.Ltmp3:
0x41: {  	_ = 	snop;
	(pc) =	sbr.rel @!p2 .LBB2_12-.Ltmp3, $1  }
0x42: {  	_ =	sdelay $0x3  }
.LBB2_2:
0x43: {  	s19 =	sshll.u32 s2, $0x1  }
0x44: {  	p2 =	slt.u32 s19, s6  }
.Ltmp4:
0x45: {  	_ = 	snop;
	(pc) =	sbr.rel @!p2 .LBB2_3-.Ltmp4, $1  }
0x46: {  	_ =	sdelay $0x3  }
0x47: {  	_ =	swait.ge [sflag:s26], $0x400  }
0x48: {  	[sflag:s26] =	ssyncset.done $0x0  }
0x49: {  	[sflag:s26] =	ssyncadd.s32 $0xFFFFFC00  }
0x4a: {  	_ =	swait.ge [sflag:s26], $0x400  }
0x4b: {  	[sflag:s26] =	ssyncset.done $0x0  }
0x4c: {  	[sflag:s26] =	ssyncadd.s32 $0xFFFFFC00  }
0x4d: {  	_ =	swait.ge [sflag:s26], $0x400  }
0x4e: {  	[sflag:s26] =	ssyncset.done $0x0  }
0x4f: {  	[sflag:s26] =	ssyncadd.s32 $0xFFFFFC00  }
0x50: {  	_ =	swait.ge [sflag:s26], $0x400  }
0x51: {  	[sflag:s26] =	ssyncset.done $0x0  }
0x52: {  	[sflag:s26] =	ssyncadd.s32 $0xFFFFFC00  }
0x53: {  	_ =	swait.ge [sflag:s26], $0x400  }
0x54: {  	[sflag:s26] =	ssyncset.done $0x0  }
0x55: {  	[sflag:s26] =	ssyncadd.s32 $0xFFFFFC00  }
0x56: {  	_ =	swait.ge [sflag:s26], $0x400  }
0x57: {  	[sflag:s26] =	ssyncset.done $0x0  }
0x58: {  	[sflag:s26] =	ssyncadd.s32 $0xFFFFFC00  }
0x59: {  	s3 =	sor.u32 $0x1, s19;
	_ =	swait.ge [sflag:s26], $0x400  }
0x5a: {  	p2 =	sge.u32 s3, s6;
	[sflag:s26] =	ssyncset.done $0x0  }
0x5b: {  	s20 =	sshll.u32 @!p2 s3, $0xF;
	[sflag:s26] =	ssyncadd.s32 $0xFFFFFC00  }
0x5c: {  	s20 =	sor.u32 @!p2 s5, s20;
	_ =	swait.ge [sflag:s26], $0x400  }
0x5d: {  	s23 =	simm.s32 @!p2 $0x0;
	s20 =	sshrl.u32 @!p2 s20, $0x3;
	[sflag:s26] =	ssyncset.done $0x0  }
0x5e: {  	s22 =	sadd.s32 @!p2 s1, s20;
	s20 =	simm.s32 @!p2 $0x2000;
	[sflag:s26] =	ssyncadd.s32 $0xFFFFFC00  }
0x5f: {  	[tilespmem:s20], [sflag:$0x2] =	stream.linear.gather @!p2 [hbm4b:s22+s23], $0x400, $0x38;
	[tilespmem:$0xC000] =	vst v63  }
0x60: {  	s21 =	simm.s32 @!p2 $0x2400;
	s20 =	sadd.s32 @!p2 $0xF4280, s22  }
0x61: {  	[tilespmem:s21], [sflag:$0x2] =	stream.linear.gather @!p2 [hbm4b:s20+s23], $0x400, $0x38;
	[tilespmem:$0xC000] =	vst v63  }
0x62: {  	s20 =	sadd.s32 @!p2 $0x1E8500, s22;
	s21 =	simm.s32 @!p2 $0x2800  }
0x63: {  	[tilespmem:s21], [sflag:$0x2] =	stream.linear.gather @!p2 [hbm4b:s20+s23], $0x400, $0x38;
	[tilespmem:$0xC000] =	vst v63  }
0x64: {  	s20 =	sadd.s32 @!p2 $0x2DC780, s22;
	s21 =	simm.s32 @!p2 $0x2C00  }
0x65: {  	[tilespmem:s21], [sflag:$0x2] =	stream.linear.gather @!p2 [hbm4b:s20+s23], $0x400, $0x38;
	[tilespmem:$0xC000] =	vst v63  }
0x66: {  	s20 =	sadd.s32 @!p2 $0x3D0A00, s22;
	s21 =	simm.s32 @!p2 $0x3000  }
0x67: {  	[tilespmem:s21], [sflag:$0x2] =	stream.linear.gather @!p2 [hbm4b:s20+s23], $0x400, $0x38;
	[tilespmem:$0xC000] =	vst v63  }
0x68: {  	s20 =	simm.s32 $0x0  }
0x69: {  	s24 =	sand.u32 $0x8, s20  }
0x6a: {  	s21 =	simm.s32 $0x0;
	s7 =	sor.u32 $0x2, s24  }
0x6b: {  	s25 =	sor.u32 $0x1, s24;
	s8 =	sor.u32 $0x7, s24;
	v3 =	vadd.s32 s7, v0;
	s7 =	sor.u32 $0x3, s24  }
0x6c: {  	v1 =	vadd.s32 s24, v0;
	v2 =	vadd.s32 s25, v0;
	s25 =	sor.u32 $0x4, s24;
	v4 =	vadd.s32 s8, v0;
	s8 =	sor.u32 $0x5, s24;
	s24 =	sor.u32 $0x6, s24  }
0x6d: {  	v6 =	vadd.s32 s25, v0;
	s25 =	sadd.s32 @!p2 $0x4C4C80, s22;
	v7 =	vadd.s32 s8, v0;
	s8 =	simm.s32 @!p2 $0x3400;
	v8 =	vadd.s32 s24, v0;
	s24 =	sand.u32 $0x70, s21  }
0x6e: {  	v1 =	vand.u32 $0xF, v1;
	v5 =	vadd.s32 s7, v0;
	[tilespmem:s8], [sflag:$0x2] =	stream.linear.gather @!p2 [hbm4b:s25+s23], $0x400, $0x38;
	[tilespmem:$0xC000] =	vst v63  }
0x6f: {  	s7 =	sand.u32 $0x30, s20;
	v4 =	vand.u32 $0xF, v4;
	v2 =	vand.u32 $0xF, v2;
	v18 =	vor.u32 s24, v0;
	s8 =	sadd.s32 @!p2 $0x5B8F00, s22;
	s24 =	simm.s32 @!p2 $0x3800  }
0x70: {  	v3 =	vand.u32 $0xF, v3;
	v10 =	vor.u32 s7, v4;
	v5 =	vand.u32 $0xF, v5;
	[tilespmem:s24], [sflag:$0x2] =	stream.linear.gather @!p2 [hbm4b:s8+s23], $0x400, $0x38;
	[tilespmem:$0xC000] =	vst v63  }
0x71: {  	v12 =	vand.u32 $0xF, v7;
	v13 =	vand.u32 $0xF, v8;
	v8 =	vor.u32 s7, v2;
	s8 =	sadd.s32 @!p2 $0x6AD180, s22;
	s22 =	simm.s32 @!p2 $0x3C00  }
0x72: {  	v7 =	vor.u32 s7, v3;
	v1 =	vor.u32 s7, v1;
	v4 =	vshll.u32 v10, $0x7;
	[tilespmem:s22], [sflag:$0x2] =	stream.linear.gather @!p2 [hbm4b:s8+s23], $0x400, $0x38;
	[tilespmem:$0xC000] =	vst v63  }
0x73: {  	v9 =	vor.u32 s7, v5;
	v11 =	vor.u32 v18, v4;
	v4 =	vand.u32 $0xF, v6;
	p2 =	seq.s32 s2, $0x0  }
0x74: {  	v5 =	vor.u32 s7, v12;
	v2 =	vor.u32 s7, v13;
	v6 =	vor.u32 s7, v4;
	s7 =	simm.s32 @!p2 $0x3  }
0x75: {  	_ =	swait.ge @!p2 [sflag:s7], $0x4000  }
0x76: {  	v3 =	vshll.u32 v8, $0x7;
	[sflag:s7] =	ssyncset.done @!p2 $0x0  }
0x77: {  	v12 =	vshll.u32 v7, $0x7;
	v4 =	vshll.u32 v18, $0x7;
	v15 =	vshll.u32 v6, $0x7;
	[sflag:s7] =	ssyncadd.s32 @!p2 $0xFFFFC000  }
0x78: {  	v16 =	vor.u32 v18, v12;
	v14 =	vor.u32 v4, v10;
	v12 =	vor.u32 v18, v15;
	v15 =	vld.idx.msk [tilespmem:v11+s4+$0x0], $0xffff  }
0x79: {  	v13 =	vshll.u32 v9, $0x7;
	v19 =	vshll.u32 v5, $0x7;
	v17 =	vor.u32 v18, v3  }
0x7a: {  	v20 =	vshll.u32 v2, $0x7;
	v13 =	vor.u32 v18, v13;
	v10 =	vshll.u32 v1, $0x7  }
0x7b: {  	v3 =	vor.u32 v18, v10;
	v10 =	vor.u32 v18, v20;
	v11 =	vor.u32 v18, v19  }
.LBB2_5:
0x7c: {  	s20 =	sadd.s32 $0x8, s20;
	v8 =	vor.u32 v4, v8;
	v18 =	vor.u32 v4, v7;
	v19 =	vor.u32 v4, v9  }
0x7d: {  	v20 =	vor.u32 v4, v6;
	v21 =	vor.u32 v4, v5;
	s7 =	sand.u32 $0x8, s20;
	p2 =	slt.u32 s20, $0x1F8;
	[tilespmem:v14+s28+$0x0] =	vst.idx.msk $0xffff, v15  }
0x7e: {  	v22 =	vor.u32 v1, v4;
	v5 =	vadd.s32 s7, v0;
	s8 =	sor.u32 $0x1, s7;
	s22 =	sor.u32 $0x2, s7;
	s23 =	sor.u32 $0x7, s7;
	v1 =	vld.idx.msk [tilespmem:v17+s4+$0x0], $0xffff;
	v17 =	vor.u32 v4, v2  }
0x7f: {  	s24 =	sor.u32 $0x5, s7;
	v2 =	vadd.s32 s8, v0;
	v4 =	vadd.s32 s22, v0;
	s8 =	sor.u32 $0x3, s7;
	s22 =	sor.u32 $0x4, s7;
	v6 =	vadd.s32 s23, v0;
	v9 =	vld.idx.msk [tilespmem:v16+s4+$0x0], $0xffff  }
0x80: {  	s21 =	sadd.s32 $0x2, s21;
	s23 =	sand.u32 $0x30, s20;
	s7 =	sor.u32 $0x6, s7;
	v7 =	vadd.s32 s8, v0;
	v14 =	vadd.s32 s22, v0;
	v6 =	vand.u32 $0xF, v6;
	v13 =	vld.idx.msk [tilespmem:v13+s4+$0x0], $0xffff  }
0x81: {  	v15 =	vadd.s32 s24, v0;
	s8 =	sand.u32 $0x70, s21;
	v16 =	vadd.s32 s7, v0;
	v23 =	vor.u32 s23, v6;
	v12 =	vld.idx.msk [tilespmem:v12+s4+$0x0], $0xffff  }
0x82: {  	v2 =	vand.u32 $0xF, v2;
	v24 =	vor.u32 s8, v0;
	v6 =	vshll.u32 v23, $0x7;
	v11 =	vld.idx.msk [tilespmem:v11+s4+$0x0], $0xffff  }
0x83: {  	v4 =	vand.u32 $0xF, v4;
	v25 =	vand.u32 $0xF, v7;
	v26 =	vor.u32 v24, v6;
	v10 =	vld.idx.msk [tilespmem:v10+s4+$0x0], $0xffff  }
0x84: {  	v6 =	vand.u32 $0xF, v14;
	v14 =	vand.u32 $0xF, v15;
	v15 =	vand.u32 $0xF, v16;
	v3 =	vld.idx.msk [tilespmem:v3+s4+$0x0], $0xffff;
	[tilespmem:v8+s28+$0x0] =	vst.idx.msk $0xffff, v1  }
0x85: {  	v7 =	vor.u32 s23, v4;
	v1 =	vand.u32 $0xF, v5;
	v8 =	vor.u32 s23, v2;
	[tilespmem:v18+s28+$0x0] =	vst.idx.msk $0xffff, v9  }
0x86: {  	v6 =	vor.u32 s23, v6;
	v5 =	vor.u32 s23, v14;
	v9 =	vor.u32 s23, v25;
	[tilespmem:v19+s28+$0x0] =	vst.idx.msk $0xffff, v13  }
0x87: {  	v2 =	vor.u32 s23, v15;
	v1 =	vor.u32 s23, v1;
	v13 =	vshll.u32 v8, $0x7;
	[tilespmem:v20+s28+$0x0] =	vst.idx.msk $0xffff, v12  }
.Ltmp5:
0x88: {  	v4 =	vshll.u32 v24, $0x7;
	v18 =	vshll.u32 v9, $0x7;
	v12 =	vshll.u32 v7, $0x7;
	v15 =	vld.idx.msk [tilespmem:v26+s4+$0x0], $0xffff;
	[tilespmem:v21+s28+$0x0] =	vst.idx.msk $0xffff, v11;
	(pc) =	sbr.rel @p2 .LBB2_5-.Ltmp5, $4  }
0x89: {  	v14 =	vor.u32 v4, v23;
	v19 =	vshll.u32 v5, $0x7;
	v11 =	vshll.u32 v6, $0x7;
	[tilespmem:v17+s28+$0x0] =	vst.idx.msk $0xffff, v10  }
0x8a: {  	v20 =	vshll.u32 v2, $0x7;
	v10 =	vshll.u32 v1, $0x7;
	v17 =	vor.u32 v24, v13;
	[tilespmem:v22+s28+$0x0] =	vst.idx.msk $0xffff, v3  }
0x8b: {  	v16 =	vor.u32 v24, v12;
	v13 =	vor.u32 v24, v18;
	v12 =	vor.u32 v24, v11  }
0x8c: {  	v11 =	vor.u32 v24, v19;
	v3 =	vor.u32 v24, v10;
	v10 =	vor.u32 v24, v20  }
0x8d: {  	_ =	sdelay $0x3  }
0x8e: {  	v8 =	vor.u32 v4, v8;
	v17 =	vld.idx.msk [tilespmem:v17+s4+$0x0], $0xffff  }
0x8f: {  	v7 =	vor.u32 v4, v7;
	v16 =	vld.idx.msk [tilespmem:v16+s4+$0x0], $0xffff  }
0x90: {  	v9 =	vor.u32 v4, v9;
	v13 =	vld.idx.msk [tilespmem:v13+s4+$0x0], $0xffff  }
0x91: {  	v6 =	vor.u32 v4, v6;
	v12 =	vld.idx.msk [tilespmem:v12+s4+$0x0], $0xffff  }
0x92: {  	v5 =	vor.u32 v4, v5;
	[tilespmem:v14+s28+$0x0] =	vst.idx.msk $0xffff, v15;
	v11 =	vld.idx.msk [tilespmem:v11+s4+$0x0], $0xffff  }
0x93: {  	v2 =	vor.u32 v4, v2;
	v10 =	vld.idx.msk [tilespmem:v10+s4+$0x0], $0xffff;
	[tilespmem:v8+s28+$0x0] =	vst.idx.msk $0xffff, v17  }
0x94: {  	v1 =	vor.u32 v1, v4;
	v3 =	vld.idx.msk [tilespmem:v3+s4+$0x0], $0xffff;
	[tilespmem:v7+s28+$0x0] =	vst.idx.msk $0xffff, v16  }
0x95: {  	[tilespmem:v9+s28+$0x0] =	vst.idx.msk $0xffff, v13  }
.Ltmp6:
0x96: {  	[tilespmem:v6+s28+$0x0] =	vst.idx.msk $0xffff, v12;
	(pc) =	sbr.rel .LBB2_7-.Ltmp6, $4  }
0x97: {  	[tilespmem:v5+s28+$0x0] =	vst.idx.msk $0xffff, v11  }
0x98: {  	s7 =	sshll.u32 s2, $0x11;
	[tilespmem:v2+s28+$0x0] =	vst.idx.msk $0xffff, v10  }
0x99: {  	s7 =	sadd.s32 s7, s16;
	[tilespmem:v1+s28+$0x0] =	vst.idx.msk $0xffff, v3  }
0x9a: {  	[hbm4b:s7+s4] =	stream.linear.scatter [tilespmem:s28], [sflag:$0x3], $0x4000, $0x38;
	[tilespmem:$0xC000] =	vst v63  }
.LBB2_3:
0x9b: {  	s3 =	sor.u32 $0x1, s19  }
.LBB2_7:
0x9c: {  	p2 =	sge.u32 s3, s6  }
.Ltmp7:
0x9d: {  	_ = 	snop;
	(pc) =	sbr.rel @p2 .LBB2_11-.Ltmp7, $1  }
0x9e: {  	_ =	sdelay $0x3  }
0x9f: {  	_ =	swait.ge [sflag:s29], $0x400  }
0xa0: {  	[sflag:s29] =	ssyncset.done $0x0  }
0xa1: {  	[sflag:s29] =	ssyncadd.s32 $0xFFFFFC00  }
0xa2: {  	_ =	swait.ge [sflag:s29], $0x400  }
0xa3: {  	[sflag:s29] =	ssyncset.done $0x0  }
0xa4: {  	[sflag:s29] =	ssyncadd.s32 $0xFFFFFC00  }
0xa5: {  	_ =	swait.ge [sflag:s29], $0x400  }
0xa6: {  	[sflag:s29] =	ssyncset.done $0x0  }
0xa7: {  	[sflag:s29] =	ssyncadd.s32 $0xFFFFFC00  }
0xa8: {  	_ =	swait.ge [sflag:s29], $0x400  }
0xa9: {  	[sflag:s29] =	ssyncset.done $0x0  }
0xaa: {  	[sflag:s29] =	ssyncadd.s32 $0xFFFFFC00  }
0xab: {  	_ =	swait.ge [sflag:s29], $0x400  }
0xac: {  	[sflag:s29] =	ssyncset.done $0x0  }
0xad: {  	[sflag:s29] =	ssyncadd.s32 $0xFFFFFC00  }
0xae: {  	_ =	swait.ge [sflag:s29], $0x400  }
0xaf: {  	[sflag:s29] =	ssyncset.done $0x0  }
0xb0: {  	[sflag:s29] =	ssyncadd.s32 $0xFFFFFC00  }
0xb1: {  	s7 =	sadd.s32 $0x2, s19;
	_ =	swait.ge [sflag:s29], $0x400  }
0xb2: {  	p2 =	sge.u32 s7, s6;
	[sflag:s29] =	ssyncset.done $0x0  }
0xb3: {  	s7 =	sshll.u32 @!p2 s7, $0xF;
	[sflag:s29] =	ssyncadd.s32 $0xFFFFFC00  }
0xb4: {  	s7 =	sor.u32 @!p2 s5, s7;
	_ =	swait.ge [sflag:s29], $0x400  }
0xb5: {  	s7 =	sshrl.u32 @!p2 s7, $0x3;
	[sflag:s29] =	ssyncset.done $0x0  }
0xb6: {  	s8 =	simm.s32 @!p2 $0x0;
	s7 =	sadd.s32 @!p2 s1, s7;
	[sflag:s29] =	ssyncadd.s32 $0xFFFFFC00  }
0xb7: {  	[tilespmem:s8], [sflag:$0x1] =	stream.linear.gather @!p2 [hbm4b:s7+s8], $0x400, $0x38;
	[tilespmem:$0xC000] =	vst v63  }
0xb8: {  	s20 =	simm.s32 @!p2 $0x400;
	s19 =	sadd.s32 @!p2 $0xF4280, s7  }
0xb9: {  	[tilespmem:s20], [sflag:$0x1] =	stream.linear.gather @!p2 [hbm4b:s19+s8], $0x400, $0x38;
	[tilespmem:$0xC000] =	vst v63  }
0xba: {  	s19 =	sadd.s32 @!p2 $0x1E8500, s7;
	s20 =	simm.s32 @!p2 $0x800  }
0xbb: {  	[tilespmem:s20], [sflag:$0x1] =	stream.linear.gather @!p2 [hbm4b:s19+s8], $0x400, $0x38;
	[tilespmem:$0xC000] =	vst v63  }
0xbc: {  	s19 =	sadd.s32 @!p2 $0x2DC780, s7;
	s20 =	simm.s32 @!p2 $0xC00  }
0xbd: {  	[tilespmem:s20], [sflag:$0x1] =	stream.linear.gather @!p2 [hbm4b:s19+s8], $0x400, $0x38;
	[tilespmem:$0xC000] =	vst v63  }
0xbe: {  	s19 =	sadd.s32 @!p2 $0x3D0A00, s7;
	s20 =	simm.s32 @!p2 $0x1000  }
0xbf: {  	[tilespmem:s20], [sflag:$0x1] =	stream.linear.gather @!p2 [hbm4b:s19+s8], $0x400, $0x38;
	[tilespmem:$0xC000] =	vst v63  }
0xc0: {  	s19 =	simm.s32 $0x0  }
0xc1: {  	s21 =	sand.u32 $0x8, s19  }
0xc2: {  	s20 =	simm.s32 $0x0;
	s22 =	sor.u32 $0x1, s21  }
0xc3: {  	s23 =	sor.u32 $0x2, s21;
	s24 =	sor.u32 $0x7, s21;
	s25 =	sor.u32 $0x5, s21  }
0xc4: {  	v1 =	vadd.s32 s21, v0;
	v2 =	vadd.s32 s22, v0;
	v3 =	vadd.s32 s23, v0;
	s22 =	sor.u32 $0x3, s21;
	s23 =	sor.u32 $0x4, s21;
	s21 =	sor.u32 $0x6, s21  }
0xc5: {  	v4 =	vadd.s32 s24, v0;
	v7 =	vadd.s32 s25, v0;
	s24 =	simm.s32 @!p2 $0x1400;
	s25 =	sand.u32 $0x70, s20;
	v6 =	vadd.s32 s23, v0;
	s23 =	sadd.s32 @!p2 $0x4C4C80, s7  }
0xc6: {  	[tilespmem:s24], [sflag:$0x1] =	stream.linear.gather @!p2 [hbm4b:s23+s8], $0x400, $0x38;
	[tilespmem:$0xC000] =	vst v63  }
0xc7: {  	v5 =	vadd.s32 s22, v0;
	s22 =	sand.u32 $0x30, s19;
	v8 =	vadd.s32 s21, v0;
	s21 =	sadd.s32 @!p2 $0x5B8F00, s7;
	s23 =	simm.s32 @!p2 $0x1800  }
0xc8: {  	v1 =	vand.u32 $0xF, v1;
	v4 =	vand.u32 $0xF, v4;
	[tilespmem:s23], [sflag:$0x1] =	stream.linear.gather @!p2 [hbm4b:s21+s8], $0x400, $0x38;
	[tilespmem:$0xC000] =	vst v63  }
0xc9: {  	v18 =	vor.u32 s25, v0;
	v2 =	vand.u32 $0xF, v2;
	s7 =	sadd.s32 @!p2 $0x6AD180, s7;
	v10 =	vor.u32 s22, v4;
	s21 =	simm.s32 @!p2 $0x1C00  }
0xca: {  	v3 =	vand.u32 $0xF, v3;
	v12 =	vand.u32 $0xF, v7;
	v4 =	vshll.u32 v10, $0x7;
	[tilespmem:s21], [sflag:$0x1] =	stream.linear.gather @!p2 [hbm4b:s7+s8], $0x400, $0x38;
	[tilespmem:$0xC000] =	vst v63  }
0xcb: {  	v5 =	vand.u32 $0xF, v5;
	v13 =	vand.u32 $0xF, v8;
	v11 =	vor.u32 v18, v4;
	p2 =	seq.s32 s2, $0x0  }
0xcc: {  	v8 =	vor.u32 s22, v2;
	v7 =	vor.u32 s22, v3;
	v1 =	vor.u32 s22, v1;
	s7 =	simm.s32 @!p2 $0x4  }
0xcd: {  	v9 =	vor.u32 s22, v5;
	v5 =	vor.u32 s22, v12;
	v4 =	vand.u32 $0xF, v6;
	_ =	swait.ge @!p2 [sflag:s7], $0x4000  }
0xce: {  	v3 =	vshll.u32 v8, $0x7;
	v2 =	vor.u32 s22, v13;
	v6 =	vor.u32 s22, v4;
	[sflag:s7] =	ssyncset.done @!p2 $0x0  }
0xcf: {  	v12 =	vshll.u32 v7, $0x7;
	v4 =	vshll.u32 v18, $0x7;
	v15 =	vshll.u32 v6, $0x7;
	[sflag:s7] =	ssyncadd.s32 @!p2 $0xFFFFC000  }
0xd0: {  	v16 =	vor.u32 v18, v12;
	v14 =	vor.u32 v4, v10;
	v12 =	vor.u32 v18, v15;
	v15 =	vld.idx.msk [tilespmem:v11+s30+$0x0], $0xffff  }
0xd1: {  	v13 =	vshll.u32 v9, $0x7;
	v19 =	vshll.u32 v5, $0x7;
	v17 =	vor.u32 v18, v3  }
0xd2: {  	v20 =	vshll.u32 v2, $0x7;
	v13 =	vor.u32 v18, v13;
	v10 =	vshll.u32 v1, $0x7  }
0xd3: {  	v3 =	vor.u32 v18, v10;
	v10 =	vor.u32 v18, v20;
	v11 =	vor.u32 v18, v19  }
.LBB2_9:
0xd4: {  	s19 =	sadd.s32 $0x8, s19;
	v8 =	vor.u32 v4, v8;
	v18 =	vor.u32 v4, v7;
	v19 =	vor.u32 v4, v9  }
0xd5: {  	v20 =	vor.u32 v4, v6;
	v21 =	vor.u32 v4, v5;
	s7 =	sand.u32 $0x8, s19;
	p2 =	slt.u32 s19, $0x1F8;
	[tilespmem:v14+s31+$0x0] =	vst.idx.msk $0xffff, v15  }
0xd6: {  	v22 =	vor.u32 v1, v4;
	v5 =	vadd.s32 s7, v0;
	s8 =	sor.u32 $0x1, s7;
	s21 =	sor.u32 $0x2, s7;
	s22 =	sor.u32 $0x7, s7;
	v1 =	vld.idx.msk [tilespmem:v17+s30+$0x0], $0xffff;
	v17 =	vor.u32 v4, v2  }
0xd7: {  	s23 =	sor.u32 $0x5, s7;
	v2 =	vadd.s32 s8, v0;
	v4 =	vadd.s32 s21, v0;
	s8 =	sor.u32 $0x3, s7;
	s21 =	sor.u32 $0x4, s7;
	v6 =	vadd.s32 s22, v0;
	v9 =	vld.idx.msk [tilespmem:v16+s30+$0x0], $0xffff  }
0xd8: {  	s20 =	sadd.s32 $0x2, s20;
	s22 =	sand.u32 $0x30, s19;
	s7 =	sor.u32 $0x6, s7;
	v7 =	vadd.s32 s8, v0;
	v14 =	vadd.s32 s21, v0;
	v6 =	vand.u32 $0xF, v6;
	v13 =	vld.idx.msk [tilespmem:v13+s30+$0x0], $0xffff  }
0xd9: {  	v15 =	vadd.s32 s23, v0;
	s8 =	sand.u32 $0x70, s20;
	v16 =	vadd.s32 s7, v0;
	v23 =	vor.u32 s22, v6;
	v12 =	vld.idx.msk [tilespmem:v12+s30+$0x0], $0xffff  }
0xda: {  	v2 =	vand.u32 $0xF, v2;
	v24 =	vor.u32 s8, v0;
	v6 =	vshll.u32 v23, $0x7;
	v11 =	vld.idx.msk [tilespmem:v11+s30+$0x0], $0xffff  }
0xdb: {  	v4 =	vand.u32 $0xF, v4;
	v25 =	vand.u32 $0xF, v7;
	v26 =	vor.u32 v24, v6;
	v10 =	vld.idx.msk [tilespmem:v10+s30+$0x0], $0xffff  }
0xdc: {  	v6 =	vand.u32 $0xF, v14;
	v14 =	vand.u32 $0xF, v15;
	v15 =	vand.u32 $0xF, v16;
	v3 =	vld.idx.msk [tilespmem:v3+s30+$0x0], $0xffff;
	[tilespmem:v8+s31+$0x0] =	vst.idx.msk $0xffff, v1  }
0xdd: {  	v7 =	vor.u32 s22, v4;
	v1 =	vand.u32 $0xF, v5;
	v8 =	vor.u32 s22, v2;
	[tilespmem:v18+s31+$0x0] =	vst.idx.msk $0xffff, v9  }
0xde: {  	v6 =	vor.u32 s22, v6;
	v5 =	vor.u32 s22, v14;
	v9 =	vor.u32 s22, v25;
	[tilespmem:v19+s31+$0x0] =	vst.idx.msk $0xffff, v13  }
0xdf: {  	v2 =	vor.u32 s22, v15;
	v1 =	vor.u32 s22, v1;
	v13 =	vshll.u32 v8, $0x7;
	[tilespmem:v20+s31+$0x0] =	vst.idx.msk $0xffff, v12  }
.Ltmp8:
0xe0: {  	v4 =	vshll.u32 v24, $0x7;
	v18 =	vshll.u32 v9, $0x7;
	v12 =	vshll.u32 v7, $0x7;
	v15 =	vld.idx.msk [tilespmem:v26+s30+$0x0], $0xffff;
	[tilespmem:v21+s31+$0x0] =	vst.idx.msk $0xffff, v11;
	(pc) =	sbr.rel @p2 .LBB2_9-.Ltmp8, $4  }
0xe1: {  	v14 =	vor.u32 v4, v23;
	v19 =	vshll.u32 v5, $0x7;
	v11 =	vshll.u32 v6, $0x7;
	[tilespmem:v17+s31+$0x0] =	vst.idx.msk $0xffff, v10  }
0xe2: {  	v20 =	vshll.u32 v2, $0x7;
	v10 =	vshll.u32 v1, $0x7;
	v17 =	vor.u32 v24, v13;
	[tilespmem:v22+s31+$0x0] =	vst.idx.msk $0xffff, v3  }
0xe3: {  	v16 =	vor.u32 v24, v12;
	v13 =	vor.u32 v24, v18;
	v12 =	vor.u32 v24, v11  }
0xe4: {  	v11 =	vor.u32 v24, v19;
	v3 =	vor.u32 v24, v10;
	v10 =	vor.u32 v24, v20  }
.Ltmp9:
0xe5: {  	_ = 	snop;
	(pc) =	sbr.rel .LBB2_10-.Ltmp9, $1  }
0xe6: {  	_ =	sdelay $0x3  }
.LBB2_13:
0xe7: {  	_ =	sfence.sel $0x180000  }
0xe8: {  	[bflag:$0x0] =	sbarrier.arrive $0xFFFF  }
0xe9: {  	_ =	strace $0x90000047  }
0xea: {  	s0 =	stileid.u32;
	[bflag:$0x2] =	sbarrier.arrive $0xFFFF  }
0xeb: {  	p0 =	sne.s32 s0, $0x0;
	s0 =	rddreg [dreg:$0x3]  }
0xec: {  	s0 =	sadd.s32 @!p0 $0x100000, s0  }
0xed: {  	[sflag:s0] =	ssyncadd.tile.s32 @!p0 $0x1;
	_ =	shalt  }
.Lfunc_end2:
_tile_overlayer_lowered:
.L_overlay_start_2:
0xee: {  	(tag) =	ssettag $0x2  }
0xef: {  	s0 =	rddreg [dreg:$0x0];
	s2 =	stileid.u32  }
0xf0: {  	s1 =	rddreg [dreg:$0x1];
	p0 =	sne.s32 s2, $0x0  }
0xf1: {  	s3 =	rddreg [dreg:$0x2];
	[bflag:$0x3] =	sbarrier.arrive $0xFFFF;
	s2 =	simm.s32 @!p0 $0x1C05  }
0xf2: {  	[timem:s3], [sflag:s2] =	dma.local @!p0 [hbm:s0], s1  }
0xf3: {  	s0 =	simm.s32 @!p0 $0x5  }
0xf4: {  	_ =	swait.ge @!p0 [sflag:s0], s1  }
0xf5: {  	s1 =	ssub.s32 @!p0 $0x0, s1;
	[sflag:s0] =	ssyncset.done @!p0 $0x0  }
0xf6: {  	[sflag:s0] =	ssyncadd.s32 @!p0 s1  }
0xf7: {  	[bflag:$0x3] =	sbarrier.arrive $0xFFFF  }
0xf8: {  	_ =	shalt  }

// kernel: kernel.7.cloned.1.call-start
scs
__scs_entry_jumppad:
0x0: {  	(pc) =	sbr.rel $0x88, $3  }
0x1: {  	(tag) =	ssettag $0x0;
	lr =	simm.s32 $0x1  }
0x2: {  	[smem:$0x3F9F] =	sst lr;
	_ =	strace $0xD0000000  }
0x3: {  	_ = 	snop  }
0x4: {  	_ = 	snop  }
0x5: {  	_ = 	snop  }
0x6: {  	_ = 	snop  }
0x7: {  	_ = 	snop  }
__scs_overlays_trampoline_lowered:
0x8: {  	[smem:$0x3FAE] =	sst s0  }
0x9: {  	[smem:$0x3FAF] =	sst s1  }
0xa: {  	[smem:$0x3FB0] =	sst s2  }
0xb: {  	[smem:$0x3FB1] =	sst s3  }
0xc: {  	[smem:$0x3FB2] =	sst s4  }
0xd: {  	[smem:$0x3FB3] =	sst s5  }
0xe: {  	[smem:$0x3FB4] =	sst s6  }
0xf: {  	[smem:$0x3FB5] =	sst s7  }
0x10: {  	[smem:$0x3FB6] =	sst s8  }
0x11: {  	[smem:$0x3FB7] =	sst s9;
	s0 =	simm.s32 @!p0 $0x0  }
0x12: {  	s1 =	sld [smem:$0x3F9D];
	s0 =	simm.s32 @p0 $0x1  }
0x13: {  	[smem:$0x3FB8] =	sst s0;
	s0 =	simm.s32 @!p1 $0x0  }
0x14: {  	s2 =	sld [smem:$0x3F9C];
	s0 =	simm.s32 @p1 $0x1  }
0x15: {  	[smem:$0x3FB9] =	sst s0;
	s0 =	simm.s32 @!p2 $0x0  }
0x16: {  	s3 =	sld [smem:$0x3FDB];
	s0 =	simm.s32 @p2 $0x1  }
0x17: {  	s4 =	simm.s32 $0x1BF5;
	[smem:$0x3FBB] =	sst s0  }
0x18: {  	s0 =	sld [smem:$0x3F9E];
	_ =	swait.ge [sflag:s4], $0x0  }
0x19: {  	s7 =	sld [smem:$0x3F9F]  }
0x1a: {  	s8 =	sadd.s32 $0xFFFFE003, lr  }
0x1b: {  	s9 =	sadd.s32 $0xFFFFFEF7, lr;
	s5 =	simm.s32 $0xFFFFFFFF;
	p2 =	slt.u32 s8, $0xFFFFF086  }
0x1c: {  	p1 =	slt.u32 s9, $0xF7A;
	s5 =	simm.s32 @!p2 $0x0  }
0x1d: {  	s5 =	simm.s32 @p1 $0x1;
	p0 =	seq.s32 s7, s2  }
0x1e: {  	s7 =	smul.u32 @!p0 $0xF7A, s2;
	p2 =	seq.s32 @!p0 s5, $0x0  }
0x1f: {  	s9 =	smul.u32 $0xF7A, s1;
	s8 =	simm.s32 @!p0 $0x1BF5;
	p2 =	por !p2, p0  }
0x20: {  	[sflag:s8] =	ssyncset.s32 @!p0 $0xFFFFF086;
	s6 =	sadd.s32 @!p0 s3, s7;
	s7 =	simm.s32 @!p0 $0x108  }
0x21: {  	s3 =	sadd.s32 s3, s9;
	s6 =	sadd.s32 @!p0 $0x88, s6;
	s7 =	simm.s32 @p2 $0x1082  }
0x22: {  	[simem:s7], [sflag:s8] =	dma.local @!p0 [hbm:s6], $0xF7A  }
0x23: {  	s9 =	sor.u32 $0xD0000000, s2;
	s6 =	simm.s32 $0x108;
	_ =	swait.ge @!p0 [sflag:s8], $0x0  }
0x24: {  	s3 =	sadd.s32 $0x88, s3;
	s6 =	simm.s32 @!p1 $0x1082;
	[sflag:s4] =	ssyncset.s32 $0xFFFFF086  }
0x25: {  	[simem:s6], [sflag:s4] =	dma.local [hbm:s3], $0xF7A  }
0x26: {  	[smem:$0x3F9F] =	sst s1;
	(tag) =	ssettag s2;
	_ =	strace s9  }
0x27: {  	s1 =	sld [smem:$0x3FAF]  }
0x28: {  	s2 =	sld [smem:$0x3FB0]  }
0x29: {  	s4 =	sld [smem:$0x3FB2]  }
0x2a: {  	p0 =	seq.s32 s5, $0x0;
	s5 =	sld [smem:$0x3FB3]  }
0x2b: {  	s6 =	sld [smem:$0x3FB4]  }
0x2c: {  	s7 =	sld [smem:$0x3FB5]  }
0x2d: {  	s3 =	simm.s32 $0x108;
	s8 =	sld [smem:$0x3FB6]  }
0x2e: {  	s3 =	simm.s32 @!p0 $0x1082;
	s9 =	sld [smem:$0x3FB7]  }
0x2f: {  	lr =	sadd.s32 s0, s3;
	s0 =	sld [smem:$0x3FAE]  }
0x30: {  	s3 =	sld [smem:$0x3FB1]  }
0x31: {  	[smem:$0x3FBA] =	sst s10  }
0x32: {  	s10 =	sld [smem:$0x3FB8];
	_ =	sdelay $0x3  }
0x33: {  	p0 =	seq.s32 s10, $0x1;
	s10 =	sld [smem:$0x3FBA];
	_ =	sdelay $0x3  }
0x34: {  	[smem:$0x3FBA] =	sst s10  }
0x35: {  	s10 =	sld [smem:$0x3FB9];
	_ =	sdelay $0x3  }
0x36: {  	p1 =	seq.s32 s10, $0x1;
	s10 =	sld [smem:$0x3FBA];
	_ =	sdelay $0x3  }
0x37: {  	[smem:$0x3FBA] =	sst s10  }
0x38: {  	s10 =	sld [smem:$0x3FBB]  }
0x39: {  	_ = 	snop;
	(pc) =	sbr.ind lr, $3  }
0x3a: {  	_ = 	snop  }
0x3b: {  	_ = 	snop  }
0x3c: {  	p2 =	seq.s32 s10, $0x1;
	s10 =	sld [smem:$0x3FBA]  }
0x3d: {  	_ =	shalt  }
0x3e: {  	_ =	shalt  }
0x3f: {  	_ =	shalt  }
0x40: {  	_ =	shalt  }
0x41: {  	_ =	shalt  }
0x42: {  	_ =	shalt  }
0x43: {  	_ =	shalt  }
0x44: {  	_ =	shalt  }
0x45: {  	_ =	shalt  }
0x46: {  	_ =	shalt  }
0x47: {  	_ =	shalt  }
0x48: {  	_ =	shalt  }
0x49: {  	_ =	shalt  }
0x4a: {  	_ =	shalt  }
0x4b: {  	_ =	shalt  }
0x4c: {  	_ =	shalt  }
0x4d: {  	_ =	shalt  }
0x4e: {  	_ =	shalt  }
0x4f: {  	_ =	shalt  }
0x50: {  	_ =	shalt  }
0x51: {  	_ =	shalt  }
0x52: {  	_ =	shalt  }
0x53: {  	_ =	shalt  }
0x54: {  	_ =	shalt  }
0x55: {  	_ =	shalt  }
0x56: {  	_ =	shalt  }
0x57: {  	_ =	shalt  }
0x58: {  	_ =	shalt  }
0x59: {  	_ =	shalt  }
0x5a: {  	_ =	shalt  }
0x5b: {  	_ =	shalt  }
0x5c: {  	_ =	shalt  }
0x5d: {  	_ =	shalt  }
0x5e: {  	_ =	shalt  }
0x5f: {  	_ =	shalt  }
0x60: {  	_ =	shalt  }
0x61: {  	_ =	shalt  }
0x62: {  	_ =	shalt  }
0x63: {  	_ =	shalt  }
0x64: {  	_ =	shalt  }
0x65: {  	_ =	shalt  }
0x66: {  	_ =	shalt  }
0x67: {  	_ =	shalt  }
0x68: {  	_ =	shalt  }
0x69: {  	_ =	shalt  }
0x6a: {  	_ =	shalt  }
0x6b: {  	_ =	shalt  }
0x6c: {  	_ =	shalt  }
0x6d: {  	_ =	shalt  }
0x6e: {  	_ =	shalt  }
0x6f: {  	_ =	shalt  }
0x70: {  	_ =	shalt  }
0x71: {  	_ =	shalt  }
0x72: {  	_ =	shalt  }
0x73: {  	_ =	shalt  }
0x74: {  	_ =	shalt  }
0x75: {  	_ =	shalt  }
0x76: {  	_ =	shalt  }
0x77: {  	_ =	shalt  }
0x78: {  	_ =	shalt  }
0x79: {  	_ =	shalt  }
0x7a: {  	_ =	shalt  }
0x7b: {  	_ =	shalt  }
0x7c: {  	_ =	shalt  }
0x7d: {  	_ =	shalt  }
0x7e: {  	_ =	shalt  }
0x7f: {  	_ =	shalt  }
0x80: {  	_ =	shalt  }
0x81: {  	_ =	shalt  }
0x82: {  	_ =	shalt  }
0x83: {  	_ =	shalt  }
0x84: {  	_ =	shalt  }
0x85: {  	_ =	shalt  }
0x86: {  	_ =	shalt  }
0x87: {  	_ =	shalt  }
.Lfunc_end0:
.L_simem_size_0:
called_computation.1_lowered:
.L_overlay_start_0:
0x88: {  	s2 =	sld [smem:$0x3FD9]  }
0x89: {  	s3 =	sld [smem:$0x3FFE];
	_ =	sdelay $0x1  }
0x8a: {  	s1 =	srdreg.scid  }
0x8b: {  	s0 =	sand.u32 $0x1, s1  }
0x8c: {  	s17 =	sshll.u32 s0, $0xA;
	s2 =	sadd.s32 s3, s2  }
0x8d: {  	s2 =	sadd.s32 s2, s17  }
0x8e: {  	[smem:$0x3FC6] =	sst s2  }
0x8f: {  	_ = 	snop  }
0x90: {  	s2 =	sld [smem:$0x3FC9]  }
0x91: {  	s18 =	sld [smem:$0x3FD0];
	(tm) =	ssettm $0x1  }
0x92: {  	s4 =	sld [smem:$0x3FFB];
	_ =	sdelay $0x3  }
0x93: {  	_ =	strace s4  }
0x94: {  	s4 =	sld [smem:$0x3FFC];
	_ =	sdelay $0x3  }
0x95: {  	_ =	strace s4  }
0x96: {  	s4 =	sld [smem:$0x3FFD];
	_ =	sdelay $0x3  }
0x97: {  	_ =	strace s4  }
0x98: {  	_ =	strace $0x8FFFFFFF  }
0x99: {  	s19 =	sld [smem:$0x3FDB];
	_ =	sdelay $0x1  }
0x9a: {  	s5 =	simm.s32 $_scs_section_size  }
0x9b: {  	s6 =	simm.s32 $_size__tile_overlayer_lowered;
	s7 =	simm.s32 $_tile_overlayer_lowered  }
0x9c: {  	s22 =	simm.s32 $0x1BFF;
	s21 =	sshll.u32 s7, $0x1;
	s4 =	sadd.s32 s5, s19  }
0x9d: {  	s8 =	simm.s32 $0x0;
	s20 =	sshll.u32 s6, $0x1;
	s6 =	sadd.s32 s21, s4  }
0x9e: {  	[timem:s8], [sflag:s22] =	dma.local [hbm:s6], s20  }
0x9f: {  	_ =	swait.ge [sflag:s22], s20  }
0xa0: {  	s5 =	ssub.s32 $0x0, s20;
	[sflag:s22] =	ssyncset.done $0x0  }
0xa1: {  	[sflag:s22] =	ssyncadd.s32 s5;
	_ =	sdelay $0x1  }
0xa2: {  	s23 =	simm.s32 $0x1B8B  }
0xa3: {  	_ =	swait.ge [sflag:s23], $0x1  }
0xa4: {  	[sflag:s23] =	ssyncset.done $0x0  }
0xa5: {  	s25 =	simm.s32 $0x1B8E;
	s24 =	sld [smem:$0x3FFE];
	[sflag:s23] =	ssyncadd.s32 $0xFFFFFFFF  }
0xa6: {  	s26 =	simm.s32 $execute0_lowered;
	[smem:$0x3FD2] =	sst s25  }
0xa7: {  	s6 =	sshll.u32 s26, $0x1;
	_ =	strace $0x80000049;
	[dreg:$0x1] =	wrdreg $0xFFFFFFFF  }
0xa8: {  	s28 =	simm.s32 $_size_execute0_lowered;
	s4 =	sadd.s32 s4, s6;
	[dreg:$0x0] =	wrdreg $0x0  }
0xa9: {  	s6 =	sshll.u32 s28, $0x1;
	[dreg:$0x2] =	wrdreg s4  }
0xaa: {  	[dreg:$0x3] =	wrdreg s6  }
0xab: {  	[dreg:$0x4] =	wrdreg $0xC0  }
0xac: {  	_ =	task [dreg:s8], $0x5FFFF  }
0xad: {  	[dreg:$0x1] =	wrdreg $0xFFFFFFFF  }
0xae: {  	[dreg:$0x0] =	wrdreg $0x60  }
0xaf: {  	[dreg:$0x2] =	wrdreg s2  }
0xb0: {  	[dreg:$0x3] =	wrdreg s24  }
0xb1: {  	[dreg:$0x4] =	wrdreg s18  }
0xb2: {  	[dreg:$0x5] =	wrdreg $0x9  }
0xb3: {  	_ =	task.clear_ibuf [dreg:s8], $0x6FFFF;
	_ =	strace $0x90000049  }
0xb4: {  	s29 =	simm.s32 $0x9;
	_ =	strace $0x8000004B  }
0xb5: {  	_ =	swait.ge [sflag:s29], $0x1  }
0xb6: {  	[sflag:s29] =	ssyncadd.s32 $0xFFFFFFFF  }
0xb7: {  	_ =	strace $0x9000004B  }
0xb8: {  	_ =	sfence  }
0xb9: {  	s30 =	sld [smem:$0x0];
	_ =	sdelay $0x2  }
0xba: {  	s31 =	sshll.u32 s1, $0xD;
	s1 =	sshrl.u32 s1, $0x2  }
0xbb: {  	s3 =	sand.u32 $0x4000, s31;
	s1 =	sadd.s32 s1, s30  }
0xbc: {  	s0 =	sor.u32 s3, s0;
	s1 =	sshll.u32 s1, $0x11  }
0xbd: {  	s0 =	sor.u32 s1, s0  }
0xbe: {  	s0 =	sadd.s32 $0x8F2B, s0  }
0xbf: {  	[sflag:s0] =	ssyncadd.remote.s32 $0x1  }
0xc0: {  	_ =	sfence.sel $0xFFFF  }
0xc1: {  	[dreg:$0x0] =	wrdreg $0xFFFFFFFF;
	(pc) =	sbr.abs _section_cstart, $3  }
0xc2: {  	[dreg:$0x1] =	wrdreg $0xFFFFFFFF  }
0xc3: {  	_ =	task.clear_ibuf [dreg:s8], $0x2FFFF;
	_ =	strace $0x9FFFFFFF  }
0xc4: {  	(tm) =	ssettm $0x7FFFFFFF  }
0xc5: {  	_ =	shalt  }
tec
execute0_lowered:
.L_overlay_start_1:
0x0: {  	(tag) =	ssettag $0x1  }
0x1: {  	s0 =	rddreg [dreg:$0x0]  }
0x2: {  	s1 =	rddreg [dreg:$0x1]  }
0x3: {  	s2 =	rddreg [dreg:$0x2];
	s4 =	srdreg.scid  }
0x4: {  	s5 =	stileid.u32;
	s3 =	simm.s32 $0x0;
	s18 =	simm.s32 $0x80  }
0x5: {  	s19 =	simm.s32 $0x6400;
	s20 =	simm.s32 $0x1;
	s21 =	simm.s32 $0xA400  }
0x6: {  	s22 =	simm.s32 $0xE400;
	s31 =	simm.s32 $0x2;
	s14 =	simm.s32 $0x11800  }
0x7: {  	s17 =	simm.s32 $0x11C00;
	s23 =	simm.s32 $0x12000;
	s24 =	simm.s32 $0x4  }
0x8: {  	s4 =	sand.u32 $0x1, s4;
	s5 =	sshll.u32 s5, $0x1;
	[smem:$0x7FF] =	sst s3  }
0x9: {  	s9 =	sadd.s32 $0x3000, s2;
	s10 =	sadd.s32 $0x4000, s2;
	s11 =	sadd.s32 $0x5000, s2  }
0xa: {  	s12 =	sadd.s32 $0x6000, s2;
	s13 =	sadd.s32 $0x7000, s2;
	s6 =	ssub.s32 $0x2, s4  }
0xb: {  	s5 =	sor.u32 s4, s5;
	_ =	strace $0x8000004A;
	s7 =	sshrl.u32 s6, $0x1  }
0xc: {  	s4 =	sadd.s32 $0x800, s1;
	s8 =	sshll.u32 s5, $0x7;
	s29 =	ssub.s32 s6, s7  }
0xd: {  	s0 =	sadd.s32 s0, s8;
	s6 =	sshll.u32 s5, $0xA;
	s7 =	sadd.s32 $0x1000, s2  }
0xe: {  	s8 =	sadd.s32 $0x2000, s2;
	[dreg:$0x4] =	wrdreg s0;
	s30 =	smax.u32 s29, $0x1  }
0xf: {  	v0 =	vlaneseq.u32;
	s5 =	simm.s32 $0x0;
	s0 =	simm.s32 $0x10400;
	[dreg:$0x5] =	wrdreg s30  }
.LBB2_1:
0x10: {  	[dreg:$0x6] =	wrdreg s5  }
0x11: {  	s1 =	rddreg [dreg:$0x4]  }
0x12: {  	s29 =	simm.s32 $0x400;
	s15 =	simm.s32 $0x8000;
	s30 =	simm.s32 $0x5  }
0x13: {  	[tilespmem:s3], [sflag:$0x5] =	stream.strided.gather [hbm4b:s1+s29], $0x6400, s15, s29, $0x38;
	[tilespmem:$0x12400] =	vst v63  }
0x14: {  	_ =	swait.ge [sflag:s30], $0x6400  }
0x15: {  	[sflag:s30] =	ssyncset.done $0x0  }
0x16: {  	s25 =	simm.s32 $0x0;
	[sflag:s30] =	ssyncadd.s32 $0xFFFF9C00  }
0x17: {  	[tilespmem:s19], [sflag:$0x1] =	stream.indirect.gather [hbm4b:s4+s18], $0x80, s3, s18, $0xb8;
	[tilespmem:$0x12400] =	vst v63  }
.LBB2_2:
0x18: {  	_ =	swait.ge [sflag:s20], $0x4000;
	s26 =	sshllo.u32 s25, $0x1  }
0x19: {  	p0 =	seq.s32 s25, $0x0;
	[sflag:s20] =	ssyncset.done $0x0;
	s28 =	sshll.u32 s26, $0x7  }
0x1a: {  	s30 =	simm.s32 @!p0 $0x3;
	[sflag:s20] =	ssyncadd.s32 $0xFFFFC000;
	s28 =	sand.u32 $0x3FFFFF80, s28  }
0x1b: {  	[tilespmem:s21], [sflag:$0x2] =	stream.indirect.gather [hbm4b:s4+s18], $0x80, s28, s18, $0xb8;
	[tilespmem:$0x12400] =	vst v63  }
0x1c: {  	_ =	swait.ge @!p0 [sflag:s30], $0x400  }
0x1d: {  	[sflag:s30] =	ssyncset.done @!p0 $0x0  }
0x1e: {  	[sflag:s30] =	ssyncadd.s32 @!p0 $0xFFFFFC00  }
0x1f: {  	_ =	swait.ge @!p0 [sflag:s30], $0x400  }
0x20: {  	[sflag:s30] =	ssyncset.done @!p0 $0x0  }
0x21: {  	[sflag:s30] =	ssyncadd.s32 @!p0 $0xFFFFFC00  }
0x22: {  	_ =	swait.ge @!p0 [sflag:s30], $0x400  }
0x23: {  	[sflag:s30] =	ssyncset.done @!p0 $0x0  }
0x24: {  	[sflag:s30] =	ssyncadd.s32 @!p0 $0xFFFFFC00  }
0x25: {  	_ =	swait.ge @!p0 [sflag:s30], $0x400  }
0x26: {  	s28 =	simm.s32 $0x0;
	[sflag:s30] =	ssyncset.done @!p0 $0x0  }
0x27: {  	s29 =	simm.s32 $0x0;
	s1 =	sand.u32 $0x8, s28;
	[sflag:s30] =	ssyncadd.s32 @!p0 $0xFFFFFC00  }
0x28: {  	s5 =	sand.u32 $0x70, s29;
	v1 =	vadd.s32 s1, v0;
	s15 =	sor.u32 $0x1, s1;
	_ =	swait.ge @!p0 [sflag:s30], $0x400  }
0x29: {  	s16 =	sor.u32 $0x7, s1;
	v2 =	vand.u32 $0xF, v1;
	v3 =	vadd.s32 s15, v0;
	s15 =	sor.u32 $0x2, s1;
	[sflag:s30] =	ssyncset.done @!p0 $0x0  }
0x2a: {  	v4 =	vadd.s32 s16, v0;
	s16 =	sor.u32 $0x3, s1;
	v1 =	vor.u32 s5, v0;
	v5 =	vadd.s32 s15, v0;
	[sflag:s30] =	ssyncadd.s32 @!p0 $0xFFFFFC00  }
0x2b: {  	s5 =	sand.u32 $0x30, s28;
	v4 =	vand.u32 $0xF, v4;
	v6 =	vadd.s32 s16, v0;
	v10 =	vshll.u32 v1, $0x7;
	_ =	swait.ge @!p0 [sflag:s30], $0x400  }
0x2c: {  	s15 =	sor.u32 $0x4, s1;
	s16 =	sor.u32 $0x5, s1;
	v3 =	vand.u32 $0xF, v3;
	v19 =	vor.u32 s5, v2;
	v4 =	vor.u32 s5, v4;
	[sflag:s30] =	ssyncset.done @!p0 $0x0  }
0x2d: {  	s1 =	sor.u32 $0x6, s1;
	v7 =	vadd.s32 s15, v0;
	v8 =	vadd.s32 s16, v0;
	v5 =	vand.u32 $0xF, v5;
	[sflag:s30] =	ssyncadd.s32 @!p0 $0xFFFFFC00  }
0x2e: {  	v9 =	vadd.s32 s1, v0;
	v6 =	vand.u32 $0xF, v6;
	v12 =	vor.u32 s5, v3;
	_ =	swait.ge @!p0 [sflag:s30], $0x400  }
0x2f: {  	v11 =	vor.u32 v10, v4;
	v7 =	vand.u32 $0xF, v7;
	v8 =	vand.u32 $0xF, v8;
	[sflag:s30] =	ssyncset.done @!p0 $0x0  }
0x30: {  	v13 =	vor.u32 s5, v5;
	v3 =	vand.u32 $0xF, v9;
	v14 =	vor.u32 s5, v6;
	[sflag:s30] =	ssyncadd.s32 @!p0 $0xFFFFFC00  }
0x31: {  	v2 =	vshll.u32 v4, $0x7;
	v9 =	vor.u32 v10, v12;
	v16 =	vor.u32 s5, v7;
	_ =	swait.ge @!p0 [sflag:s30], $0x400  }
0x32: {  	v18 =	vor.u32 s5, v8;
	v20 =	vor.u32 s5, v3;
	v7 =	vor.u32 v10, v13;
	[sflag:s30] =	ssyncset.done @!p0 $0x0  }
0x33: {  	v8 =	vor.u32 v1, v2;
	v6 =	vor.u32 v10, v14;
	v2 =	vor.u32 v19, v10;
	[sflag:s30] =	ssyncadd.s32 @!p0 $0xFFFFFC00  }
0x34: {  	v5 =	vor.u32 v10, v16;
	v3 =	vor.u32 v10, v18;
	v4 =	vor.u32 v10, v20;
	v10 =	vld.idx.msk [tilespmem:v11+s19+$0x0], $0xffff;
	_ =	sdelay $0x1  }
0x35: {  	v15 =	vshll.u32 v12, $0x7  }
0x36: {  	v17 =	vshll.u32 v13, $0x7;
	v14 =	vshll.u32 v14, $0x7;
	v13 =	vshll.u32 v16, $0x7  }
0x37: {  	v16 =	vshll.u32 v18, $0x7;
	v12 =	vshll.u32 v20, $0x7;
	v11 =	vshll.u32 v19, $0x7  }
.LBB2_3:
0x38: {  	s28 =	sadd.s32 $0x8, s28;
	v9 =	vld.idx.msk [tilespmem:v9+s19+$0x0], $0xffff;
	v15 =	vor.u32 v1, v15;
	v17 =	vor.u32 v1, v17;
	[tilespmem:v8+s22+$0x0] =	vst.idx.msk $0xffff, v10  }
0x39: {  	v8 =	vor.u32 v1, v14;
	v10 =	vor.u32 v1, v13;
	v13 =	vor.u32 v1, v16;
	s1 =	sand.u32 $0x8, s28;
	p0 =	slt.u32 s28, $0x1F8;
	v7 =	vld.idx.msk [tilespmem:v7+s19+$0x0], $0xffff  }
0x3a: {  	v11 =	vor.u32 v1, v11;
	v12 =	vor.u32 v1, v12;
	s29 =	sadd.s32 $0x2, s29;
	v14 =	vadd.s32 s1, v0;
	s5 =	sor.u32 $0x1, s1;
	s15 =	sor.u32 $0x7, s1;
	v6 =	vld.idx.msk [tilespmem:v6+s19+$0x0], $0xffff  }
0x3b: {  	s16 =	sand.u32 $0x70, s29;
	s30 =	sor.u32 $0x3, s1;
	v14 =	vand.u32 $0xF, v14;
	v16 =	vadd.s32 s5, v0;
	s5 =	sor.u32 $0x2, s1;
	v18 =	vadd.s32 s15, v0;
	v5 =	vld.idx.msk [tilespmem:v5+s19+$0x0], $0xffff  }
0x3c: {  	v1 =	vor.u32 s16, v0;
	s16 =	sor.u32 $0x5, s1;
	s15 =	sand.u32 $0x30, s28;
	v19 =	vadd.s32 s5, v0;
	s5 =	sor.u32 $0x4, s1;
	v18 =	vand.u32 $0xF, v18;
	v3 =	vld.idx.msk [tilespmem:v3+s19+$0x0], $0xffff  }
0x3d: {  	v20 =	vshll.u32 v1, $0x7;
	v21 =	vadd.s32 s30, v0;
	s1 =	sor.u32 $0x6, s1;
	v18 =	vor.u32 s15, v18;
	v4 =	vld.idx.msk [tilespmem:v4+s19+$0x0], $0xffff  }
0x3e: {  	v23 =	vadd.s32 s16, v0;
	v22 =	vadd.s32 s5, v0;
	v24 =	vor.u32 v20, v18;
	v25 =	vld.idx.msk [tilespmem:v2+s19+$0x0], $0xffff;
	[tilespmem:v15+s22+$0x0] =	vst.idx.msk $0xffff, v9  }
0x3f: {  	v2 =	vand.u32 $0xF, v16;
	v9 =	vand.u32 $0xF, v19;
	v15 =	vadd.s32 s1, v0;
	[tilespmem:v17+s22+$0x0] =	vst.idx.msk $0xffff, v7  }
0x40: {  	v16 =	vand.u32 $0xF, v22;
	v7 =	vand.u32 $0xF, v21;
	v17 =	vand.u32 $0xF, v23;
	[tilespmem:v8+s22+$0x0] =	vst.idx.msk $0xffff, v6  }
0x41: {  	v19 =	vor.u32 s15, v2;
	v21 =	vor.u32 s15, v9;
	v2 =	vand.u32 $0xF, v15;
	[tilespmem:v10+s22+$0x0] =	vst.idx.msk $0xffff, v5  }
0x42: {  	v16 =	vor.u32 s15, v16;
	v22 =	vor.u32 s15, v7;
	v23 =	vor.u32 s15, v17;
	[tilespmem:v13+s22+$0x0] =	vst.idx.msk $0xffff, v3  }
0x43: {  	v26 =	vor.u32 s15, v14;
	v27 =	vor.u32 s15, v2;
	v2 =	vshll.u32 v18, $0x7;
	v10 =	vld.idx.msk [tilespmem:v24+s19+$0x0], $0xffff;
	[tilespmem:v12+s22+$0x0] =	vst.idx.msk $0xffff, v4  }
.Ltmp0:
0x44: {  	v9 =	vor.u32 v20, v19;
	v7 =	vor.u32 v20, v21;
	v8 =	vor.u32 v1, v2;
	(pc) =	sbr.rel @p0 .LBB2_3-.Ltmp0, $4  }
0x45: {  	v6 =	vor.u32 v20, v22;
	v5 =	vor.u32 v20, v16;
	v3 =	vor.u32 v20, v23  }
0x46: {  	v15 =	vshll.u32 v19, $0x7;
	v2 =	vor.u32 v26, v20;
	v4 =	vor.u32 v20, v27;
	[tilespmem:v11+s22+$0x0] =	vst.idx.msk $0xffff, v25  }
0x47: {  	v17 =	vshll.u32 v21, $0x7;
	v14 =	vshll.u32 v22, $0x7;
	v13 =	vshll.u32 v16, $0x7  }
0x48: {  	v16 =	vshll.u32 v23, $0x7;
	v12 =	vshll.u32 v27, $0x7;
	v11 =	vshll.u32 v26, $0x7  }
0x49: {  	_ =	sdelay $0x3  }
0x4a: {  	v9 =	vld.idx.msk [tilespmem:v9+s19+$0x0], $0xffff;
	v15 =	vor.u32 v1, v15  }
0x4b: {  	v17 =	vor.u32 v1, v17;
	v7 =	vld.idx.msk [tilespmem:v7+s19+$0x0], $0xffff  }
0x4c: {  	v14 =	vor.u32 v1, v14;
	v6 =	vld.idx.msk [tilespmem:v6+s19+$0x0], $0xffff  }
0x4d: {  	v13 =	vor.u32 v1, v13;
	v5 =	vld.idx.msk [tilespmem:v5+s19+$0x0], $0xffff  }
0x4e: {  	[tilespmem:v8+s22+$0x0] =	vst.idx.msk $0xffff, v10;
	v8 =	vor.u32 v1, v16;
	v3 =	vld.idx.msk [tilespmem:v3+s19+$0x0], $0xffff  }
0x4f: {  	v10 =	vor.u32 v1, v12;
	v4 =	vld.idx.msk [tilespmem:v4+s19+$0x0], $0xffff;
	[tilespmem:v15+s22+$0x0] =	vst.idx.msk $0xffff, v9  }
0x50: {  	v1 =	vor.u32 v1, v11;
	v2 =	vld.idx.msk [tilespmem:v2+s19+$0x0], $0xffff;
	[tilespmem:v17+s22+$0x0] =	vst.idx.msk $0xffff, v7  }
0x51: {  	[tilespmem:v14+s22+$0x0] =	vst.idx.msk $0xffff, v6  }
0x52: {  	s1 =	sshll.u32 s25, $0x13;
	[tilespmem:v13+s22+$0x0] =	vst.idx.msk $0xffff, v5  }
0x53: {  	s1 =	sor.u32 s6, s1;
	[tilespmem:v8+s22+$0x0] =	vst.idx.msk $0xffff, v3  }
0x54: {  	s1 =	sshrl.u32 s1, $0x3;
	[tilespmem:v10+s22+$0x0] =	vst.idx.msk $0xffff, v4  }
0x55: {  	s5 =	sadd.s32 s2, s1;
	[tilespmem:v1+s22+$0x0] =	vst.idx.msk $0xffff, v2  }
0x56: {  	[hbm4b:s5+s3] =	stream.linear.scatter [tilespmem:s22], [sflag:$0x3], $0x400, $0x38;
	[tilespmem:$0x12400] =	vst v63  }
0x57: {  	s15 =	simm.s32 $0xE800;
	s30 =	sadd.s32 s1, s7  }
0x58: {  	[hbm4b:s30+s3] =	stream.linear.scatter [tilespmem:s15], [sflag:$0x3], $0x400, $0x38;
	[tilespmem:$0x12400] =	vst v63  }
0x59: {  	s16 =	sadd.s32 s1, s8;
	s30 =	simm.s32 $0xEC00  }
0x5a: {  	[hbm4b:s16+s3] =	stream.linear.scatter [tilespmem:s30], [sflag:$0x3], $0x400, $0x38;
	[tilespmem:$0x12400] =	vst v63  }
0x5b: {  	s16 =	sadd.s32 s1, s9;
	s30 =	simm.s32 $0xF000  }
0x5c: {  	[hbm4b:s16+s3] =	stream.linear.scatter [tilespmem:s30], [sflag:$0x3], $0x400, $0x38;
	[tilespmem:$0x12400] =	vst v63  }
0x5d: {  	s16 =	sadd.s32 s1, s10;
	s30 =	simm.s32 $0xF400  }
0x5e: {  	[hbm4b:s16+s3] =	stream.linear.scatter [tilespmem:s30], [sflag:$0x3], $0x400, $0x38;
	[tilespmem:$0x12400] =	vst v63  }
0x5f: {  	s16 =	sadd.s32 s1, s11;
	s30 =	simm.s32 $0xF800  }
0x60: {  	[hbm4b:s16+s3] =	stream.linear.scatter [tilespmem:s30], [sflag:$0x3], $0x400, $0x38;
	[tilespmem:$0x12400] =	vst v63  }
0x61: {  	s16 =	sadd.s32 s1, s12;
	s30 =	simm.s32 $0xFC00  }
0x62: {  	[hbm4b:s16+s3] =	stream.linear.scatter [tilespmem:s30], [sflag:$0x3], $0x400, $0x38;
	[tilespmem:$0x12400] =	vst v63  }
0x63: {  	p0 =	seq.s32 s25, $0x63;
	s1 =	sadd.s32 s1, s13;
	s16 =	simm.s32 $0x10000  }
0x64: {  	[hbm4b:s1+s3] =	stream.linear.scatter [tilespmem:s16], [sflag:$0x3], $0x400, $0x38;
	[tilespmem:$0x12400] =	vst v63  }
0x65: {  	p1 =	seq.s32 @!p0 s25, $0x0;
	s1 =	sshll.u32 @!p0 s25, $0x8;
	_ =	swait.ge [sflag:s31], $0x4000  }
0x66: {  	s5 =	simm.s32 @!p0 $0x80;
	s1 =	sand.u32 @!p0 $0x3FFFFF00, s1;
	[sflag:s31] =	ssyncset.done $0x0  }
0x67: {  	s15 =	simm.s32 @!p0 $0x6400;
	s1 =	sadd.s32 @!p0 $0x100, s1;
	[sflag:s31] =	ssyncadd.s32 $0xFFFFC000  }
0x68: {  	[tilespmem:s15], [sflag:$0x1] =	stream.indirect.gather @!p0 [hbm4b:s4+s5], $0x80, s1, s5, $0xb8;
	[tilespmem:$0x12400] =	vst v63  }
0x69: {  	p0 =	por p0, !p1  }
0x6a: {  	_ =	swait.ge @p0 [sflag:s24], $0x400  }
0x6b: {  	[sflag:s24] =	ssyncset.done @p0 $0x0  }
0x6c: {  	[sflag:s24] =	ssyncadd.s32 @p0 $0xFFFFFC00  }
0x6d: {  	_ =	swait.ge @p0 [sflag:s24], $0x400  }
0x6e: {  	[sflag:s24] =	ssyncset.done @p0 $0x0  }
0x6f: {  	[sflag:s24] =	ssyncadd.s32 @p0 $0xFFFFFC00  }
0x70: {  	_ =	swait.ge @p0 [sflag:s24], $0x400  }
0x71: {  	[sflag:s24] =	ssyncset.done @p0 $0x0  }
0x72: {  	[sflag:s24] =	ssyncadd.s32 @p0 $0xFFFFFC00  }
0x73: {  	_ =	swait.ge @p0 [sflag:s24], $0x400  }
0x74: {  	s28 =	simm.s32 $0x0;
	s29 =	simm.s32 $0x0;
	[sflag:s24] =	ssyncset.done @p0 $0x0  }
0x75: {  	s16 =	sand.u32 $0x70, s29;
	s1 =	sand.u32 $0x8, s28;
	[sflag:s24] =	ssyncadd.s32 @p0 $0xFFFFFC00  }
0x76: {  	v1 =	vadd.s32 s1, v0;
	s30 =	sor.u32 $0x1, s1;
	s15 =	sor.u32 $0x7, s1;
	_ =	swait.ge @p0 [sflag:s24], $0x400  }
0x77: {  	s5 =	sor.u32 $0x4, s1;
	v2 =	vand.u32 $0xF, v1;
	v3 =	vadd.s32 s30, v0;
	s30 =	sor.u32 $0x2, s1;
	v4 =	vadd.s32 s15, v0;
	[sflag:s24] =	ssyncset.done @p0 $0x0  }
0x78: {  	s15 =	sor.u32 $0x3, s1;
	v1 =	vor.u32 s16, v0;
	v7 =	vadd.s32 s5, v0;
	v5 =	vadd.s32 s30, v0;
	[sflag:s24] =	ssyncadd.s32 @p0 $0xFFFFFC00  }
0x79: {  	s16 =	sand.u32 $0x30, s28;
	v4 =	vand.u32 $0xF, v4;
	v9 =	vshll.u32 v1, $0x7;
	v6 =	vadd.s32 s15, v0;
	_ =	swait.ge @p0 [sflag:s24], $0x400  }
0x7a: {  	s30 =	sor.u32 $0x5, s1;
	v3 =	vand.u32 $0xF, v3;
	v7 =	vand.u32 $0xF, v7;
	v19 =	vor.u32 s16, v2;
	[sflag:s24] =	ssyncset.done @p0 $0x0  }
0x7b: {  	s1 =	sor.u32 $0x6, s1;
	v4 =	vor.u32 s16, v4;
	v8 =	vadd.s32 s30, v0;
	v5 =	vand.u32 $0xF, v5;
	[sflag:s24] =	ssyncadd.s32 @p0 $0xFFFFFC00  }
0x7c: {  	v10 =	vadd.s32 s1, v0;
	v6 =	vand.u32 $0xF, v6;
	v3 =	vor.u32 s16, v3;
	_ =	swait.ge @p0 [sflag:s24], $0x400  }
0x7d: {  	v15 =	vor.u32 s16, v7;
	v11 =	vor.u32 v9, v4;
	v8 =	vand.u32 $0xF, v8;
	[sflag:s24] =	ssyncset.done @p0 $0x0  }
0x7e: {  	v12 =	vor.u32 s16, v5;
	v5 =	vand.u32 $0xF, v10;
	v13 =	vor.u32 s16, v6;
	[sflag:s24] =	ssyncadd.s32 @p0 $0xFFFFFC00  }
0x7f: {  	v2 =	vshll.u32 v4, $0x7;
	v10 =	vor.u32 v9, v3;
	v16 =	vshll.u32 v3, $0x7;
	_ =	swait.ge @p0 [sflag:s24], $0x400  }
0x80: {  	v18 =	vor.u32 s16, v8;
	v20 =	vor.u32 s16, v5;
	v7 =	vor.u32 v9, v12;
	[sflag:s24] =	ssyncset.done @p0 $0x0  }
0x81: {  	v8 =	vor.u32 v1, v2;
	v6 =	vor.u32 v9, v13;
	v5 =	vor.u32 v9, v15;
	[sflag:s24] =	ssyncadd.s32 @p0 $0xFFFFFC00  }
0x82: {  	v2 =	vor.u32 v19, v9;
	v4 =	vor.u32 v9, v18;
	v3 =	vor.u32 v9, v20;
	v9 =	vld.idx.msk [tilespmem:v11+s21+$0x0], $0xffff;
	_ =	sdelay $0x2  }
0x83: {  	v17 =	vshll.u32 v12, $0x7;
	v14 =	vshll.u32 v13, $0x7;
	v13 =	vshll.u32 v15, $0x7  }
0x84: {  	v15 =	vshll.u32 v18, $0x7;
	v12 =	vshll.u32 v20, $0x7;
	v11 =	vshll.u32 v19, $0x7  }
.LBB2_5:
0x85: {  	s28 =	sadd.s32 $0x8, s28;
	v10 =	vld.idx.msk [tilespmem:v10+s21+$0x0], $0xffff;
	v16 =	vor.u32 v1, v16;
	v17 =	vor.u32 v1, v17;
	[tilespmem:v8+s0+$0x0] =	vst.idx.msk $0xffff, v9  }
0x86: {  	v8 =	vor.u32 v1, v14;
	v9 =	vor.u32 v1, v13;
	v13 =	vor.u32 v1, v15;
	s1 =	sand.u32 $0x8, s28;
	p0 =	slt.u32 s28, $0x1F8;
	v7 =	vld.idx.msk [tilespmem:v7+s21+$0x0], $0xffff  }
0x87: {  	v11 =	vor.u32 v1, v11;
	v12 =	vor.u32 v1, v12;
	s29 =	sadd.s32 $0x2, s29;
	v14 =	vadd.s32 s1, v0;
	s5 =	sor.u32 $0x1, s1;
	s15 =	sor.u32 $0x7, s1;
	v6 =	vld.idx.msk [tilespmem:v6+s21+$0x0], $0xffff  }
0x88: {  	s16 =	sand.u32 $0x70, s29;
	s30 =	sor.u32 $0x3, s1;
	v14 =	vand.u32 $0xF, v14;
	v15 =	vadd.s32 s5, v0;
	s5 =	sor.u32 $0x2, s1;
	v18 =	vadd.s32 s15, v0;
	v5 =	vld.idx.msk [tilespmem:v5+s21+$0x0], $0xffff  }
0x89: {  	v1 =	vor.u32 s16, v0;
	s16 =	sor.u32 $0x5, s1;
	s15 =	sand.u32 $0x30, s28;
	v19 =	vadd.s32 s5, v0;
	s5 =	sor.u32 $0x4, s1;
	v18 =	vand.u32 $0xF, v18;
	v4 =	vld.idx.msk [tilespmem:v4+s21+$0x0], $0xffff  }
0x8a: {  	v20 =	vshll.u32 v1, $0x7;
	v21 =	vadd.s32 s30, v0;
	s1 =	sor.u32 $0x6, s1;
	v18 =	vor.u32 s15, v18;
	v3 =	vld.idx.msk [tilespmem:v3+s21+$0x0], $0xffff  }
0x8b: {  	v23 =	vadd.s32 s16, v0;
	v22 =	vadd.s32 s5, v0;
	v24 =	vor.u32 v20, v18;
	v25 =	vld.idx.msk [tilespmem:v2+s21+$0x0], $0xffff;
	[tilespmem:v16+s0+$0x0] =	vst.idx.msk $0xffff, v10  }
0x8c: {  	v2 =	vand.u32 $0xF, v15;
	v10 =	vand.u32 $0xF, v19;
	v15 =	vadd.s32 s1, v0;
	[tilespmem:v17+s0+$0x0] =	vst.idx.msk $0xffff, v7  }
0x8d: {  	v16 =	vand.u32 $0xF, v22;
	v7 =	vand.u32 $0xF, v21;
	v17 =	vand.u32 $0xF, v23;
	[tilespmem:v8+s0+$0x0] =	vst.idx.msk $0xffff, v6  }
0x8e: {  	v19 =	vor.u32 s15, v2;
	v21 =	vor.u32 s15, v10;
	v2 =	vand.u32 $0xF, v15;
	[tilespmem:v9+s0+$0x0] =	vst.idx.msk $0xffff, v5  }
0x8f: {  	v22 =	vor.u32 s15, v16;
	v15 =	vor.u32 s15, v7;
	v23 =	vor.u32 s15, v17;
	[tilespmem:v13+s0+$0x0] =	vst.idx.msk $0xffff, v4  }
0x90: {  	v26 =	vor.u32 s15, v14;
	v27 =	vor.u32 s15, v2;
	v2 =	vshll.u32 v18, $0x7;
	v9 =	vld.idx.msk [tilespmem:v24+s21+$0x0], $0xffff;
	[tilespmem:v12+s0+$0x0] =	vst.idx.msk $0xffff, v3  }
.Ltmp1:
0x91: {  	v10 =	vor.u32 v20, v19;
	v7 =	vor.u32 v20, v21;
	v8 =	vor.u32 v1, v2;
	(pc) =	sbr.rel @p0 .LBB2_5-.Ltmp1, $4  }
0x92: {  	v6 =	vor.u32 v20, v15;
	v5 =	vor.u32 v20, v22;
	v4 =	vor.u32 v20, v23  }
0x93: {  	v16 =	vshll.u32 v19, $0x7;
	v2 =	vor.u32 v26, v20;
	v3 =	vor.u32 v20, v27;
	[tilespmem:v11+s0+$0x0] =	vst.idx.msk $0xffff, v25  }
0x94: {  	v17 =	vshll.u32 v21, $0x7;
	v14 =	vshll.u32 v15, $0x7;
	v13 =	vshll.u32 v22, $0x7  }
0x95: {  	v15 =	vshll.u32 v23, $0x7;
	v12 =	vshll.u32 v27, $0x7;
	v11 =	vshll.u32 v26, $0x7  }
0x96: {  	_ =	sdelay $0x3  }
0x97: {  	v10 =	vld.idx.msk [tilespmem:v10+s21+$0x0], $0xffff;
	v16 =	vor.u32 v1, v16  }
0x98: {  	v17 =	vor.u32 v1, v17;
	v7 =	vld.idx.msk [tilespmem:v7+s21+$0x0], $0xffff  }
0x99: {  	v14 =	vor.u32 v1, v14;
	v6 =	vld.idx.msk [tilespmem:v6+s21+$0x0], $0xffff  }
0x9a: {  	v13 =	vor.u32 v1, v13;
	v5 =	vld.idx.msk [tilespmem:v5+s21+$0x0], $0xffff  }
0x9b: {  	[tilespmem:v8+s0+$0x0] =	vst.idx.msk $0xffff, v9;
	v62 =	vor.u32 v1, v15;
	v4 =	vld.idx.msk [tilespmem:v4+s21+$0x0], $0xffff  }
0x9c: {  	v63 =	vor.u32 v1, v12;
	v3 =	vld.idx.msk [tilespmem:v3+s21+$0x0], $0xffff;
	[tilespmem:v16+s0+$0x0] =	vst.idx.msk $0xffff, v10  }
0x9d: {  	v1 =	vor.u32 v1, v11;
	v2 =	vld.idx.msk [tilespmem:v2+s21+$0x0], $0xffff;
	[tilespmem:v17+s0+$0x0] =	vst.idx.msk $0xffff, v7  }
0x9e: {  	[tilespmem:v14+s0+$0x0] =	vst.idx.msk $0xffff, v6  }
0x9f: {  	s1 =	sshll.u32 s26, $0x12;
	[tilespmem:v13+s0+$0x0] =	vst.idx.msk $0xffff, v5  }
0xa0: {  	s1 =	sor.u32 s6, s1;
	[tilespmem:v62+s0+$0x0] =	vst.idx.msk $0xffff, v4  }
0xa1: {  	s1 =	sshrl.u32 s1, $0x3;
	[tilespmem:v63+s0+$0x0] =	vst.idx.msk $0xffff, v3  }
0xa2: {  	s5 =	sadd.s32 s2, s1;
	[tilespmem:v1+s0+$0x0] =	vst.idx.msk $0xffff, v2  }
0xa3: {  	[hbm4b:s5+s3] =	stream.linear.scatter [tilespmem:s0], [sflag:$0x4], $0x400, $0x38;
	[tilespmem:$0x12400] =	vst v63  }
0xa4: {  	s15 =	simm.s32 $0x10800;
	s28 =	sadd.s32 s1, s7  }
0xa5: {  	[hbm4b:s28+s3] =	stream.linear.scatter [tilespmem:s15], [sflag:$0x4], $0x400, $0x38;
	[tilespmem:$0x12400] =	vst v63  }
0xa6: {  	s30 =	simm.s32 $0x10C00;
	s29 =	sadd.s32 s1, s8  }
0xa7: {  	[hbm4b:s29+s3] =	stream.linear.scatter [tilespmem:s30], [sflag:$0x4], $0x400, $0x38;
	[tilespmem:$0x12400] =	vst v63  }
0xa8: {  	s16 =	simm.s32 $0x11000;
	s15 =	sadd.s32 s1, s9  }
0xa9: {  	[hbm4b:s15+s3] =	stream.linear.scatter [tilespmem:s16], [sflag:$0x4], $0x400, $0x38;
	[tilespmem:$0x12400] =	vst v63  }
0xaa: {  	s25 =	sadd.s32 $0x1, s25;
	s26 =	sadd.s32 s1, s10;
	s28 =	simm.s32 $0x11400  }
0xab: {  	[hbm4b:s26+s3] =	stream.linear.scatter [tilespmem:s28], [sflag:$0x4], $0x400, $0x38;
	[tilespmem:$0x12400] =	vst v63  }
0xac: {  	p0 =	sne.s32 s25, $0x64;
	s29 =	sadd.s32 s1, s11  }
0xad: {  	[hbm4b:s29+s3] =	stream.linear.scatter [tilespmem:s14], [sflag:$0x4], $0x400, $0x38;
	[tilespmem:$0x12400] =	vst v63  }
.Ltmp2:
0xae: {  	_ = 	snop;
	(pc) =	sbr.rel @p0 .LBB2_2-.Ltmp2, $4  }
0xaf: {  	s30 =	sadd.s32 s1, s12  }
0xb0: {  	[hbm4b:s30+s3] =	stream.linear.scatter [tilespmem:s17], [sflag:$0x4], $0x400, $0x38;
	[tilespmem:$0x12400] =	vst v63  }
0xb1: {  	s1 =	sadd.s32 s1, s13  }
0xb2: {  	[hbm4b:s1+s3] =	stream.linear.scatter [tilespmem:s23], [sflag:$0x4], $0x400, $0x38;
	[tilespmem:$0x12400] =	vst v63  }
0xb3: {  	s1 =	simm.s32 $0x3  }
0xb4: {  	_ =	swait.ge [sflag:s1], $0x400  }
0xb5: {  	[sflag:s1] =	ssyncset.done $0x0  }
0xb6: {  	[sflag:s1] =	ssyncadd.s32 $0xFFFFFC00  }
0xb7: {  	_ =	swait.ge [sflag:s1], $0x400  }
0xb8: {  	[sflag:s1] =	ssyncset.done $0x0  }
0xb9: {  	[sflag:s1] =	ssyncadd.s32 $0xFFFFFC00  }
0xba: {  	_ =	swait.ge [sflag:s1], $0x400  }
0xbb: {  	[sflag:s1] =	ssyncset.done $0x0  }
0xbc: {  	[sflag:s1] =	ssyncadd.s32 $0xFFFFFC00  }
0xbd: {  	_ =	swait.ge [sflag:s1], $0x400  }
0xbe: {  	[sflag:s1] =	ssyncset.done $0x0  }
0xbf: {  	[sflag:s1] =	ssyncadd.s32 $0xFFFFFC00  }
0xc0: {  	_ =	swait.ge [sflag:s1], $0x400  }
0xc1: {  	[sflag:s1] =	ssyncset.done $0x0  }
0xc2: {  	[sflag:s1] =	ssyncadd.s32 $0xFFFFFC00  }
0xc3: {  	_ =	swait.ge [sflag:s1], $0x400  }
0xc4: {  	[sflag:s1] =	ssyncset.done $0x0  }
0xc5: {  	[sflag:s1] =	ssyncadd.s32 $0xFFFFFC00  }
0xc6: {  	_ =	swait.ge [sflag:s1], $0x400  }
0xc7: {  	[sflag:s1] =	ssyncset.done $0x0  }
0xc8: {  	[sflag:s1] =	ssyncadd.s32 $0xFFFFFC00  }
0xc9: {  	_ =	swait.ge [sflag:s1], $0x400  }
0xca: {  	[sflag:s1] =	ssyncset.done $0x0  }
0xcb: {  	[sflag:s1] =	ssyncadd.s32 $0xFFFFFC00  }
0xcc: {  	_ =	swait.ge [sflag:s24], $0x400  }
0xcd: {  	[sflag:s24] =	ssyncset.done $0x0  }
0xce: {  	[sflag:s24] =	ssyncadd.s32 $0xFFFFFC00  }
0xcf: {  	_ =	swait.ge [sflag:s24], $0x400  }
0xd0: {  	[sflag:s24] =	ssyncset.done $0x0  }
0xd1: {  	[sflag:s24] =	ssyncadd.s32 $0xFFFFFC00  }
0xd2: {  	_ =	swait.ge [sflag:s24], $0x400  }
0xd3: {  	[sflag:s24] =	ssyncset.done $0x0  }
0xd4: {  	[sflag:s24] =	ssyncadd.s32 $0xFFFFFC00  }
0xd5: {  	_ =	swait.ge [sflag:s24], $0x400  }
0xd6: {  	[sflag:s24] =	ssyncset.done $0x0  }
0xd7: {  	[sflag:s24] =	ssyncadd.s32 $0xFFFFFC00  }
0xd8: {  	_ =	swait.ge [sflag:s24], $0x400  }
0xd9: {  	[sflag:s24] =	ssyncset.done $0x0  }
0xda: {  	[sflag:s24] =	ssyncadd.s32 $0xFFFFFC00  }
0xdb: {  	_ =	swait.ge [sflag:s24], $0x400  }
0xdc: {  	[sflag:s24] =	ssyncset.done $0x0  }
0xdd: {  	[sflag:s24] =	ssyncadd.s32 $0xFFFFFC00  }
0xde: {  	_ =	swait.ge [sflag:s24], $0x400  }
0xdf: {  	[sflag:s24] =	ssyncset.done $0x0  }
0xe0: {  	[sflag:s24] =	ssyncadd.s32 $0xFFFFFC00  }
0xe1: {  	_ =	swait.ge [sflag:s24], $0x400  }
0xe2: {  	s5 =	rddreg [dreg:$0x6]  }
0xe3: {  	s30 =	rddreg [dreg:$0x5];
	s5 =	sadd.s32 $0x1, s5  }
0xe4: {  	p0 =	sne.s32 s5, s30  }
.Ltmp3:
0xe5: {  	_ = 	snop;
	(pc) =	sbr.rel @p0 .LBB2_1-.Ltmp3, $3  }
0xe6: {  	_ =	sdelay $0x1  }
0xe7: {  	[sflag:s24] =	ssyncset.done $0x0  }
0xe8: {  	[sflag:s24] =	ssyncadd.s32 $0xFFFFFC00  }
0xe9: {  	_ =	sfence.sel $0x180000  }
0xea: {  	[bflag:$0x0] =	sbarrier.arrive $0xFFFF  }
0xeb: {  	_ =	strace $0x9000004A  }
0xec: {  	s0 =	stileid.u32;
	[bflag:$0x2] =	sbarrier.arrive $0xFFFF  }
0xed: {  	p0 =	sne.s32 s0, $0x0;
	s0 =	rddreg [dreg:$0x3]  }
0xee: {  	s0 =	sadd.s32 @!p0 $0x100000, s0  }
0xef: {  	[sflag:s0] =	ssyncadd.tile.s32 @!p0 $0x1;
	_ =	shalt  }
.Lfunc_end2:
_tile_overlayer_lowered:
.L_overlay_start_2:
0xf0: {  	(tag) =	ssettag $0x2  }
0xf1: {  	s0 =	rddreg [dreg:$0x0];
	s2 =	stileid.u32  }
0xf2: {  	s1 =	rddreg [dreg:$0x1];
	p0 =	sne.s32 s2, $0x0  }
0xf3: {  	s3 =	rddreg [dreg:$0x2];
	[bflag:$0x3] =	sbarrier.arrive $0xFFFF;
	s2 =	simm.s32 @!p0 $0x1C05  }
0xf4: {  	[timem:s3], [sflag:s2] =	dma.local @!p0 [hbm:s0], s1  }
0xf5: {  	s0 =	simm.s32 @!p0 $0x5  }
0xf6: {  	_ =	swait.ge @!p0 [sflag:s0], s1  }
0xf7: {  	s1 =	ssub.s32 @!p0 $0x0, s1;
	[sflag:s0] =	ssyncset.done @!p0 $0x0  }
0xf8: {  	[sflag:s0] =	ssyncadd.s32 @!p0 s1  }
0xf9: {  	[bflag:$0x3] =	sbarrier.arrive $0xFFFF  }
0xfa: {  	_ =	shalt  }

</sc_bundles>
